<compile_context>
chip_gen: v7x
topology: tpu7x:2x2x1
jax: 0.10.2.dev20260603
libtpu: 0.0.44.dev20260713+nightly
codegen_flags: <defaults>
</compile_context>

<pallas_src>
import jax
import jax.numpy as jnp
from jax import lax
from jax.experimental import pallas as pl
from jax.experimental.pallas import tpu as pltpu
from jax.experimental.pallas import tpu_sc as plsc

_A = 8
_B = 16384
_T = 32
_NB = 64
_TABLE = _T * _NB * _NB
_NQ = 4
_QTR = _TABLE // _NQ
_QT = _T // _NQ
_NW = 32
_CHUNK = (_A * _B) // _NW
_LANES = 16


def _tile_q_body(s0_hbm, s1_hbm, w_hbm, out_hbm, tbl0, tbl1, s0, s1, acc,
                 plo0, phi0, plo1, phi1, pt0, pt1, sem0, sem1):
    wid = lax.axis_index("s") * 2 + lax.axis_index("c")
    base = wid * _CHUNK
    act = wid // 4
    bufs = (tbl0, tbl1)
    sems = (sem0, sem1)

    def start(q):
        return pltpu.async_copy(
            w_hbm.at[act, pl.ds(q * _QTR, _QTR)], bufs[q % 2], sems[q % 2])

    copies = {0: start(0), 1: start(1)}
    pltpu.sync_copy(s0_hbm.at[pl.ds(base, _CHUNK)], s0)
    pltpu.sync_copy(s1_hbm.at[pl.ds(base, _CHUNK)], s1)

    inv32 = jnp.float32(1.0 / 32.0)

    def switch_index(wv, th):
        e = th - wv
        tc = 33 - (33.0 - e * 32.0).astype(jnp.int32)
        b1 = jnp.where(wv + (tc - 1).astype(jnp.float32) * inv32 >= th, 1, 0)
        b2 = jnp.where(wv + tc.astype(jnp.float32) * inv32 >= th, 1, 0)
        return tc + 1 - b1 - b2

    for q in range(_NQ):
        tbl = bufs[q % 2]
        copies[q].wait()

        @plsc.parallel_loop(0, _CHUNK // _LANES, unroll=4)
        def chunk_body(i, q=q, tbl=tbl):
            o = i * _LANES
            if q == 0:
                w0 = s0[pl.ds(o, _LANES)] * 64.0
                w1 = s1[pl.ds(o, _LANES)] * 64.0
                i00 = w0.astype(jnp.int32)
                i10 = w1.astype(jnp.int32)
                th0 = i00.astype(jnp.float32) + 1.0
                th1 = i10.astype(jnp.float32) + 1.0
                lo0 = i00 * _NB
                hi0 = jnp.minimum(i00 + 1, _NB - 1) * _NB
                lo1 = i10
                hi1 = jnp.minimum(i10 + 1, _NB - 1)
                t00 = switch_index(w0, th0)
                t01 = switch_index(w1, th1)
                plo0[pl.ds(o, _LANES)] = lo0
                phi0[pl.ds(o, _LANES)] = hi0
                plo1[pl.ds(o, _LANES)] = lo1
                phi1[pl.ds(o, _LANES)] = hi1
                pt0[pl.ds(o, _LANES)] = t00
                pt1[pl.ds(o, _LANES)] = t01
            else:
                lo0 = plo0[pl.ds(o, _LANES)]
                hi0 = phi0[pl.ds(o, _LANES)]
                lo1 = plo1[pl.ds(o, _LANES)]
                hi1 = phi1[pl.ds(o, _LANES)]
                t00 = pt0[pl.ds(o, _LANES)]
                t01 = pt1[pl.ds(o, _LANES)]
            a0 = jnp.zeros((_LANES,), jnp.float32)
            a1 = jnp.zeros((_LANES,), jnp.float32)
            for tl in range(_QT):
                tg = q * _QT + tl
                if tg == 0:
                    flat = lo0 + lo1
                else:
                    i0s = jnp.where(t00 <= tg, hi0, lo0)
                    i1 = jnp.where(t01 <= tg, hi1, lo1)
                    flat = i0s + i1
                g = plsc.load_gather(
                    tbl.at[pl.ds(tl * (_NB * _NB), _NB * _NB)], [flat])
                if tl % 2 == 0:
                    a0 = a0 + g
                else:
                    a1 = a1 + g
            a = a0 + a1
            if q == 0:
                acc[pl.ds(o, _LANES)] = a
            else:
                plsc.addupdate(acc.at[pl.ds(o, _LANES)], a)

        if q + 2 < _NQ:
            copies[q + 2] = start(q + 2)

    pltpu.sync_copy(acc, out_hbm.at[pl.ds(base, _CHUNK)])


def kernel(state, weights):
    mesh = plsc.VectorSubcoreMesh(core_axis_name="c", subcore_axis_name="s")
    run = pl.kernel(
        _tile_q_body,
        out_type=jax.ShapeDtypeStruct((_A * _B,), jnp.float32),
        mesh=mesh,
        compiler_params=pltpu.CompilerParams(needs_layout_passes=False),
        scratch_types=[
            pltpu.VMEM((_QTR,), jnp.float32),
            pltpu.VMEM((_QTR,), jnp.float32),
            pltpu.VMEM((_CHUNK,), jnp.float32),
            pltpu.VMEM((_CHUNK,), jnp.float32),
            pltpu.VMEM((_CHUNK,), jnp.float32),
            pltpu.VMEM((_CHUNK,), jnp.int32),
            pltpu.VMEM((_CHUNK,), jnp.int32),
            pltpu.VMEM((_CHUNK,), jnp.int32),
            pltpu.VMEM((_CHUNK,), jnp.int32),
            pltpu.VMEM((_CHUNK,), jnp.int32),
            pltpu.VMEM((_CHUNK,), jnp.int32),
            pltpu.SemaphoreType.DMA,
            pltpu.SemaphoreType.DMA,
        ],
    )
    s0 = state[:, :, 0].reshape(-1)
    s1 = state[:, :, 1].reshape(-1)
    return run(s0, s1, weights)

# --- scband reference (transcript-rebuilt; emitter-appended) ---
"""Pipeline reference for scband-qtile-coding-1511828488617 (READ-ONLY COPY).

The authoritative reference and input builder live on the scoring server;
editing this copy changes nothing except your own understanding.
"""

import jax, jax.numpy as jnp
import numpy as np

NUM_ACTIONS = 8
NUM_BINS = 64
NUM_TILINGS = 32
BATCH = 16384
LIMITS = np.array([[0.0, 1.0], [0.0, 1.0]], dtype=np.float32)


def setup_inputs(seed: int = 0) -> dict:
    key = jax.random.key(seed)
    k1, k2 = jax.random.split(key)
    # state values drawn uniformly inside the tile-coding limits [0, 1)
    state = jax.random.uniform(k1, (NUM_ACTIONS, BATCH, 2), dtype=jnp.float32)
    # one weight table per action: num_tilings * num_bins^2 entries each
    weights = jax.random.normal(k2, (NUM_ACTIONS, NUM_TILINGS * NUM_BINS * NUM_BINS), dtype=jnp.float32) * 0.01
    return {"state": state, "weights": weights}


def _tile_q(s, w):
    # s: (B, 2) continuous state, w: (T*nb*nb,) weight table for one action
    low = jnp.asarray(LIMITS[:, 0])
    high = jnp.asarray(LIMITS[:, 1])
    tile_width = (high - low) / NUM_BINS  # (2,)
    # each tiling is shifted by i/T of a tile width in every dimension
    offsets = (jnp.arange(NUM_TILINGS, dtype=jnp.float32)[:, None] / NUM_TILINGS) * tile_width[None, :]  # (T, 2)
    scaled = (s[None, :, :] - low[None, None, :] + offsets[:, None, :]) / tile_width[None, None, :]  # (T, B, 2)
    idx = jnp.clip(jnp.floor(scaled).astype(jnp.int32), 0, NUM_BINS - 1)  # (T, B, 2)
    flat = (jnp.arange(NUM_TILINGS, dtype=jnp.int32)[:, None] * (NUM_BINS * NUM_BINS)
            + idx[..., 0] * NUM_BINS + idx[..., 1])  # (T, B)
    vals = jnp.take(w, flat, axis=0)  # gather -> (T, B)
    return vals.sum(axis=0)  # (B,)


def reference(state, weights):
    # QTileCoding.forward: for each action a, evaluate its FastTileCoding on
    # state[a][:, :2], then torch.cat along dim 0.
    qs = jax.vmap(lambda s, w: _tile_q(s[:, :2], w))(state, weights)  # (A, B)
    return qs.reshape(-1)  # cat along dim 0 -> (A*B,)

if __name__ == "__main__":
    import jax
    _d = setup_inputs()
    print(jax.jit(kernel)(*tuple(_d.values())))

</pallas_src>

<mosaic_0001>
#map = affine_map<(d0, d1) -> (0)>
#map1 = affine_map<(d0, d1) -> (0, 0)>
module attributes {stable_mosaic.version = 14 : i64} {
  func.func @_tile_q_body(%arg0: i32, %arg1: i32, %arg2: memref<131072xf32, #tpu.memory_space<hbm>>, %arg3: memref<131072xf32, #tpu.memory_space<hbm>>, %arg4: memref<8x131072xf32, #tpu.memory_space<hbm>>, %arg5: memref<131072xf32, #tpu.memory_space<hbm>>, %arg6: memref<32768xf32, #tpu.memory_space<vmem>>, %arg7: memref<32768xf32, #tpu.memory_space<vmem>>, %arg8: memref<4096xf32, #tpu.memory_space<vmem>>, %arg9: memref<4096xf32, #tpu.memory_space<vmem>>, %arg10: memref<4096xf32, #tpu.memory_space<vmem>>, %arg11: memref<4096xi32, #tpu.memory_space<vmem>>, %arg12: memref<4096xi32, #tpu.memory_space<vmem>>, %arg13: memref<4096xi32, #tpu.memory_space<vmem>>, %arg14: memref<4096xi32, #tpu.memory_space<vmem>>, %arg15: memref<4096xi32, #tpu.memory_space<vmem>>, %arg16: memref<4096xi32, #tpu.memory_space<vmem>>, %arg17: memref<!tpu.dma_semaphore, #tpu.memory_space<semaphore_mem>>, %arg18: memref<!tpu.dma_semaphore, #tpu.memory_space<semaphore_mem>>) attributes {dimension_semantics = [#tpu.dimension_semantics<core_parallel>, #tpu.dimension_semantics<subcore_parallel>], iteration_bounds = array<i64: 2, 16>, scalar_prefetch = 0 : i64, scratch_operands = 13 : i64, tpu.core_type = #tpu.core_type<sc_vector_subcore>, window_params = [{transform_indices = #map}, {transform_indices = #map}, {transform_indices = #map1}, {transform_indices = #map}]} {
    %mul3A = arith.constant 2 : i32
    %mul3A_0 = arith.muli %arg1, %mul3A : i32
    %add3A = arith.addi %mul3A_0, %arg0 : i32
    %mul3A_1 = arith.constant 4096 : i32
    %mul3A_2 = arith.muli %add3A, %mul3A_1 : i32
    %jit3A = arith.constant 4 : i32
    %div3A = arith.divsi %add3A, %jit3A : i32
    %sign3A = arith.constant 0 : i32
    %sign3A_3 = arith.cmpi sgt, %add3A, %sign3A : i32
    %sign3A_4 = arith.extui %sign3A_3 : i1 to i32
    %sign3A_5 = arith.constant 0 : i32
    %sign3A_6 = arith.cmpi slt, %add3A, %sign3A_5 : i32
    %sign3A_7 = arith.extui %sign3A_6 : i1 to i32
    %sign3A_8 = arith.subi %sign3A_4, %sign3A_7 : i32
    %sign3A_9 = arith.constant 0 : i32
    %sign3A_10 = arith.cmpi sgt, %jit3A, %sign3A_9 : i32
    %sign3A_11 = arith.extui %sign3A_10 : i1 to i32
    %sign3A_12 = arith.constant 0 : i32
    %sign3A_13 = arith.cmpi slt, %jit3A, %sign3A_12 : i32
    %sign3A_14 = arith.extui %sign3A_13 : i1 to i32
    %sign3A_15 = arith.subi %sign3A_11, %sign3A_14 : i32
    %ne3A = arith.cmpi ne, %sign3A_8, %sign3A_15 : i32
    %rem3A = arith.remsi %add3A, %jit3A : i32
    %ne3A_16 = arith.constant 0 : i32
    %ne3A_17 = arith.cmpi ne, %rem3A, %ne3A_16 : i32
    %and3A = arith.andi %ne3A, %ne3A_17 : i1
    %sub3A = arith.constant 1 : i32
    %sub3A_18 = arith.subi %div3A, %sub3A : i32
    %select_n3A = arith.select %and3A, %sub3A_18, %div3A : i32
    %dma_start3A = arith.constant 0 : i32
    %dma_start3A_19 = tpu.memref_slice %arg4[%select_n3A, %dma_start3A] : memref<8x131072xf32, #tpu.memory_space<hbm>> -> memref<1x32768xf32, #tpu.memory_space<hbm>>
    %dma_start3A_20 = tpu.memref_squeeze %dma_start3A_19 : memref<1x32768xf32, #tpu.memory_space<hbm>> -> memref<32768xf32, #tpu.memory_space<hbm>>
    %dma_start3A_21 = arith.constant 0 : i32
    %dma_start3A_22 = tpu.memref_slice %arg4[%select_n3A, %dma_start3A_21] : memref<8x131072xf32, #tpu.memory_space<hbm>> -> memref<1x32768xf32, #tpu.memory_space<hbm>>
    %dma_start3A_23 = tpu.memref_squeeze %dma_start3A_22 : memref<1x32768xf32, #tpu.memory_space<hbm>> -> memref<32768xf32, #tpu.memory_space<hbm>>
    tpu.enqueue_dma source(%dma_start3A_23 : memref<32768xf32, #tpu.memory_space<hbm>>) target(%arg6 : memref<32768xf32, #tpu.memory_space<vmem>>) target_semaphore(%arg17 : memref<!tpu.dma_semaphore, #tpu.memory_space<semaphore_mem>>)
    %dma_start3A_24 = arith.constant 32768 : i32
    %dma_start3A_25 = tpu.memref_slice %arg4[%select_n3A, %dma_start3A_24] : memref<8x131072xf32, #tpu.memory_space<hbm>> -> memref<1x32768xf32, #tpu.memory_space<hbm>>
    %dma_start3A_26 = tpu.memref_squeeze %dma_start3A_25 : memref<1x32768xf32, #tpu.memory_space<hbm>> -> memref<32768xf32, #tpu.memory_space<hbm>>
    %dma_start3A_27 = arith.constant 32768 : i32
    %dma_start3A_28 = tpu.memref_slice %arg4[%select_n3A, %dma_start3A_27] : memref<8x131072xf32, #tpu.memory_space<hbm>> -> memref<1x32768xf32, #tpu.memory_space<hbm>>
    %dma_start3A_29 = tpu.memref_squeeze %dma_start3A_28 : memref<1x32768xf32, #tpu.memory_space<hbm>> -> memref<32768xf32, #tpu.memory_space<hbm>>
    tpu.enqueue_dma source(%dma_start3A_29 : memref<32768xf32, #tpu.memory_space<hbm>>) target(%arg7 : memref<32768xf32, #tpu.memory_space<vmem>>) target_semaphore(%arg18 : memref<!tpu.dma_semaphore, #tpu.memory_space<semaphore_mem>>)
    "tpu.region"() ({
      %run_scoped3A = tpu.sem_alloc : memref<!tpu.dma_semaphore, #tpu.memory_space<semaphore_mem>>
      %dma_start3A_77 = tpu.memref_slice %arg2[%mul3A_2] : memref<131072xf32, #tpu.memory_space<hbm>> -> memref<4096xf32, #tpu.memory_space<hbm>>
      %dma_start3A_78 = tpu.memref_slice %arg2[%mul3A_2] : memref<131072xf32, #tpu.memory_space<hbm>> -> memref<4096xf32, #tpu.memory_space<hbm>>
      tpu.enqueue_dma source(%dma_start3A_78 : memref<4096xf32, #tpu.memory_space<hbm>>) target(%arg8 : memref<4096xf32, #tpu.memory_space<vmem>>) target_semaphore(%run_scoped3A : memref<!tpu.dma_semaphore, #tpu.memory_space<semaphore_mem>>)
      %dma_wait3A_79 = tpu.memref_slice %arg2[%mul3A_2] : memref<131072xf32, #tpu.memory_space<hbm>> -> memref<4096xf32, #tpu.memory_space<hbm>>
      %dma_wait3A_80 = tpu.memref_slice %arg2[%mul3A_2] : memref<131072xf32, #tpu.memory_space<hbm>> -> memref<4096xf32, #tpu.memory_space<hbm>>
      tpu.wait_dma2 semaphore(%run_scoped3A : memref<!tpu.dma_semaphore, #tpu.memory_space<semaphore_mem>>) src(%dma_wait3A_80 : memref<4096xf32, #tpu.memory_space<hbm>>) dst(%arg8 : memref<4096xf32, #tpu.memory_space<vmem>>)
      tpu.yield
    }) : () -> ()
    "tpu.region"() ({
      %run_scoped3A = tpu.sem_alloc : memref<!tpu.dma_semaphore, #tpu.memory_space<semaphore_mem>>
      %dma_start3A_77 = tpu.memref_slice %arg3[%mul3A_2] : memref<131072xf32, #tpu.memory_space<hbm>> -> memref<4096xf32, #tpu.memory_space<hbm>>
      %dma_start3A_78 = tpu.memref_slice %arg3[%mul3A_2] : memref<131072xf32, #tpu.memory_space<hbm>> -> memref<4096xf32, #tpu.memory_space<hbm>>
      tpu.enqueue_dma source(%dma_start3A_78 : memref<4096xf32, #tpu.memory_space<hbm>>) target(%arg9 : memref<4096xf32, #tpu.memory_space<vmem>>) target_semaphore(%run_scoped3A : memref<!tpu.dma_semaphore, #tpu.memory_space<semaphore_mem>>)
      %dma_wait3A_79 = tpu.memref_slice %arg3[%mul3A_2] : memref<131072xf32, #tpu.memory_space<hbm>> -> memref<4096xf32, #tpu.memory_space<hbm>>
      %dma_wait3A_80 = tpu.memref_slice %arg3[%mul3A_2] : memref<131072xf32, #tpu.memory_space<hbm>> -> memref<4096xf32, #tpu.memory_space<hbm>>
      tpu.wait_dma2 semaphore(%run_scoped3A : memref<!tpu.dma_semaphore, #tpu.memory_space<semaphore_mem>>) src(%dma_wait3A_80 : memref<4096xf32, #tpu.memory_space<hbm>>) dst(%arg9 : memref<4096xf32, #tpu.memory_space<vmem>>)
      tpu.yield
    }) : () -> ()
    %dma_wait3A = arith.constant 0 : i32
    %dma_wait3A_30 = tpu.memref_slice %arg4[%select_n3A, %dma_wait3A] : memref<8x131072xf32, #tpu.memory_space<hbm>> -> memref<1x32768xf32, #tpu.memory_space<hbm>>
    %dma_wait3A_31 = tpu.memref_squeeze %dma_wait3A_30 : memref<1x32768xf32, #tpu.memory_space<hbm>> -> memref<32768xf32, #tpu.memory_space<hbm>>
    %dma_wait3A_32 = arith.constant 0 : i32
    %dma_wait3A_33 = tpu.memref_slice %arg4[%select_n3A, %dma_wait3A_32] : memref<8x131072xf32, #tpu.memory_space<hbm>> -> memref<1x32768xf32, #tpu.memory_space<hbm>>
    %dma_wait3A_34 = tpu.memref_squeeze %dma_wait3A_33 : memref<1x32768xf32, #tpu.memory_space<hbm>> -> memref<32768xf32, #tpu.memory_space<hbm>>
    tpu.wait_dma2 semaphore(%arg17 : memref<!tpu.dma_semaphore, #tpu.memory_space<semaphore_mem>>) src(%dma_wait3A_34 : memref<32768xf32, #tpu.memory_space<hbm>>) dst(%arg6 : memref<32768xf32, #tpu.memory_space<vmem>>)
    %parallel_loop3A = arith.constant 0 : i32
    %parallel_loop3A_35 = arith.constant 256 : i32
    %parallel_loop3A_36 = arith.constant 1 : i32
    %parallel_loop3A_37 = arith.constant 3.125000e-02 : f32
    scf.for %parallel_loop3A_77 = %parallel_loop3A to %parallel_loop3A_35 step %parallel_loop3A_36  : i32 {
      %parallel_loop3A_78 = arith.constant 16 : i32
      %parallel_loop3A_79 = arith.muli %parallel_loop3A_77, %parallel_loop3A_78 : i32
      %parallel_loop3A_80 = arith.index_cast %parallel_loop3A_79 : i32 to index
      %parallel_loop3A_81 = tpu.vector_load %arg8[%parallel_loop3A_80] {strides = array<i32>} : memref<4096xf32, #tpu.memory_space<vmem>>, vector<16xf32>,
      %parallel_loop3A_82 = arith.constant 6.400000e+01 : f32
      %parallel_loop3A_83 = vector.broadcast %parallel_loop3A_82 : f32 to vector<16xf32>
      %parallel_loop3A_84 = arith.mulf %parallel_loop3A_81, %parallel_loop3A_83 : vector<16xf32>
      %parallel_loop3A_85 = arith.index_cast %parallel_loop3A_79 : i32 to index
      %parallel_loop3A_86 = tpu.vector_load %arg9[%parallel_loop3A_85] {strides = array<i32>} : memref<4096xf32, #tpu.memory_space<vmem>>, vector<16xf32>,
      %parallel_loop3A_87 = arith.constant 6.400000e+01 : f32
      %parallel_loop3A_88 = vector.broadcast %parallel_loop3A_87 : f32 to vector<16xf32>
      %parallel_loop3A_89 = arith.mulf %parallel_loop3A_86, %parallel_loop3A_88 : vector<16xf32>
      %parallel_loop3A_90 = arith.fptosi %parallel_loop3A_84 : vector<16xf32> to vector<16xi32>
      %parallel_loop3A_91 = arith.fptosi %parallel_loop3A_89 : vector<16xf32> to vector<16xi32>
      %parallel_loop3A_92 = arith.sitofp %parallel_loop3A_90 : vector<16xi32> to vector<16xf32>
      %parallel_loop3A_93 = arith.constant 1.000000e+00 : f32
      %parallel_loop3A_94 = vector.broadcast %parallel_loop3A_93 : f32 to vector<16xf32>
      %parallel_loop3A_95 = arith.addf %parallel_loop3A_92, %parallel_loop3A_94 : vector<16xf32>
      %parallel_loop3A_96 = arith.sitofp %parallel_loop3A_91 : vector<16xi32> to vector<16xf32>
      %parallel_loop3A_97 = arith.constant 1.000000e+00 : f32
      %parallel_loop3A_98 = vector.broadcast %parallel_loop3A_97 : f32 to vector<16xf32>
      %parallel_loop3A_99 = arith.addf %parallel_loop3A_96, %parallel_loop3A_98 : vector<16xf32>
      %parallel_loop3A_100 = arith.constant 64 : i32
      %parallel_loop3A_101 = vector.broadcast %parallel_loop3A_100 : i32 to vector<16xi32>
      %parallel_loop3A_102 = arith.muli %parallel_loop3A_90, %parallel_loop3A_101 : vector<16xi32>
      %parallel_loop3A_103 = arith.constant 1 : i32
      %parallel_loop3A_104 = vector.broadcast %parallel_loop3A_103 : i32 to vector<16xi32>
      %parallel_loop3A_105 = arith.addi %parallel_loop3A_90, %parallel_loop3A_104 : vector<16xi32>
      %parallel_loop3A_106 = arith.constant 63 : i32
      %parallel_loop3A_107 = vector.broadcast %parallel_loop3A_106 : i32 to vector<16xi32>
      %parallel_loop3A_108 = arith.minsi %parallel_loop3A_105, %parallel_loop3A_107 : vector<16xi32>
      %parallel_loop3A_109 = arith.constant 64 : i32
      %parallel_loop3A_110 = vector.broadcast %parallel_loop3A_109 : i32 to vector<16xi32>
      %parallel_loop3A_111 = arith.muli %parallel_loop3A_108, %parallel_loop3A_110 : vector<16xi32>
      %parallel_loop3A_112 = arith.constant 1 : i32
      %parallel_loop3A_113 = vector.broadcast %parallel_loop3A_112 : i32 to vector<16xi32>
      %parallel_loop3A_114 = arith.addi %parallel_loop3A_91, %parallel_loop3A_113 : vector<16xi32>
      %parallel_loop3A_115 = arith.constant 63 : i32
      %parallel_loop3A_116 = vector.broadcast %parallel_loop3A_115 : i32 to vector<16xi32>
      %parallel_loop3A_117 = arith.minsi %parallel_loop3A_114, %parallel_loop3A_116 : vector<16xi32>
      %parallel_loop3A_118 = arith.subf %parallel_loop3A_95, %parallel_loop3A_84 : vector<16xf32>
      %parallel_loop3A_119 = arith.constant 3.200000e+01 : f32
      %parallel_loop3A_120 = vector.broadcast %parallel_loop3A_119 : f32 to vector<16xf32>
      %parallel_loop3A_121 = arith.mulf %parallel_loop3A_118, %parallel_loop3A_120 : vector<16xf32>
      %parallel_loop3A_122 = arith.constant 3.300000e+01 : f32
      %parallel_loop3A_123 = vector.broadcast %parallel_loop3A_122 : f32 to vector<16xf32>
      %parallel_loop3A_124 = arith.subf %parallel_loop3A_123, %parallel_loop3A_121 : vector<16xf32>
      %parallel_loop3A_125 = arith.fptosi %parallel_loop3A_124 : vector<16xf32> to vector<16xi32>
      %parallel_loop3A_126 = arith.constant 33 : i32
      %parallel_loop3A_127 = vector.broadcast %parallel_loop3A_126 : i32 to vector<16xi32>
      %parallel_loop3A_128 = arith.subi %parallel_loop3A_127, %parallel_loop3A_125 : vector<16xi32>
      %parallel_loop3A_129 = arith.constant 1 : i32
      %parallel_loop3A_130 = vector.broadcast %parallel_loop3A_129 : i32 to vector<16xi32>
      %parallel_loop3A_131 = arith.subi %parallel_loop3A_128, %parallel_loop3A_130 : vector<16xi32>
      %parallel_loop3A_132 = arith.sitofp %parallel_loop3A_131 : vector<16xi32> to vector<16xf32>
      %parallel_loop3A_133 = vector.broadcast %parallel_loop3A_37 : f32 to vector<16xf32>
      %parallel_loop3A_134 = arith.mulf %parallel_loop3A_132, %parallel_loop3A_133 : vector<16xf32>
      %parallel_loop3A_135 = arith.addf %parallel_loop3A_84, %parallel_loop3A_134 : vector<16xf32>
      %parallel_loop3A_136 = arith.cmpf oge, %parallel_loop3A_135, %parallel_loop3A_95 : vector<16xf32>
      %parallel_loop3A_137 = arith.constant 1 : i32
      %parallel_loop3A_138 = arith.constant 0 : i32
      %parallel_loop3A_139 = vector.broadcast %parallel_loop3A_137 : i32 to vector<16xi32>
      %parallel_loop3A_140 = vector.broadcast %parallel_loop3A_138 : i32 to vector<16xi32>
      %parallel_loop3A_141 = arith.select %parallel_loop3A_136, %parallel_loop3A_139, %parallel_loop3A_140 : vector<16xi1>, vector<16xi32>
      %parallel_loop3A_142 = arith.sitofp %parallel_loop3A_128 : vector<16xi32> to vector<16xf32>
      %parallel_loop3A_143 = vector.broadcast %parallel_loop3A_37 : f32 to vector<16xf32>
      %parallel_loop3A_144 = arith.mulf %parallel_loop3A_142, %parallel_loop3A_143 : vector<16xf32>
      %parallel_loop3A_145 = arith.addf %parallel_loop3A_84, %parallel_loop3A_144 : vector<16xf32>
      %parallel_loop3A_146 = arith.cmpf oge, %parallel_loop3A_145, %parallel_loop3A_95 : vector<16xf32>
      %parallel_loop3A_147 = arith.constant 1 : i32
      %parallel_loop3A_148 = arith.constant 0 : i32
      %parallel_loop3A_149 = vector.broadcast %parallel_loop3A_147 : i32 to vector<16xi32>
      %parallel_loop3A_150 = vector.broadcast %parallel_loop3A_148 : i32 to vector<16xi32>
      %parallel_loop3A_151 = arith.select %parallel_loop3A_146, %parallel_loop3A_149, %parallel_loop3A_150 : vector<16xi1>, vector<16xi32>
      %parallel_loop3A_152 = arith.constant 1 : i32
      %parallel_loop3A_153 = vector.broadcast %parallel_loop3A_152 : i32 to vector<16xi32>
      %parallel_loop3A_154 = arith.addi %parallel_loop3A_128, %parallel_loop3A_153 : vector<16xi32>
      %parallel_loop3A_155 = arith.subi %parallel_loop3A_154, %parallel_loop3A_141 : vector<16xi32>
      %parallel_loop3A_156 = arith.subi %parallel_loop3A_155, %parallel_loop3A_151 : vector<16xi32>
      %parallel_loop3A_157 = arith.subf %parallel_loop3A_99, %parallel_loop3A_89 : vector<16xf32>
      %parallel_loop3A_158 = arith.constant 3.200000e+01 : f32
      %parallel_loop3A_159 = vector.broadcast %parallel_loop3A_158 : f32 to vector<16xf32>
      %parallel_loop3A_160 = arith.mulf %parallel_loop3A_157, %parallel_loop3A_159 : vector<16xf32>
      %parallel_loop3A_161 = arith.constant 3.300000e+01 : f32
      %parallel_loop3A_162 = vector.broadcast %parallel_loop3A_161 : f32 to vector<16xf32>
      %parallel_loop3A_163 = arith.subf %parallel_loop3A_162, %parallel_loop3A_160 : vector<16xf32>
      %parallel_loop3A_164 = arith.fptosi %parallel_loop3A_163 : vector<16xf32> to vector<16xi32>
      %parallel_loop3A_165 = arith.constant 33 : i32
      %parallel_loop3A_166 = vector.broadcast %parallel_loop3A_165 : i32 to vector<16xi32>
      %parallel_loop3A_167 = arith.subi %parallel_loop3A_166, %parallel_loop3A_164 : vector<16xi32>
      %parallel_loop3A_168 = arith.constant 1 : i32
      %parallel_loop3A_169 = vector.broadcast %parallel_loop3A_168 : i32 to vector<16xi32>
      %parallel_loop3A_170 = arith.subi %parallel_loop3A_167, %parallel_loop3A_169 : vector<16xi32>
      %parallel_loop3A_171 = arith.sitofp %parallel_loop3A_170 : vector<16xi32> to vector<16xf32>
      %parallel_loop3A_172 = vector.broadcast %parallel_loop3A_37 : f32 to vector<16xf32>
      %parallel_loop3A_173 = arith.mulf %parallel_loop3A_171, %parallel_loop3A_172 : vector<16xf32>
      %parallel_loop3A_174 = arith.addf %parallel_loop3A_89, %parallel_loop3A_173 : vector<16xf32>
      %parallel_loop3A_175 = arith.cmpf oge, %parallel_loop3A_174, %parallel_loop3A_99 : vector<16xf32>
      %parallel_loop3A_176 = arith.constant 1 : i32
      %parallel_loop3A_177 = arith.constant 0 : i32
      %parallel_loop3A_178 = vector.broadcast %parallel_loop3A_176 : i32 to vector<16xi32>
      %parallel_loop3A_179 = vector.broadcast %parallel_loop3A_177 : i32 to vector<16xi32>
      %parallel_loop3A_180 = arith.select %parallel_loop3A_175, %parallel_loop3A_178, %parallel_loop3A_179 : vector<16xi1>, vector<16xi32>
      %parallel_loop3A_181 = arith.sitofp %parallel_loop3A_167 : vector<16xi32> to vector<16xf32>
      %parallel_loop3A_182 = vector.broadcast %parallel_loop3A_37 : f32 to vector<16xf32>
      %parallel_loop3A_183 = arith.mulf %parallel_loop3A_181, %parallel_loop3A_182 : vector<16xf32>
      %parallel_loop3A_184 = arith.addf %parallel_loop3A_89, %parallel_loop3A_183 : vector<16xf32>
      %parallel_loop3A_185 = arith.cmpf oge, %parallel_loop3A_184, %parallel_loop3A_99 : vector<16xf32>
      %parallel_loop3A_186 = arith.constant 1 : i32
      %parallel_loop3A_187 = arith.constant 0 : i32
      %parallel_loop3A_188 = vector.broadcast %parallel_loop3A_186 : i32 to vector<16xi32>
      %parallel_loop3A_189 = vector.broadcast %parallel_loop3A_187 : i32 to vector<16xi32>
      %parallel_loop3A_190 = arith.select %parallel_loop3A_185, %parallel_loop3A_188, %parallel_loop3A_189 : vector<16xi1>, vector<16xi32>
      %parallel_loop3A_191 = arith.constant 1 : i32
      %parallel_loop3A_192 = vector.broadcast %parallel_loop3A_191 : i32 to vector<16xi32>
      %parallel_loop3A_193 = arith.addi %parallel_loop3A_167, %parallel_loop3A_192 : vector<16xi32>
      %parallel_loop3A_194 = arith.subi %parallel_loop3A_193, %parallel_loop3A_180 : vector<16xi32>
      %parallel_loop3A_195 = arith.subi %parallel_loop3A_194, %parallel_loop3A_190 : vector<16xi32>
      %parallel_loop3A_196 = arith.index_cast %parallel_loop3A_79 : i32 to index
      %parallel_loop3A_197 = tpu.vector_load %arg11[%parallel_loop3A_196] {strides = array<i32>} : memref<4096xi32, #tpu.memory_space<vmem>>, vector<16xi32>,
      tpu.vector_store %arg11[%parallel_loop3A_196], %parallel_loop3A_102 {strides = array<i32>} : memref<4096xi32, #tpu.memory_space<vmem>>, vector<16xi32>,
      %parallel_loop3A_198 = arith.index_cast %parallel_loop3A_79 : i32 to index
      %parallel_loop3A_199 = tpu.vector_load %arg12[%parallel_loop3A_198] {strides = array<i32>} : memref<4096xi32, #tpu.memory_space<vmem>>, vector<16xi32>,
      tpu.vector_store %arg12[%parallel_loop3A_198], %parallel_loop3A_111 {strides = array<i32>} : memref<4096xi32, #tpu.memory_space<vmem>>, vector<16xi32>,
      %parallel_loop3A_200 = arith.index_cast %parallel_loop3A_79 : i32 to index
      %parallel_loop3A_201 = tpu.vector_load %arg13[%parallel_loop3A_200] {strides = array<i32>} : memref<4096xi32, #tpu.memory_space<vmem>>, vector<16xi32>,
      tpu.vector_store %arg13[%parallel_loop3A_200], %parallel_loop3A_91 {strides = array<i32>} : memref<4096xi32, #tpu.memory_space<vmem>>, vector<16xi32>,
      %parallel_loop3A_202 = arith.index_cast %parallel_loop3A_79 : i32 to index
      %parallel_loop3A_203 = tpu.vector_load %arg14[%parallel_loop3A_202] {strides = array<i32>} : memref<4096xi32, #tpu.memory_space<vmem>>, vector<16xi32>,
      tpu.vector_store %arg14[%parallel_loop3A_202], %parallel_loop3A_117 {strides = array<i32>} : memref<4096xi32, #tpu.memory_space<vmem>>, vector<16xi32>,
      %parallel_loop3A_204 = arith.index_cast %parallel_loop3A_79 : i32 to index
      %parallel_loop3A_205 = tpu.vector_load %arg15[%parallel_loop3A_204] {strides = array<i32>} : memref<4096xi32, #tpu.memory_space<vmem>>, vector<16xi32>,
      tpu.vector_store %arg15[%parallel_loop3A_204], %parallel_loop3A_156 {strides = array<i32>} : memref<4096xi32, #tpu.memory_space<vmem>>, vector<16xi32>,
      %parallel_loop3A_206 = arith.index_cast %parallel_loop3A_79 : i32 to index
      %parallel_loop3A_207 = tpu.vector_load %arg16[%parallel_loop3A_206] {strides = array<i32>} : memref<4096xi32, #tpu.memory_space<vmem>>, vector<16xi32>,
      tpu.vector_store %arg16[%parallel_loop3A_206], %parallel_loop3A_195 {strides = array<i32>} : memref<4096xi32, #tpu.memory_space<vmem>>, vector<16xi32>,
      %parallel_loop3A_208 = arith.constant 0.000000e+00 : f32
      %parallel_loop3A_209 = vector.broadcast %parallel_loop3A_208 : f32 to vector<16xf32>
      %parallel_loop3A_210 = arith.constant 0.000000e+00 : f32
      %parallel_loop3A_211 = vector.broadcast %parallel_loop3A_210 : f32 to vector<16xf32>
      %parallel_loop3A_212 = arith.addi %parallel_loop3A_102, %parallel_loop3A_91 : vector<16xi32>
      %parallel_loop3A_213 = arith.constant 0 : i32
      %parallel_loop3A_214 = tpu.memref_slice %arg6[%parallel_loop3A_213] : memref<32768xf32, #tpu.memory_space<vmem>> -> memref<4096xf32, #tpu.memory_space<vmem>>
      %parallel_loop3A_215 = tpu.vector_load_idx %parallel_loop3A_214[%parallel_loop3A_212] : memref<4096xf32, #tpu.memory_space<vmem>>[vector<16xi32>], vector<16xf32>,
      %parallel_loop3A_216 = arith.addf %parallel_loop3A_209, %parallel_loop3A_215 : vector<16xf32>
      %parallel_loop3A_217 = arith.constant 1 : i32
      %parallel_loop3A_218 = vector.broadcast %parallel_loop3A_217 : i32 to vector<16xi32>
      %parallel_loop3A_219 = arith.cmpi sle, %parallel_loop3A_156, %parallel_loop3A_218 : vector<16xi32>
      %parallel_loop3A_220 = arith.select %parallel_loop3A_219, %parallel_loop3A_111, %parallel_loop3A_102 : vector<16xi1>, vector<16xi32>
      %parallel_loop3A_221 = arith.constant 1 : i32
      %parallel_loop3A_222 = vector.broadcast %parallel_loop3A_221 : i32 to vector<16xi32>
      %parallel_loop3A_223 = arith.cmpi sle, %parallel_loop3A_195, %parallel_loop3A_222 : vector<16xi32>
      %parallel_loop3A_224 = arith.select %parallel_loop3A_223, %parallel_loop3A_117, %parallel_loop3A_91 : vector<16xi1>, vector<16xi32>
      %parallel_loop3A_225 = arith.addi %parallel_loop3A_220, %parallel_loop3A_224 : vector<16xi32>
      %parallel_loop3A_226 = arith.constant 4096 : i32
      %parallel_loop3A_227 = tpu.memref_slice %arg6[%parallel_loop3A_226] : memref<32768xf32, #tpu.memory_space<vmem>> -> memref<4096xf32, #tpu.memory_space<vmem>>
      %parallel_loop3A_228 = tpu.vector_load_idx %parallel_loop3A_227[%parallel_loop3A_225] : memref<4096xf32, #tpu.memory_space<vmem>>[vector<16xi32>], vector<16xf32>,
      %parallel_loop3A_229 = arith.addf %parallel_loop3A_211, %parallel_loop3A_228 : vector<16xf32>
      %parallel_loop3A_230 = arith.constant 2 : i32
      %parallel_loop3A_231 = vector.broadcast %parallel_loop3A_230 : i32 to vector<16xi32>
      %parallel_loop3A_232 = arith.cmpi sle, %parallel_loop3A_156, %parallel_loop3A_231 : vector<16xi32>
      %parallel_loop3A_233 = arith.select %parallel_loop3A_232, %parallel_loop3A_111, %parallel_loop3A_102 : vector<16xi1>, vector<16xi32>
      %parallel_loop3A_234 = arith.constant 2 : i32
      %parallel_loop3A_235 = vector.broadcast %parallel_loop3A_234 : i32 to vector<16xi32>
      %parallel_loop3A_236 = arith.cmpi sle, %parallel_loop3A_195, %parallel_loop3A_235 : vector<16xi32>
      %parallel_loop3A_237 = arith.select %parallel_loop3A_236, %parallel_loop3A_117, %parallel_loop3A_91 : vector<16xi1>, vector<16xi32>
      %parallel_loop3A_238 = arith.addi %parallel_loop3A_233, %parallel_loop3A_237 : vector<16xi32>
      %parallel_loop3A_239 = arith.constant 8192 : i32
      %parallel_loop3A_240 = tpu.memref_slice %arg6[%parallel_loop3A_239] : memref<32768xf32, #tpu.memory_space<vmem>> -> memref<4096xf32, #tpu.memory_space<vmem>>
      %parallel_loop3A_241 = tpu.vector_load_idx %parallel_loop3A_240[%parallel_loop3A_238] : memref<4096xf32, #tpu.memory_space<vmem>>[vector<16xi32>], vector<16xf32>,
      %parallel_loop3A_242 = arith.addf %parallel_loop3A_216, %parallel_loop3A_241 : vector<16xf32>
      %parallel_loop3A_243 = arith.constant 3 : i32
      %parallel_loop3A_244 = vector.broadcast %parallel_loop3A_243 : i32 to vector<16xi32>
      %parallel_loop3A_245 = arith.cmpi sle, %parallel_loop3A_156, %parallel_loop3A_244 : vector<16xi32>
      %parallel_loop3A_246 = arith.select %parallel_loop3A_245, %parallel_loop3A_111, %parallel_loop3A_102 : vector<16xi1>, vector<16xi32>
      %parallel_loop3A_247 = arith.constant 3 : i32
      %parallel_loop3A_248 = vector.broadcast %parallel_loop3A_247 : i32 to vector<16xi32>
      %parallel_loop3A_249 = arith.cmpi sle, %parallel_loop3A_195, %parallel_loop3A_248 : vector<16xi32>
      %parallel_loop3A_250 = arith.select %parallel_loop3A_249, %parallel_loop3A_117, %parallel_loop3A_91 : vector<16xi1>, vector<16xi32>
      %parallel_loop3A_251 = arith.addi %parallel_loop3A_246, %parallel_loop3A_250 : vector<16xi32>
      %parallel_loop3A_252 = arith.constant 12288 : i32
      %parallel_loop3A_253 = tpu.memref_slice %arg6[%parallel_loop3A_252] : memref<32768xf32, #tpu.memory_space<vmem>> -> memref<4096xf32, #tpu.memory_space<vmem>>
      %parallel_loop3A_254 = tpu.vector_load_idx %parallel_loop3A_253[%parallel_loop3A_251] : memref<4096xf32, #tpu.memory_space<vmem>>[vector<16xi32>], vector<16xf32>,
      %parallel_loop3A_255 = arith.addf %parallel_loop3A_229, %parallel_loop3A_254 : vector<16xf32>
      %parallel_loop3A_256 = arith.constant 4 : i32
      %parallel_loop3A_257 = vector.broadcast %parallel_loop3A_256 : i32 to vector<16xi32>
      %parallel_loop3A_258 = arith.cmpi sle, %parallel_loop3A_156, %parallel_loop3A_257 : vector<16xi32>
      %parallel_loop3A_259 = arith.select %parallel_loop3A_258, %parallel_loop3A_111, %parallel_loop3A_102 : vector<16xi1>, vector<16xi32>
      %parallel_loop3A_260 = arith.constant 4 : i32
      %parallel_loop3A_261 = vector.broadcast %parallel_loop3A_260 : i32 to vector<16xi32>
      %parallel_loop3A_262 = arith.cmpi sle, %parallel_loop3A_195, %parallel_loop3A_261 : vector<16xi32>
      %parallel_loop3A_263 = arith.select %parallel_loop3A_262, %parallel_loop3A_117, %parallel_loop3A_91 : vector<16xi1>, vector<16xi32>
      %parallel_loop3A_264 = arith.addi %parallel_loop3A_259, %parallel_loop3A_263 : vector<16xi32>
      %parallel_loop3A_265 = arith.constant 16384 : i32
      %parallel_loop3A_266 = tpu.memref_slice %arg6[%parallel_loop3A_265] : memref<32768xf32, #tpu.memory_space<vmem>> -> memref<4096xf32, #tpu.memory_space<vmem>>
      %parallel_loop3A_267 = tpu.vector_load_idx %parallel_loop3A_266[%parallel_loop3A_264] : memref<4096xf32, #tpu.memory_space<vmem>>[vector<16xi32>], vector<16xf32>,
      %parallel_loop3A_268 = arith.addf %parallel_loop3A_242, %parallel_loop3A_267 : vector<16xf32>
      %parallel_loop3A_269 = arith.constant 5 : i32
      %parallel_loop3A_270 = vector.broadcast %parallel_loop3A_269 : i32 to vector<16xi32>
      %parallel_loop3A_271 = arith.cmpi sle, %parallel_loop3A_156, %parallel_loop3A_270 : vector<16xi32>
      %parallel_loop3A_272 = arith.select %parallel_loop3A_271, %parallel_loop3A_111, %parallel_loop3A_102 : vector<16xi1>, vector<16xi32>
      %parallel_loop3A_273 = arith.constant 5 : i32
      %parallel_loop3A_274 = vector.broadcast %parallel_loop3A_273 : i32 to vector<16xi32>
      %parallel_loop3A_275 = arith.cmpi sle, %parallel_loop3A_195, %parallel_loop3A_274 : vector<16xi32>
      %parallel_loop3A_276 = arith.select %parallel_loop3A_275, %parallel_loop3A_117, %parallel_loop3A_91 : vector<16xi1>, vector<16xi32>
      %parallel_loop3A_277 = arith.addi %parallel_loop3A_272, %parallel_loop3A_276 : vector<16xi32>
      %parallel_loop3A_278 = arith.constant 20480 : i32
      %parallel_loop3A_279 = tpu.memref_slice %arg6[%parallel_loop3A_278] : memref<32768xf32, #tpu.memory_space<vmem>> -> memref<4096xf32, #tpu.memory_space<vmem>>
      %parallel_loop3A_280 = tpu.vector_load_idx %parallel_loop3A_279[%parallel_loop3A_277] : memref<4096xf32, #tpu.memory_space<vmem>>[vector<16xi32>], vector<16xf32>,
      %parallel_loop3A_281 = arith.addf %parallel_loop3A_255, %parallel_loop3A_280 : vector<16xf32>
      %parallel_loop3A_282 = arith.constant 6 : i32
      %parallel_loop3A_283 = vector.broadcast %parallel_loop3A_282 : i32 to vector<16xi32>
      %parallel_loop3A_284 = arith.cmpi sle, %parallel_loop3A_156, %parallel_loop3A_283 : vector<16xi32>
      %parallel_loop3A_285 = arith.select %parallel_loop3A_284, %parallel_loop3A_111, %parallel_loop3A_102 : vector<16xi1>, vector<16xi32>
      %parallel_loop3A_286 = arith.constant 6 : i32
      %parallel_loop3A_287 = vector.broadcast %parallel_loop3A_286 : i32 to vector<16xi32>
      %parallel_loop3A_288 = arith.cmpi sle, %parallel_loop3A_195, %parallel_loop3A_287 : vector<16xi32>
      %parallel_loop3A_289 = arith.select %parallel_loop3A_288, %parallel_loop3A_117, %parallel_loop3A_91 : vector<16xi1>, vector<16xi32>
      %parallel_loop3A_290 = arith.addi %parallel_loop3A_285, %parallel_loop3A_289 : vector<16xi32>
      %parallel_loop3A_291 = arith.constant 24576 : i32
      %parallel_loop3A_292 = tpu.memref_slice %arg6[%parallel_loop3A_291] : memref<32768xf32, #tpu.memory_space<vmem>> -> memref<4096xf32, #tpu.memory_space<vmem>>
      %parallel_loop3A_293 = tpu.vector_load_idx %parallel_loop3A_292[%parallel_loop3A_290] : memref<4096xf32, #tpu.memory_space<vmem>>[vector<16xi32>], vector<16xf32>,
      %parallel_loop3A_294 = arith.addf %parallel_loop3A_268, %parallel_loop3A_293 : vector<16xf32>
      %parallel_loop3A_295 = arith.constant 7 : i32
      %parallel_loop3A_296 = vector.broadcast %parallel_loop3A_295 : i32 to vector<16xi32>
      %parallel_loop3A_297 = arith.cmpi sle, %parallel_loop3A_156, %parallel_loop3A_296 : vector<16xi32>
      %parallel_loop3A_298 = arith.select %parallel_loop3A_297, %parallel_loop3A_111, %parallel_loop3A_102 : vector<16xi1>, vector<16xi32>
      %parallel_loop3A_299 = arith.constant 7 : i32
      %parallel_loop3A_300 = vector.broadcast %parallel_loop3A_299 : i32 to vector<16xi32>
      %parallel_loop3A_301 = arith.cmpi sle, %parallel_loop3A_195, %parallel_loop3A_300 : vector<16xi32>
      %parallel_loop3A_302 = arith.select %parallel_loop3A_301, %parallel_loop3A_117, %parallel_loop3A_91 : vector<16xi1>, vector<16xi32>
      %parallel_loop3A_303 = arith.addi %parallel_loop3A_298, %parallel_loop3A_302 : vector<16xi32>
      %parallel_loop3A_304 = arith.constant 28672 : i32
      %parallel_loop3A_305 = tpu.memref_slice %arg6[%parallel_loop3A_304] : memref<32768xf32, #tpu.memory_space<vmem>> -> memref<4096xf32, #tpu.memory_space<vmem>>
      %parallel_loop3A_306 = tpu.vector_load_idx %parallel_loop3A_305[%parallel_loop3A_303] : memref<4096xf32, #tpu.memory_space<vmem>>[vector<16xi32>], vector<16xf32>,
      %parallel_loop3A_307 = arith.addf %parallel_loop3A_281, %parallel_loop3A_306 : vector<16xf32>
      %parallel_loop3A_308 = arith.addf %parallel_loop3A_294, %parallel_loop3A_307 : vector<16xf32>
      %parallel_loop3A_309 = arith.index_cast %parallel_loop3A_79 : i32 to index
      %parallel_loop3A_310 = tpu.vector_load %arg10[%parallel_loop3A_309] {strides = array<i32>} : memref<4096xf32, #tpu.memory_space<vmem>>, vector<16xf32>,
      tpu.vector_store %arg10[%parallel_loop3A_309], %parallel_loop3A_308 {strides = array<i32>} : memref<4096xf32, #tpu.memory_space<vmem>>, vector<16xf32>,
    } {sc.loop_unroll_factor = 4 : i64, sc.parallel_access}
    %dma_start3A_38 = arith.constant 65536 : i32
    %dma_start3A_39 = tpu.memref_slice %arg4[%select_n3A, %dma_start3A_38] : memref<8x131072xf32, #tpu.memory_space<hbm>> -> memref<1x32768xf32, #tpu.memory_space<hbm>>
    %dma_start3A_40 = tpu.memref_squeeze %dma_start3A_39 : memref<1x32768xf32, #tpu.memory_space<hbm>> -> memref<32768xf32, #tpu.memory_space<hbm>>
    %dma_start3A_41 = arith.constant 65536 : i32
    %dma_start3A_42 = tpu.memref_slice %arg4[%select_n3A, %dma_start3A_41] : memref<8x131072xf32, #tpu.memory_space<hbm>> -> memref<1x32768xf32, #tpu.memory_space<hbm>>
    %dma_start3A_43 = tpu.memref_squeeze %dma_start3A_42 : memref<1x32768xf32, #tpu.memory_space<hbm>> -> memref<32768xf32, #tpu.memory_space<hbm>>
    tpu.enqueue_dma source(%dma_start3A_43 : memref<32768xf32, #tpu.memory_space<hbm>>) target(%arg6 : memref<32768xf32, #tpu.memory_space<vmem>>) target_semaphore(%arg17 : memref<!tpu.dma_semaphore, #tpu.memory_space<semaphore_mem>>)
    %dma_wait3A_44 = arith.constant 32768 : i32
    %dma_wait3A_45 = tpu.memref_slice %arg4[%select_n3A, %dma_wait3A_44] : memref<8x131072xf32, #tpu.memory_space<hbm>> -> memref<1x32768xf32, #tpu.memory_space<hbm>>
    %dma_wait3A_46 = tpu.memref_squeeze %dma_wait3A_45 : memref<1x32768xf32, #tpu.memory_space<hbm>> -> memref<32768xf32, #tpu.memory_space<hbm>>
    %dma_wait3A_47 = arith.constant 32768 : i32
    %dma_wait3A_48 = tpu.memref_slice %arg4[%select_n3A, %dma_wait3A_47] : memref<8x131072xf32, #tpu.memory_space<hbm>> -> memref<1x32768xf32, #tpu.memory_space<hbm>>
    %dma_wait3A_49 = tpu.memref_squeeze %dma_wait3A_48 : memref<1x32768xf32, #tpu.memory_space<hbm>> -> memref<32768xf32, #tpu.memory_space<hbm>>
    tpu.wait_dma2 semaphore(%arg18 : memref<!tpu.dma_semaphore, #tpu.memory_space<semaphore_mem>>) src(%dma_wait3A_49 : memref<32768xf32, #tpu.memory_space<hbm>>) dst(%arg7 : memref<32768xf32, #tpu.memory_space<vmem>>)
    %parallel_loop3A_50 = arith.constant 0 : i32
    %parallel_loop3A_51 = arith.constant 256 : i32
    %parallel_loop3A_52 = arith.constant 1 : i32
    scf.for %parallel_loop3A_77 = %parallel_loop3A_50 to %parallel_loop3A_51 step %parallel_loop3A_52  : i32 {
      %parallel_loop3A_78 = arith.constant 16 : i32
      %parallel_loop3A_79 = arith.muli %parallel_loop3A_77, %parallel_loop3A_78 : i32
      %parallel_loop3A_80 = arith.index_cast %parallel_loop3A_79 : i32 to index
      %parallel_loop3A_81 = tpu.vector_load %arg11[%parallel_loop3A_80] {strides = array<i32>} : memref<4096xi32, #tpu.memory_space<vmem>>, vector<16xi32>,
      %parallel_loop3A_82 = arith.index_cast %parallel_loop3A_79 : i32 to index
      %parallel_loop3A_83 = tpu.vector_load %arg12[%parallel_loop3A_82] {strides = array<i32>} : memref<4096xi32, #tpu.memory_space<vmem>>, vector<16xi32>,
      %parallel_loop3A_84 = arith.index_cast %parallel_loop3A_79 : i32 to index
      %parallel_loop3A_85 = tpu.vector_load %arg13[%parallel_loop3A_84] {strides = array<i32>} : memref<4096xi32, #tpu.memory_space<vmem>>, vector<16xi32>,
      %parallel_loop3A_86 = arith.index_cast %parallel_loop3A_79 : i32 to index
      %parallel_loop3A_87 = tpu.vector_load %arg14[%parallel_loop3A_86] {strides = array<i32>} : memref<4096xi32, #tpu.memory_space<vmem>>, vector<16xi32>,
      %parallel_loop3A_88 = arith.index_cast %parallel_loop3A_79 : i32 to index
      %parallel_loop3A_89 = tpu.vector_load %arg15[%parallel_loop3A_88] {strides = array<i32>} : memref<4096xi32, #tpu.memory_space<vmem>>, vector<16xi32>,
      %parallel_loop3A_90 = arith.index_cast %parallel_loop3A_79 : i32 to index
      %parallel_loop3A_91 = tpu.vector_load %arg16[%parallel_loop3A_90] {strides = array<i32>} : memref<4096xi32, #tpu.memory_space<vmem>>, vector<16xi32>,
      %parallel_loop3A_92 = arith.constant 0.000000e+00 : f32
      %parallel_loop3A_93 = vector.broadcast %parallel_loop3A_92 : f32 to vector<16xf32>
      %parallel_loop3A_94 = arith.constant 0.000000e+00 : f32
      %parallel_loop3A_95 = vector.broadcast %parallel_loop3A_94 : f32 to vector<16xf32>
      %parallel_loop3A_96 = arith.constant 8 : i32
      %parallel_loop3A_97 = vector.broadcast %parallel_loop3A_96 : i32 to vector<16xi32>
      %parallel_loop3A_98 = arith.cmpi sle, %parallel_loop3A_89, %parallel_loop3A_97 : vector<16xi32>
      %parallel_loop3A_99 = arith.select %parallel_loop3A_98, %parallel_loop3A_83, %parallel_loop3A_81 : vector<16xi1>, vector<16xi32>
      %parallel_loop3A_100 = arith.constant 8 : i32
      %parallel_loop3A_101 = vector.broadcast %parallel_loop3A_100 : i32 to vector<16xi32>
      %parallel_loop3A_102 = arith.cmpi sle, %parallel_loop3A_91, %parallel_loop3A_101 : vector<16xi32>
      %parallel_loop3A_103 = arith.select %parallel_loop3A_102, %parallel_loop3A_87, %parallel_loop3A_85 : vector<16xi1>, vector<16xi32>
      %parallel_loop3A_104 = arith.addi %parallel_loop3A_99, %parallel_loop3A_103 : vector<16xi32>
      %parallel_loop3A_105 = arith.constant 0 : i32
      %parallel_loop3A_106 = tpu.memref_slice %arg7[%parallel_loop3A_105] : memref<32768xf32, #tpu.memory_space<vmem>> -> memref<4096xf32, #tpu.memory_space<vmem>>
      %parallel_loop3A_107 = tpu.vector_load_idx %parallel_loop3A_106[%parallel_loop3A_104] : memref<4096xf32, #tpu.memory_space<vmem>>[vector<16xi32>], vector<16xf32>,
      %parallel_loop3A_108 = arith.addf %parallel_loop3A_93, %parallel_loop3A_107 : vector<16xf32>
      %parallel_loop3A_109 = arith.constant 9 : i32
      %parallel_loop3A_110 = vector.broadcast %parallel_loop3A_109 : i32 to vector<16xi32>
      %parallel_loop3A_111 = arith.cmpi sle, %parallel_loop3A_89, %parallel_loop3A_110 : vector<16xi32>
      %parallel_loop3A_112 = arith.select %parallel_loop3A_111, %parallel_loop3A_83, %parallel_loop3A_81 : vector<16xi1>, vector<16xi32>
      %parallel_loop3A_113 = arith.constant 9 : i32
      %parallel_loop3A_114 = vector.broadcast %parallel_loop3A_113 : i32 to vector<16xi32>
      %parallel_loop3A_115 = arith.cmpi sle, %parallel_loop3A_91, %parallel_loop3A_114 : vector<16xi32>
      %parallel_loop3A_116 = arith.select %parallel_loop3A_115, %parallel_loop3A_87, %parallel_loop3A_85 : vector<16xi1>, vector<16xi32>
      %parallel_loop3A_117 = arith.addi %parallel_loop3A_112, %parallel_loop3A_116 : vector<16xi32>
      %parallel_loop3A_118 = arith.constant 4096 : i32
      %parallel_loop3A_119 = tpu.memref_slice %arg7[%parallel_loop3A_118] : memref<32768xf32, #tpu.memory_space<vmem>> -> memref<4096xf32, #tpu.memory_space<vmem>>
      %parallel_loop3A_120 = tpu.vector_load_idx %parallel_loop3A_119[%parallel_loop3A_117] : memref<4096xf32, #tpu.memory_space<vmem>>[vector<16xi32>], vector<16xf32>,
      %parallel_loop3A_121 = arith.addf %parallel_loop3A_95, %parallel_loop3A_120 : vector<16xf32>
      %parallel_loop3A_122 = arith.constant 10 : i32
      %parallel_loop3A_123 = vector.broadcast %parallel_loop3A_122 : i32 to vector<16xi32>
      %parallel_loop3A_124 = arith.cmpi sle, %parallel_loop3A_89, %parallel_loop3A_123 : vector<16xi32>
      %parallel_loop3A_125 = arith.select %parallel_loop3A_124, %parallel_loop3A_83, %parallel_loop3A_81 : vector<16xi1>, vector<16xi32>
      %parallel_loop3A_126 = arith.constant 10 : i32
      %parallel_loop3A_127 = vector.broadcast %parallel_loop3A_126 : i32 to vector<16xi32>
      %parallel_loop3A_128 = arith.cmpi sle, %parallel_loop3A_91, %parallel_loop3A_127 : vector<16xi32>
      %parallel_loop3A_129 = arith.select %parallel_loop3A_128, %parallel_loop3A_87, %parallel_loop3A_85 : vector<16xi1>, vector<16xi32>
      %parallel_loop3A_130 = arith.addi %parallel_loop3A_125, %parallel_loop3A_129 : vector<16xi32>
      %parallel_loop3A_131 = arith.constant 8192 : i32
      %parallel_loop3A_132 = tpu.memref_slice %arg7[%parallel_loop3A_131] : memref<32768xf32, #tpu.memory_space<vmem>> -> memref<4096xf32, #tpu.memory_space<vmem>>
      %parallel_loop3A_133 = tpu.vector_load_idx %parallel_loop3A_132[%parallel_loop3A_130] : memref<4096xf32, #tpu.memory_space<vmem>>[vector<16xi32>], vector<16xf32>,
      %parallel_loop3A_134 = arith.addf %parallel_loop3A_108, %parallel_loop3A_133 : vector<16xf32>
      %parallel_loop3A_135 = arith.constant 11 : i32
      %parallel_loop3A_136 = vector.broadcast %parallel_loop3A_135 : i32 to vector<16xi32>
      %parallel_loop3A_137 = arith.cmpi sle, %parallel_loop3A_89, %parallel_loop3A_136 : vector<16xi32>
      %parallel_loop3A_138 = arith.select %parallel_loop3A_137, %parallel_loop3A_83, %parallel_loop3A_81 : vector<16xi1>, vector<16xi32>
      %parallel_loop3A_139 = arith.constant 11 : i32
      %parallel_loop3A_140 = vector.broadcast %parallel_loop3A_139 : i32 to vector<16xi32>
      %parallel_loop3A_141 = arith.cmpi sle, %parallel_loop3A_91, %parallel_loop3A_140 : vector<16xi32>
      %parallel_loop3A_142 = arith.select %parallel_loop3A_141, %parallel_loop3A_87, %parallel_loop3A_85 : vector<16xi1>, vector<16xi32>
      %parallel_loop3A_143 = arith.addi %parallel_loop3A_138, %parallel_loop3A_142 : vector<16xi32>
      %parallel_loop3A_144 = arith.constant 12288 : i32
      %parallel_loop3A_145 = tpu.memref_slice %arg7[%parallel_loop3A_144] : memref<32768xf32, #tpu.memory_space<vmem>> -> memref<4096xf32, #tpu.memory_space<vmem>>
      %parallel_loop3A_146 = tpu.vector_load_idx %parallel_loop3A_145[%parallel_loop3A_143] : memref<4096xf32, #tpu.memory_space<vmem>>[vector<16xi32>], vector<16xf32>,
      %parallel_loop3A_147 = arith.addf %parallel_loop3A_121, %parallel_loop3A_146 : vector<16xf32>
      %parallel_loop3A_148 = arith.constant 12 : i32
      %parallel_loop3A_149 = vector.broadcast %parallel_loop3A_148 : i32 to vector<16xi32>
      %parallel_loop3A_150 = arith.cmpi sle, %parallel_loop3A_89, %parallel_loop3A_149 : vector<16xi32>
      %parallel_loop3A_151 = arith.select %parallel_loop3A_150, %parallel_loop3A_83, %parallel_loop3A_81 : vector<16xi1>, vector<16xi32>
      %parallel_loop3A_152 = arith.constant 12 : i32
      %parallel_loop3A_153 = vector.broadcast %parallel_loop3A_152 : i32 to vector<16xi32>
      %parallel_loop3A_154 = arith.cmpi sle, %parallel_loop3A_91, %parallel_loop3A_153 : vector<16xi32>
      %parallel_loop3A_155 = arith.select %parallel_loop3A_154, %parallel_loop3A_87, %parallel_loop3A_85 : vector<16xi1>, vector<16xi32>
      %parallel_loop3A_156 = arith.addi %parallel_loop3A_151, %parallel_loop3A_155 : vector<16xi32>
      %parallel_loop3A_157 = arith.constant 16384 : i32
      %parallel_loop3A_158 = tpu.memref_slice %arg7[%parallel_loop3A_157] : memref<32768xf32, #tpu.memory_space<vmem>> -> memref<4096xf32, #tpu.memory_space<vmem>>
      %parallel_loop3A_159 = tpu.vector_load_idx %parallel_loop3A_158[%parallel_loop3A_156] : memref<4096xf32, #tpu.memory_space<vmem>>[vector<16xi32>], vector<16xf32>,
      %parallel_loop3A_160 = arith.addf %parallel_loop3A_134, %parallel_loop3A_159 : vector<16xf32>
      %parallel_loop3A_161 = arith.constant 13 : i32
      %parallel_loop3A_162 = vector.broadcast %parallel_loop3A_161 : i32 to vector<16xi32>
      %parallel_loop3A_163 = arith.cmpi sle, %parallel_loop3A_89, %parallel_loop3A_162 : vector<16xi32>
      %parallel_loop3A_164 = arith.select %parallel_loop3A_163, %parallel_loop3A_83, %parallel_loop3A_81 : vector<16xi1>, vector<16xi32>
      %parallel_loop3A_165 = arith.constant 13 : i32
      %parallel_loop3A_166 = vector.broadcast %parallel_loop3A_165 : i32 to vector<16xi32>
      %parallel_loop3A_167 = arith.cmpi sle, %parallel_loop3A_91, %parallel_loop3A_166 : vector<16xi32>
      %parallel_loop3A_168 = arith.select %parallel_loop3A_167, %parallel_loop3A_87, %parallel_loop3A_85 : vector<16xi1>, vector<16xi32>
      %parallel_loop3A_169 = arith.addi %parallel_loop3A_164, %parallel_loop3A_168 : vector<16xi32>
      %parallel_loop3A_170 = arith.constant 20480 : i32
      %parallel_loop3A_171 = tpu.memref_slice %arg7[%parallel_loop3A_170] : memref<32768xf32, #tpu.memory_space<vmem>> -> memref<4096xf32, #tpu.memory_space<vmem>>
      %parallel_loop3A_172 = tpu.vector_load_idx %parallel_loop3A_171[%parallel_loop3A_169] : memref<4096xf32, #tpu.memory_space<vmem>>[vector<16xi32>], vector<16xf32>,
      %parallel_loop3A_173 = arith.addf %parallel_loop3A_147, %parallel_loop3A_172 : vector<16xf32>
      %parallel_loop3A_174 = arith.constant 14 : i32
      %parallel_loop3A_175 = vector.broadcast %parallel_loop3A_174 : i32 to vector<16xi32>
      %parallel_loop3A_176 = arith.cmpi sle, %parallel_loop3A_89, %parallel_loop3A_175 : vector<16xi32>
      %parallel_loop3A_177 = arith.select %parallel_loop3A_176, %parallel_loop3A_83, %parallel_loop3A_81 : vector<16xi1>, vector<16xi32>
      %parallel_loop3A_178 = arith.constant 14 : i32
      %parallel_loop3A_179 = vector.broadcast %parallel_loop3A_178 : i32 to vector<16xi32>
      %parallel_loop3A_180 = arith.cmpi sle, %parallel_loop3A_91, %parallel_loop3A_179 : vector<16xi32>
      %parallel_loop3A_181 = arith.select %parallel_loop3A_180, %parallel_loop3A_87, %parallel_loop3A_85 : vector<16xi1>, vector<16xi32>
      %parallel_loop3A_182 = arith.addi %parallel_loop3A_177, %parallel_loop3A_181 : vector<16xi32>
      %parallel_loop3A_183 = arith.constant 24576 : i32
      %parallel_loop3A_184 = tpu.memref_slice %arg7[%parallel_loop3A_183] : memref<32768xf32, #tpu.memory_space<vmem>> -> memref<4096xf32, #tpu.memory_space<vmem>>
      %parallel_loop3A_185 = tpu.vector_load_idx %parallel_loop3A_184[%parallel_loop3A_182] : memref<4096xf32, #tpu.memory_space<vmem>>[vector<16xi32>], vector<16xf32>,
      %parallel_loop3A_186 = arith.addf %parallel_loop3A_160, %parallel_loop3A_185 : vector<16xf32>
      %parallel_loop3A_187 = arith.constant 15 : i32
      %parallel_loop3A_188 = vector.broadcast %parallel_loop3A_187 : i32 to vector<16xi32>
      %parallel_loop3A_189 = arith.cmpi sle, %parallel_loop3A_89, %parallel_loop3A_188 : vector<16xi32>
      %parallel_loop3A_190 = arith.select %parallel_loop3A_189, %parallel_loop3A_83, %parallel_loop3A_81 : vector<16xi1>, vector<16xi32>
      %parallel_loop3A_191 = arith.constant 15 : i32
      %parallel_loop3A_192 = vector.broadcast %parallel_loop3A_191 : i32 to vector<16xi32>
      %parallel_loop3A_193 = arith.cmpi sle, %parallel_loop3A_91, %parallel_loop3A_192 : vector<16xi32>
      %parallel_loop3A_194 = arith.select %parallel_loop3A_193, %parallel_loop3A_87, %parallel_loop3A_85 : vector<16xi1>, vector<16xi32>
      %parallel_loop3A_195 = arith.addi %parallel_loop3A_190, %parallel_loop3A_194 : vector<16xi32>
      %parallel_loop3A_196 = arith.constant 28672 : i32
      %parallel_loop3A_197 = tpu.memref_slice %arg7[%parallel_loop3A_196] : memref<32768xf32, #tpu.memory_space<vmem>> -> memref<4096xf32, #tpu.memory_space<vmem>>
      %parallel_loop3A_198 = tpu.vector_load_idx %parallel_loop3A_197[%parallel_loop3A_195] : memref<4096xf32, #tpu.memory_space<vmem>>[vector<16xi32>], vector<16xf32>,
      %parallel_loop3A_199 = arith.addf %parallel_loop3A_173, %parallel_loop3A_198 : vector<16xf32>
      %parallel_loop3A_200 = arith.addf %parallel_loop3A_186, %parallel_loop3A_199 : vector<16xf32>
      %parallel_loop3A_201 = arith.index_cast %parallel_loop3A_79 : i32 to index
      %parallel_loop3A_202 = tpu.vector_load %arg10[%parallel_loop3A_201] {strides = array<i32>} : memref<4096xf32, #tpu.memory_space<vmem>>, vector<16xf32>,
      tpu.vector_store %arg10[%parallel_loop3A_201], %parallel_loop3A_200 {add = true, strides = array<i32>} : memref<4096xf32, #tpu.memory_space<vmem>>, vector<16xf32>,
    } {sc.loop_unroll_factor = 4 : i64, sc.parallel_access}
    %dma_start3A_53 = arith.constant 98304 : i32
    %dma_start3A_54 = tpu.memref_slice %arg4[%select_n3A, %dma_start3A_53] : memref<8x131072xf32, #tpu.memory_space<hbm>> -> memref<1x32768xf32, #tpu.memory_space<hbm>>
    %dma_start3A_55 = tpu.memref_squeeze %dma_start3A_54 : memref<1x32768xf32, #tpu.memory_space<hbm>> -> memref<32768xf32, #tpu.memory_space<hbm>>
    %dma_start3A_56 = arith.constant 98304 : i32
    %dma_start3A_57 = tpu.memref_slice %arg4[%select_n3A, %dma_start3A_56] : memref<8x131072xf32, #tpu.memory_space<hbm>> -> memref<1x32768xf32, #tpu.memory_space<hbm>>
    %dma_start3A_58 = tpu.memref_squeeze %dma_start3A_57 : memref<1x32768xf32, #tpu.memory_space<hbm>> -> memref<32768xf32, #tpu.memory_space<hbm>>
    tpu.enqueue_dma source(%dma_start3A_58 : memref<32768xf32, #tpu.memory_space<hbm>>) target(%arg7 : memref<32768xf32, #tpu.memory_space<vmem>>) target_semaphore(%arg18 : memref<!tpu.dma_semaphore, #tpu.memory_space<semaphore_mem>>)
    %dma_wait3A_59 = arith.constant 65536 : i32
    %dma_wait3A_60 = tpu.memref_slice %arg4[%select_n3A, %dma_wait3A_59] : memref<8x131072xf32, #tpu.memory_space<hbm>> -> memref<1x32768xf32, #tpu.memory_space<hbm>>
    %dma_wait3A_61 = tpu.memref_squeeze %dma_wait3A_60 : memref<1x32768xf32, #tpu.memory_space<hbm>> -> memref<32768xf32, #tpu.memory_space<hbm>>
    %dma_wait3A_62 = arith.constant 65536 : i32
    %dma_wait3A_63 = tpu.memref_slice %arg4[%select_n3A, %dma_wait3A_62] : memref<8x131072xf32, #tpu.memory_space<hbm>> -> memref<1x32768xf32, #tpu.memory_space<hbm>>
    %dma_wait3A_64 = tpu.memref_squeeze %dma_wait3A_63 : memref<1x32768xf32, #tpu.memory_space<hbm>> -> memref<32768xf32, #tpu.memory_space<hbm>>
    tpu.wait_dma2 semaphore(%arg17 : memref<!tpu.dma_semaphore, #tpu.memory_space<semaphore_mem>>) src(%dma_wait3A_64 : memref<32768xf32, #tpu.memory_space<hbm>>) dst(%arg6 : memref<32768xf32, #tpu.memory_space<vmem>>)
    %parallel_loop3A_65 = arith.constant 0 : i32
    %parallel_loop3A_66 = arith.constant 256 : i32
    %parallel_loop3A_67 = arith.constant 1 : i32
    scf.for %parallel_loop3A_77 = %parallel_loop3A_65 to %parallel_loop3A_66 step %parallel_loop3A_67  : i32 {
      %parallel_loop3A_78 = arith.constant 16 : i32
      %parallel_loop3A_79 = arith.muli %parallel_loop3A_77, %parallel_loop3A_78 : i32
      %parallel_loop3A_80 = arith.index_cast %parallel_loop3A_79 : i32 to index
      %parallel_loop3A_81 = tpu.vector_load %arg11[%parallel_loop3A_80] {strides = array<i32>} : memref<4096xi32, #tpu.memory_space<vmem>>, vector<16xi32>,
      %parallel_loop3A_82 = arith.index_cast %parallel_loop3A_79 : i32 to index
      %parallel_loop3A_83 = tpu.vector_load %arg12[%parallel_loop3A_82] {strides = array<i32>} : memref<4096xi32, #tpu.memory_space<vmem>>, vector<16xi32>,
      %parallel_loop3A_84 = arith.index_cast %parallel_loop3A_79 : i32 to index
      %parallel_loop3A_85 = tpu.vector_load %arg13[%parallel_loop3A_84] {strides = array<i32>} : memref<4096xi32, #tpu.memory_space<vmem>>, vector<16xi32>,
      %parallel_loop3A_86 = arith.index_cast %parallel_loop3A_79 : i32 to index
      %parallel_loop3A_87 = tpu.vector_load %arg14[%parallel_loop3A_86] {strides = array<i32>} : memref<4096xi32, #tpu.memory_space<vmem>>, vector<16xi32>,
      %parallel_loop3A_88 = arith.index_cast %parallel_loop3A_79 : i32 to index
      %parallel_loop3A_89 = tpu.vector_load %arg15[%parallel_loop3A_88] {strides = array<i32>} : memref<4096xi32, #tpu.memory_space<vmem>>, vector<16xi32>,
      %parallel_loop3A_90 = arith.index_cast %parallel_loop3A_79 : i32 to index
      %parallel_loop3A_91 = tpu.vector_load %arg16[%parallel_loop3A_90] {strides = array<i32>} : memref<4096xi32, #tpu.memory_space<vmem>>, vector<16xi32>,
      %parallel_loop3A_92 = arith.constant 0.000000e+00 : f32
      %parallel_loop3A_93 = vector.broadcast %parallel_loop3A_92 : f32 to vector<16xf32>
      %parallel_loop3A_94 = arith.constant 0.000000e+00 : f32
      %parallel_loop3A_95 = vector.broadcast %parallel_loop3A_94 : f32 to vector<16xf32>
      %parallel_loop3A_96 = arith.constant 16 : i32
      %parallel_loop3A_97 = vector.broadcast %parallel_loop3A_96 : i32 to vector<16xi32>
      %parallel_loop3A_98 = arith.cmpi sle, %parallel_loop3A_89, %parallel_loop3A_97 : vector<16xi32>
      %parallel_loop3A_99 = arith.select %parallel_loop3A_98, %parallel_loop3A_83, %parallel_loop3A_81 : vector<16xi1>, vector<16xi32>
      %parallel_loop3A_100 = arith.constant 16 : i32
      %parallel_loop3A_101 = vector.broadcast %parallel_loop3A_100 : i32 to vector<16xi32>
      %parallel_loop3A_102 = arith.cmpi sle, %parallel_loop3A_91, %parallel_loop3A_101 : vector<16xi32>
      %parallel_loop3A_103 = arith.select %parallel_loop3A_102, %parallel_loop3A_87, %parallel_loop3A_85 : vector<16xi1>, vector<16xi32>
      %parallel_loop3A_104 = arith.addi %parallel_loop3A_99, %parallel_loop3A_103 : vector<16xi32>
      %parallel_loop3A_105 = arith.constant 0 : i32
      %parallel_loop3A_106 = tpu.memref_slice %arg6[%parallel_loop3A_105] : memref<32768xf32, #tpu.memory_space<vmem>> -> memref<4096xf32, #tpu.memory_space<vmem>>
      %parallel_loop3A_107 = tpu.vector_load_idx %parallel_loop3A_106[%parallel_loop3A_104] : memref<4096xf32, #tpu.memory_space<vmem>>[vector<16xi32>], vector<16xf32>,
      %parallel_loop3A_108 = arith.addf %parallel_loop3A_93, %parallel_loop3A_107 : vector<16xf32>
      %parallel_loop3A_109 = arith.constant 17 : i32
      %parallel_loop3A_110 = vector.broadcast %parallel_loop3A_109 : i32 to vector<16xi32>
      %parallel_loop3A_111 = arith.cmpi sle, %parallel_loop3A_89, %parallel_loop3A_110 : vector<16xi32>
      %parallel_loop3A_112 = arith.select %parallel_loop3A_111, %parallel_loop3A_83, %parallel_loop3A_81 : vector<16xi1>, vector<16xi32>
      %parallel_loop3A_113 = arith.constant 17 : i32
      %parallel_loop3A_114 = vector.broadcast %parallel_loop3A_113 : i32 to vector<16xi32>
      %parallel_loop3A_115 = arith.cmpi sle, %parallel_loop3A_91, %parallel_loop3A_114 : vector<16xi32>
      %parallel_loop3A_116 = arith.select %parallel_loop3A_115, %parallel_loop3A_87, %parallel_loop3A_85 : vector<16xi1>, vector<16xi32>
      %parallel_loop3A_117 = arith.addi %parallel_loop3A_112, %parallel_loop3A_116 : vector<16xi32>
      %parallel_loop3A_118 = arith.constant 4096 : i32
      %parallel_loop3A_119 = tpu.memref_slice %arg6[%parallel_loop3A_118] : memref<32768xf32, #tpu.memory_space<vmem>> -> memref<4096xf32, #tpu.memory_space<vmem>>
      %parallel_loop3A_120 = tpu.vector_load_idx %parallel_loop3A_119[%parallel_loop3A_117] : memref<4096xf32, #tpu.memory_space<vmem>>[vector<16xi32>], vector<16xf32>,
      %parallel_loop3A_121 = arith.addf %parallel_loop3A_95, %parallel_loop3A_120 : vector<16xf32>
      %parallel_loop3A_122 = arith.constant 18 : i32
      %parallel_loop3A_123 = vector.broadcast %parallel_loop3A_122 : i32 to vector<16xi32>
      %parallel_loop3A_124 = arith.cmpi sle, %parallel_loop3A_89, %parallel_loop3A_123 : vector<16xi32>
      %parallel_loop3A_125 = arith.select %parallel_loop3A_124, %parallel_loop3A_83, %parallel_loop3A_81 : vector<16xi1>, vector<16xi32>
      %parallel_loop3A_126 = arith.constant 18 : i32
      %parallel_loop3A_127 = vector.broadcast %parallel_loop3A_126 : i32 to vector<16xi32>
      %parallel_loop3A_128 = arith.cmpi sle, %parallel_loop3A_91, %parallel_loop3A_127 : vector<16xi32>
      %parallel_loop3A_129 = arith.select %parallel_loop3A_128, %parallel_loop3A_87, %parallel_loop3A_85 : vector<16xi1>, vector<16xi32>
      %parallel_loop3A_130 = arith.addi %parallel_loop3A_125, %parallel_loop3A_129 : vector<16xi32>
      %parallel_loop3A_131 = arith.constant 8192 : i32
      %parallel_loop3A_132 = tpu.memref_slice %arg6[%parallel_loop3A_131] : memref<32768xf32, #tpu.memory_space<vmem>> -> memref<4096xf32, #tpu.memory_space<vmem>>
      %parallel_loop3A_133 = tpu.vector_load_idx %parallel_loop3A_132[%parallel_loop3A_130] : memref<4096xf32, #tpu.memory_space<vmem>>[vector<16xi32>], vector<16xf32>,
      %parallel_loop3A_134 = arith.addf %parallel_loop3A_108, %parallel_loop3A_133 : vector<16xf32>
      %parallel_loop3A_135 = arith.constant 19 : i32
      %parallel_loop3A_136 = vector.broadcast %parallel_loop3A_135 : i32 to vector<16xi32>
      %parallel_loop3A_137 = arith.cmpi sle, %parallel_loop3A_89, %parallel_loop3A_136 : vector<16xi32>
      %parallel_loop3A_138 = arith.select %parallel_loop3A_137, %parallel_loop3A_83, %parallel_loop3A_81 : vector<16xi1>, vector<16xi32>
      %parallel_loop3A_139 = arith.constant 19 : i32
      %parallel_loop3A_140 = vector.broadcast %parallel_loop3A_139 : i32 to vector<16xi32>
      %parallel_loop3A_141 = arith.cmpi sle, %parallel_loop3A_91, %parallel_loop3A_140 : vector<16xi32>
      %parallel_loop3A_142 = arith.select %parallel_loop3A_141, %parallel_loop3A_87, %parallel_loop3A_85 : vector<16xi1>, vector<16xi32>
      %parallel_loop3A_143 = arith.addi %parallel_loop3A_138, %parallel_loop3A_142 : vector<16xi32>
      %parallel_loop3A_144 = arith.constant 12288 : i32
      %parallel_loop3A_145 = tpu.memref_slice %arg6[%parallel_loop3A_144] : memref<32768xf32, #tpu.memory_space<vmem>> -> memref<4096xf32, #tpu.memory_space<vmem>>
      %parallel_loop3A_146 = tpu.vector_load_idx %parallel_loop3A_145[%parallel_loop3A_143] : memref<4096xf32, #tpu.memory_space<vmem>>[vector<16xi32>], vector<16xf32>,
      %parallel_loop3A_147 = arith.addf %parallel_loop3A_121, %parallel_loop3A_146 : vector<16xf32>
      %parallel_loop3A_148 = arith.constant 20 : i32
      %parallel_loop3A_149 = vector.broadcast %parallel_loop3A_148 : i32 to vector<16xi32>
      %parallel_loop3A_150 = arith.cmpi sle, %parallel_loop3A_89, %parallel_loop3A_149 : vector<16xi32>
      %parallel_loop3A_151 = arith.select %parallel_loop3A_150, %parallel_loop3A_83, %parallel_loop3A_81 : vector<16xi1>, vector<16xi32>
      %parallel_loop3A_152 = arith.constant 20 : i32
      %parallel_loop3A_153 = vector.broadcast %parallel_loop3A_152 : i32 to vector<16xi32>
      %parallel_loop3A_154 = arith.cmpi sle, %parallel_loop3A_91, %parallel_loop3A_153 : vector<16xi32>
      %parallel_loop3A_155 = arith.select %parallel_loop3A_154, %parallel_loop3A_87, %parallel_loop3A_85 : vector<16xi1>, vector<16xi32>
      %parallel_loop3A_156 = arith.addi %parallel_loop3A_151, %parallel_loop3A_155 : vector<16xi32>
      %parallel_loop3A_157 = arith.constant 16384 : i32
      %parallel_loop3A_158 = tpu.memref_slice %arg6[%parallel_loop3A_157] : memref<32768xf32, #tpu.memory_space<vmem>> -> memref<4096xf32, #tpu.memory_space<vmem>>
      %parallel_loop3A_159 = tpu.vector_load_idx %parallel_loop3A_158[%parallel_loop3A_156] : memref<4096xf32, #tpu.memory_space<vmem>>[vector<16xi32>], vector<16xf32>,
      %parallel_loop3A_160 = arith.addf %parallel_loop3A_134, %parallel_loop3A_159 : vector<16xf32>
      %parallel_loop3A_161 = arith.constant 21 : i32
      %parallel_loop3A_162 = vector.broadcast %parallel_loop3A_161 : i32 to vector<16xi32>
      %parallel_loop3A_163 = arith.cmpi sle, %parallel_loop3A_89, %parallel_loop3A_162 : vector<16xi32>
      %parallel_loop3A_164 = arith.select %parallel_loop3A_163, %parallel_loop3A_83, %parallel_loop3A_81 : vector<16xi1>, vector<16xi32>
      %parallel_loop3A_165 = arith.constant 21 : i32
      %parallel_loop3A_166 = vector.broadcast %parallel_loop3A_165 : i32 to vector<16xi32>
      %parallel_loop3A_167 = arith.cmpi sle, %parallel_loop3A_91, %parallel_loop3A_166 : vector<16xi32>
      %parallel_loop3A_168 = arith.select %parallel_loop3A_167, %parallel_loop3A_87, %parallel_loop3A_85 : vector<16xi1>, vector<16xi32>
      %parallel_loop3A_169 = arith.addi %parallel_loop3A_164, %parallel_loop3A_168 : vector<16xi32>
      %parallel_loop3A_170 = arith.constant 20480 : i32
      %parallel_loop3A_171 = tpu.memref_slice %arg6[%parallel_loop3A_170] : memref<32768xf32, #tpu.memory_space<vmem>> -> memref<4096xf32, #tpu.memory_space<vmem>>
      %parallel_loop3A_172 = tpu.vector_load_idx %parallel_loop3A_171[%parallel_loop3A_169] : memref<4096xf32, #tpu.memory_space<vmem>>[vector<16xi32>], vector<16xf32>,
      %parallel_loop3A_173 = arith.addf %parallel_loop3A_147, %parallel_loop3A_172 : vector<16xf32>
      %parallel_loop3A_174 = arith.constant 22 : i32
      %parallel_loop3A_175 = vector.broadcast %parallel_loop3A_174 : i32 to vector<16xi32>
      %parallel_loop3A_176 = arith.cmpi sle, %parallel_loop3A_89, %parallel_loop3A_175 : vector<16xi32>
      %parallel_loop3A_177 = arith.select %parallel_loop3A_176, %parallel_loop3A_83, %parallel_loop3A_81 : vector<16xi1>, vector<16xi32>
      %parallel_loop3A_178 = arith.constant 22 : i32
      %parallel_loop3A_179 = vector.broadcast %parallel_loop3A_178 : i32 to vector<16xi32>
      %parallel_loop3A_180 = arith.cmpi sle, %parallel_loop3A_91, %parallel_loop3A_179 : vector<16xi32>
      %parallel_loop3A_181 = arith.select %parallel_loop3A_180, %parallel_loop3A_87, %parallel_loop3A_85 : vector<16xi1>, vector<16xi32>
      %parallel_loop3A_182 = arith.addi %parallel_loop3A_177, %parallel_loop3A_181 : vector<16xi32>
      %parallel_loop3A_183 = arith.constant 24576 : i32
      %parallel_loop3A_184 = tpu.memref_slice %arg6[%parallel_loop3A_183] : memref<32768xf32, #tpu.memory_space<vmem>> -> memref<4096xf32, #tpu.memory_space<vmem>>
      %parallel_loop3A_185 = tpu.vector_load_idx %parallel_loop3A_184[%parallel_loop3A_182] : memref<4096xf32, #tpu.memory_space<vmem>>[vector<16xi32>], vector<16xf32>,
      %parallel_loop3A_186 = arith.addf %parallel_loop3A_160, %parallel_loop3A_185 : vector<16xf32>
      %parallel_loop3A_187 = arith.constant 23 : i32
      %parallel_loop3A_188 = vector.broadcast %parallel_loop3A_187 : i32 to vector<16xi32>
      %parallel_loop3A_189 = arith.cmpi sle, %parallel_loop3A_89, %parallel_loop3A_188 : vector<16xi32>
      %parallel_loop3A_190 = arith.select %parallel_loop3A_189, %parallel_loop3A_83, %parallel_loop3A_81 : vector<16xi1>, vector<16xi32>
      %parallel_loop3A_191 = arith.constant 23 : i32
      %parallel_loop3A_192 = vector.broadcast %parallel_loop3A_191 : i32 to vector<16xi32>
      %parallel_loop3A_193 = arith.cmpi sle, %parallel_loop3A_91, %parallel_loop3A_192 : vector<16xi32>
      %parallel_loop3A_194 = arith.select %parallel_loop3A_193, %parallel_loop3A_87, %parallel_loop3A_85 : vector<16xi1>, vector<16xi32>
      %parallel_loop3A_195 = arith.addi %parallel_loop3A_190, %parallel_loop3A_194 : vector<16xi32>
      %parallel_loop3A_196 = arith.constant 28672 : i32
      %parallel_loop3A_197 = tpu.memref_slice %arg6[%parallel_loop3A_196] : memref<32768xf32, #tpu.memory_space<vmem>> -> memref<4096xf32, #tpu.memory_space<vmem>>
      %parallel_loop3A_198 = tpu.vector_load_idx %parallel_loop3A_197[%parallel_loop3A_195] : memref<4096xf32, #tpu.memory_space<vmem>>[vector<16xi32>], vector<16xf32>,
      %parallel_loop3A_199 = arith.addf %parallel_loop3A_173, %parallel_loop3A_198 : vector<16xf32>
      %parallel_loop3A_200 = arith.addf %parallel_loop3A_186, %parallel_loop3A_199 : vector<16xf32>
      %parallel_loop3A_201 = arith.index_cast %parallel_loop3A_79 : i32 to index
      %parallel_loop3A_202 = tpu.vector_load %arg10[%parallel_loop3A_201] {strides = array<i32>} : memref<4096xf32, #tpu.memory_space<vmem>>, vector<16xf32>,
      tpu.vector_store %arg10[%parallel_loop3A_201], %parallel_loop3A_200 {add = true, strides = array<i32>} : memref<4096xf32, #tpu.memory_space<vmem>>, vector<16xf32>,
    } {sc.loop_unroll_factor = 4 : i64, sc.parallel_access}
    %dma_wait3A_68 = arith.constant 98304 : i32
    %dma_wait3A_69 = tpu.memref_slice %arg4[%select_n3A, %dma_wait3A_68] : memref<8x131072xf32, #tpu.memory_space<hbm>> -> memref<1x32768xf32, #tpu.memory_space<hbm>>
    %dma_wait3A_70 = tpu.memref_squeeze %dma_wait3A_69 : memref<1x32768xf32, #tpu.memory_space<hbm>> -> memref<32768xf32, #tpu.memory_space<hbm>>
    %dma_wait3A_71 = arith.constant 98304 : i32
    %dma_wait3A_72 = tpu.memref_slice %arg4[%select_n3A, %dma_wait3A_71] : memref<8x131072xf32, #tpu.memory_space<hbm>> -> memref<1x32768xf32, #tpu.memory_space<hbm>>
    %dma_wait3A_73 = tpu.memref_squeeze %dma_wait3A_72 : memref<1x32768xf32, #tpu.memory_space<hbm>> -> memref<32768xf32, #tpu.memory_space<hbm>>
    tpu.wait_dma2 semaphore(%arg18 : memref<!tpu.dma_semaphore, #tpu.memory_space<semaphore_mem>>) src(%dma_wait3A_73 : memref<32768xf32, #tpu.memory_space<hbm>>) dst(%arg7 : memref<32768xf32, #tpu.memory_space<vmem>>)
    %parallel_loop3A_74 = arith.constant 0 : i32
    %parallel_loop3A_75 = arith.constant 256 : i32
    %parallel_loop3A_76 = arith.constant 1 : i32
    scf.for %parallel_loop3A_77 = %parallel_loop3A_74 to %parallel_loop3A_75 step %parallel_loop3A_76  : i32 {
      %parallel_loop3A_78 = arith.constant 16 : i32
      %parallel_loop3A_79 = arith.muli %parallel_loop3A_77, %parallel_loop3A_78 : i32
      %parallel_loop3A_80 = arith.index_cast %parallel_loop3A_79 : i32 to index
      %parallel_loop3A_81 = tpu.vector_load %arg11[%parallel_loop3A_80] {strides = array<i32>} : memref<4096xi32, #tpu.memory_space<vmem>>, vector<16xi32>,
      %parallel_loop3A_82 = arith.index_cast %parallel_loop3A_79 : i32 to index
      %parallel_loop3A_83 = tpu.vector_load %arg12[%parallel_loop3A_82] {strides = array<i32>} : memref<4096xi32, #tpu.memory_space<vmem>>, vector<16xi32>,
      %parallel_loop3A_84 = arith.index_cast %parallel_loop3A_79 : i32 to index
      %parallel_loop3A_85 = tpu.vector_load %arg13[%parallel_loop3A_84] {strides = array<i32>} : memref<4096xi32, #tpu.memory_space<vmem>>, vector<16xi32>,
      %parallel_loop3A_86 = arith.index_cast %parallel_loop3A_79 : i32 to index
      %parallel_loop3A_87 = tpu.vector_load %arg14[%parallel_loop3A_86] {strides = array<i32>} : memref<4096xi32, #tpu.memory_space<vmem>>, vector<16xi32>,
      %parallel_loop3A_88 = arith.index_cast %parallel_loop3A_79 : i32 to index
      %parallel_loop3A_89 = tpu.vector_load %arg15[%parallel_loop3A_88] {strides = array<i32>} : memref<4096xi32, #tpu.memory_space<vmem>>, vector<16xi32>,
      %parallel_loop3A_90 = arith.index_cast %parallel_loop3A_79 : i32 to index
      %parallel_loop3A_91 = tpu.vector_load %arg16[%parallel_loop3A_90] {strides = array<i32>} : memref<4096xi32, #tpu.memory_space<vmem>>, vector<16xi32>,
      %parallel_loop3A_92 = arith.constant 0.000000e+00 : f32
      %parallel_loop3A_93 = vector.broadcast %parallel_loop3A_92 : f32 to vector<16xf32>
      %parallel_loop3A_94 = arith.constant 0.000000e+00 : f32
      %parallel_loop3A_95 = vector.broadcast %parallel_loop3A_94 : f32 to vector<16xf32>
      %parallel_loop3A_96 = arith.constant 24 : i32
      %parallel_loop3A_97 = vector.broadcast %parallel_loop3A_96 : i32 to vector<16xi32>
      %parallel_loop3A_98 = arith.cmpi sle, %parallel_loop3A_89, %parallel_loop3A_97 : vector<16xi32>
      %parallel_loop3A_99 = arith.select %parallel_loop3A_98, %parallel_loop3A_83, %parallel_loop3A_81 : vector<16xi1>, vector<16xi32>
      %parallel_loop3A_100 = arith.constant 24 : i32
      %parallel_loop3A_101 = vector.broadcast %parallel_loop3A_100 : i32 to vector<16xi32>
      %parallel_loop3A_102 = arith.cmpi sle, %parallel_loop3A_91, %parallel_loop3A_101 : vector<16xi32>
      %parallel_loop3A_103 = arith.select %parallel_loop3A_102, %parallel_loop3A_87, %parallel_loop3A_85 : vector<16xi1>, vector<16xi32>
      %parallel_loop3A_104 = arith.addi %parallel_loop3A_99, %parallel_loop3A_103 : vector<16xi32>
      %parallel_loop3A_105 = arith.constant 0 : i32
      %parallel_loop3A_106 = tpu.memref_slice %arg7[%parallel_loop3A_105] : memref<32768xf32, #tpu.memory_space<vmem>> -> memref<4096xf32, #tpu.memory_space<vmem>>
      %parallel_loop3A_107 = tpu.vector_load_idx %parallel_loop3A_106[%parallel_loop3A_104] : memref<4096xf32, #tpu.memory_space<vmem>>[vector<16xi32>], vector<16xf32>,
      %parallel_loop3A_108 = arith.addf %parallel_loop3A_93, %parallel_loop3A_107 : vector<16xf32>
      %parallel_loop3A_109 = arith.constant 25 : i32
      %parallel_loop3A_110 = vector.broadcast %parallel_loop3A_109 : i32 to vector<16xi32>
      %parallel_loop3A_111 = arith.cmpi sle, %parallel_loop3A_89, %parallel_loop3A_110 : vector<16xi32>
      %parallel_loop3A_112 = arith.select %parallel_loop3A_111, %parallel_loop3A_83, %parallel_loop3A_81 : vector<16xi1>, vector<16xi32>
      %parallel_loop3A_113 = arith.constant 25 : i32
      %parallel_loop3A_114 = vector.broadcast %parallel_loop3A_113 : i32 to vector<16xi32>
      %parallel_loop3A_115 = arith.cmpi sle, %parallel_loop3A_91, %parallel_loop3A_114 : vector<16xi32>
      %parallel_loop3A_116 = arith.select %parallel_loop3A_115, %parallel_loop3A_87, %parallel_loop3A_85 : vector<16xi1>, vector<16xi32>
      %parallel_loop3A_117 = arith.addi %parallel_loop3A_112, %parallel_loop3A_116 : vector<16xi32>
      %parallel_loop3A_118 = arith.constant 4096 : i32
      %parallel_loop3A_119 = tpu.memref_slice %arg7[%parallel_loop3A_118] : memref<32768xf32, #tpu.memory_space<vmem>> -> memref<4096xf32, #tpu.memory_space<vmem>>
      %parallel_loop3A_120 = tpu.vector_load_idx %parallel_loop3A_119[%parallel_loop3A_117] : memref<4096xf32, #tpu.memory_space<vmem>>[vector<16xi32>], vector<16xf32>,
      %parallel_loop3A_121 = arith.addf %parallel_loop3A_95, %parallel_loop3A_120 : vector<16xf32>
      %parallel_loop3A_122 = arith.constant 26 : i32
      %parallel_loop3A_123 = vector.broadcast %parallel_loop3A_122 : i32 to vector<16xi32>
      %parallel_loop3A_124 = arith.cmpi sle, %parallel_loop3A_89, %parallel_loop3A_123 : vector<16xi32>
      %parallel_loop3A_125 = arith.select %parallel_loop3A_124, %parallel_loop3A_83, %parallel_loop3A_81 : vector<16xi1>, vector<16xi32>
      %parallel_loop3A_126 = arith.constant 26 : i32
      %parallel_loop3A_127 = vector.broadcast %parallel_loop3A_126 : i32 to vector<16xi32>
      %parallel_loop3A_128 = arith.cmpi sle, %parallel_loop3A_91, %parallel_loop3A_127 : vector<16xi32>
      %parallel_loop3A_129 = arith.select %parallel_loop3A_128, %parallel_loop3A_87, %parallel_loop3A_85 : vector<16xi1>, vector<16xi32>
      %parallel_loop3A_130 = arith.addi %parallel_loop3A_125, %parallel_loop3A_129 : vector<16xi32>
      %parallel_loop3A_131 = arith.constant 8192 : i32
      %parallel_loop3A_132 = tpu.memref_slice %arg7[%parallel_loop3A_131] : memref<32768xf32, #tpu.memory_space<vmem>> -> memref<4096xf32, #tpu.memory_space<vmem>>
      %parallel_loop3A_133 = tpu.vector_load_idx %parallel_loop3A_132[%parallel_loop3A_130] : memref<4096xf32, #tpu.memory_space<vmem>>[vector<16xi32>], vector<16xf32>,
      %parallel_loop3A_134 = arith.addf %parallel_loop3A_108, %parallel_loop3A_133 : vector<16xf32>
      %parallel_loop3A_135 = arith.constant 27 : i32
      %parallel_loop3A_136 = vector.broadcast %parallel_loop3A_135 : i32 to vector<16xi32>
      %parallel_loop3A_137 = arith.cmpi sle, %parallel_loop3A_89, %parallel_loop3A_136 : vector<16xi32>
      %parallel_loop3A_138 = arith.select %parallel_loop3A_137, %parallel_loop3A_83, %parallel_loop3A_81 : vector<16xi1>, vector<16xi32>
      %parallel_loop3A_139 = arith.constant 27 : i32
      %parallel_loop3A_140 = vector.broadcast %parallel_loop3A_139 : i32 to vector<16xi32>
      %parallel_loop3A_141 = arith.cmpi sle, %parallel_loop3A_91, %parallel_loop3A_140 : vector<16xi32>
      %parallel_loop3A_142 = arith.select %parallel_loop3A_141, %parallel_loop3A_87, %parallel_loop3A_85 : vector<16xi1>, vector<16xi32>
      %parallel_loop3A_143 = arith.addi %parallel_loop3A_138, %parallel_loop3A_142 : vector<16xi32>
      %parallel_loop3A_144 = arith.constant 12288 : i32
      %parallel_loop3A_145 = tpu.memref_slice %arg7[%parallel_loop3A_144] : memref<32768xf32, #tpu.memory_space<vmem>> -> memref<4096xf32, #tpu.memory_space<vmem>>
      %parallel_loop3A_146 = tpu.vector_load_idx %parallel_loop3A_145[%parallel_loop3A_143] : memref<4096xf32, #tpu.memory_space<vmem>>[vector<16xi32>], vector<16xf32>,
      %parallel_loop3A_147 = arith.addf %parallel_loop3A_121, %parallel_loop3A_146 : vector<16xf32>
      %parallel_loop3A_148 = arith.constant 28 : i32
      %parallel_loop3A_149 = vector.broadcast %parallel_loop3A_148 : i32 to vector<16xi32>
      %parallel_loop3A_150 = arith.cmpi sle, %parallel_loop3A_89, %parallel_loop3A_149 : vector<16xi32>
      %parallel_loop3A_151 = arith.select %parallel_loop3A_150, %parallel_loop3A_83, %parallel_loop3A_81 : vector<16xi1>, vector<16xi32>
      %parallel_loop3A_152 = arith.constant 28 : i32
      %parallel_loop3A_153 = vector.broadcast %parallel_loop3A_152 : i32 to vector<16xi32>
      %parallel_loop3A_154 = arith.cmpi sle, %parallel_loop3A_91, %parallel_loop3A_153 : vector<16xi32>
      %parallel_loop3A_155 = arith.select %parallel_loop3A_154, %parallel_loop3A_87, %parallel_loop3A_85 : vector<16xi1>, vector<16xi32>
      %parallel_loop3A_156 = arith.addi %parallel_loop3A_151, %parallel_loop3A_155 : vector<16xi32>
      %parallel_loop3A_157 = arith.constant 16384 : i32
      %parallel_loop3A_158 = tpu.memref_slice %arg7[%parallel_loop3A_157] : memref<32768xf32, #tpu.memory_space<vmem>> -> memref<4096xf32, #tpu.memory_space<vmem>>
      %parallel_loop3A_159 = tpu.vector_load_idx %parallel_loop3A_158[%parallel_loop3A_156] : memref<4096xf32, #tpu.memory_space<vmem>>[vector<16xi32>], vector<16xf32>,
      %parallel_loop3A_160 = arith.addf %parallel_loop3A_134, %parallel_loop3A_159 : vector<16xf32>
      %parallel_loop3A_161 = arith.constant 29 : i32
      %parallel_loop3A_162 = vector.broadcast %parallel_loop3A_161 : i32 to vector<16xi32>
      %parallel_loop3A_163 = arith.cmpi sle, %parallel_loop3A_89, %parallel_loop3A_162 : vector<16xi32>
      %parallel_loop3A_164 = arith.select %parallel_loop3A_163, %parallel_loop3A_83, %parallel_loop3A_81 : vector<16xi1>, vector<16xi32>
      %parallel_loop3A_165 = arith.constant 29 : i32
      %parallel_loop3A_166 = vector.broadcast %parallel_loop3A_165 : i32 to vector<16xi32>
      %parallel_loop3A_167 = arith.cmpi sle, %parallel_loop3A_91, %parallel_loop3A_166 : vector<16xi32>
      %parallel_loop3A_168 = arith.select %parallel_loop3A_167, %parallel_loop3A_87, %parallel_loop3A_85 : vector<16xi1>, vector<16xi32>
      %parallel_loop3A_169 = arith.addi %parallel_loop3A_164, %parallel_loop3A_168 : vector<16xi32>
      %parallel_loop3A_170 = arith.constant 20480 : i32
      %parallel_loop3A_171 = tpu.memref_slice %arg7[%parallel_loop3A_170] : memref<32768xf32, #tpu.memory_space<vmem>> -> memref<4096xf32, #tpu.memory_space<vmem>>
      %parallel_loop3A_172 = tpu.vector_load_idx %parallel_loop3A_171[%parallel_loop3A_169] : memref<4096xf32, #tpu.memory_space<vmem>>[vector<16xi32>], vector<16xf32>,
      %parallel_loop3A_173 = arith.addf %parallel_loop3A_147, %parallel_loop3A_172 : vector<16xf32>
      %parallel_loop3A_174 = arith.constant 30 : i32
      %parallel_loop3A_175 = vector.broadcast %parallel_loop3A_174 : i32 to vector<16xi32>
      %parallel_loop3A_176 = arith.cmpi sle, %parallel_loop3A_89, %parallel_loop3A_175 : vector<16xi32>
      %parallel_loop3A_177 = arith.select %parallel_loop3A_176, %parallel_loop3A_83, %parallel_loop3A_81 : vector<16xi1>, vector<16xi32>
      %parallel_loop3A_178 = arith.constant 30 : i32
      %parallel_loop3A_179 = vector.broadcast %parallel_loop3A_178 : i32 to vector<16xi32>
      %parallel_loop3A_180 = arith.cmpi sle, %parallel_loop3A_91, %parallel_loop3A_179 : vector<16xi32>
      %parallel_loop3A_181 = arith.select %parallel_loop3A_180, %parallel_loop3A_87, %parallel_loop3A_85 : vector<16xi1>, vector<16xi32>
      %parallel_loop3A_182 = arith.addi %parallel_loop3A_177, %parallel_loop3A_181 : vector<16xi32>
      %parallel_loop3A_183 = arith.constant 24576 : i32
      %parallel_loop3A_184 = tpu.memref_slice %arg7[%parallel_loop3A_183] : memref<32768xf32, #tpu.memory_space<vmem>> -> memref<4096xf32, #tpu.memory_space<vmem>>
      %parallel_loop3A_185 = tpu.vector_load_idx %parallel_loop3A_184[%parallel_loop3A_182] : memref<4096xf32, #tpu.memory_space<vmem>>[vector<16xi32>], vector<16xf32>,
      %parallel_loop3A_186 = arith.addf %parallel_loop3A_160, %parallel_loop3A_185 : vector<16xf32>
      %parallel_loop3A_187 = arith.constant 31 : i32
      %parallel_loop3A_188 = vector.broadcast %parallel_loop3A_187 : i32 to vector<16xi32>
      %parallel_loop3A_189 = arith.cmpi sle, %parallel_loop3A_89, %parallel_loop3A_188 : vector<16xi32>
      %parallel_loop3A_190 = arith.select %parallel_loop3A_189, %parallel_loop3A_83, %parallel_loop3A_81 : vector<16xi1>, vector<16xi32>
      %parallel_loop3A_191 = arith.constant 31 : i32
      %parallel_loop3A_192 = vector.broadcast %parallel_loop3A_191 : i32 to vector<16xi32>
      %parallel_loop3A_193 = arith.cmpi sle, %parallel_loop3A_91, %parallel_loop3A_192 : vector<16xi32>
      %parallel_loop3A_194 = arith.select %parallel_loop3A_193, %parallel_loop3A_87, %parallel_loop3A_85 : vector<16xi1>, vector<16xi32>
      %parallel_loop3A_195 = arith.addi %parallel_loop3A_190, %parallel_loop3A_194 : vector<16xi32>
      %parallel_loop3A_196 = arith.constant 28672 : i32
      %parallel_loop3A_197 = tpu.memref_slice %arg7[%parallel_loop3A_196] : memref<32768xf32, #tpu.memory_space<vmem>> -> memref<4096xf32, #tpu.memory_space<vmem>>
      %parallel_loop3A_198 = tpu.vector_load_idx %parallel_loop3A_197[%parallel_loop3A_195] : memref<4096xf32, #tpu.memory_space<vmem>>[vector<16xi32>], vector<16xf32>,
      %parallel_loop3A_199 = arith.addf %parallel_loop3A_173, %parallel_loop3A_198 : vector<16xf32>
      %parallel_loop3A_200 = arith.addf %parallel_loop3A_186, %parallel_loop3A_199 : vector<16xf32>
      %parallel_loop3A_201 = arith.index_cast %parallel_loop3A_79 : i32 to index
      %parallel_loop3A_202 = tpu.vector_load %arg10[%parallel_loop3A_201] {strides = array<i32>} : memref<4096xf32, #tpu.memory_space<vmem>>, vector<16xf32>,
      tpu.vector_store %arg10[%parallel_loop3A_201], %parallel_loop3A_200 {add = true, strides = array<i32>} : memref<4096xf32, #tpu.memory_space<vmem>>, vector<16xf32>,
    } {sc.loop_unroll_factor = 4 : i64, sc.parallel_access}
    "tpu.region"() ({
      %run_scoped3A = tpu.sem_alloc : memref<!tpu.dma_semaphore, #tpu.memory_space<semaphore_mem>>
      %dma_start3A_77 = tpu.memref_slice %arg5[%mul3A_2] : memref<131072xf32, #tpu.memory_space<hbm>> -> memref<4096xf32, #tpu.memory_space<hbm>>
      %dma_start3A_78 = tpu.memref_slice %arg5[%mul3A_2] : memref<131072xf32, #tpu.memory_space<hbm>> -> memref<4096xf32, #tpu.memory_space<hbm>>
      tpu.enqueue_dma source(%arg10 : memref<4096xf32, #tpu.memory_space<vmem>>) target(%dma_start3A_78 : memref<4096xf32, #tpu.memory_space<hbm>>) target_semaphore(%run_scoped3A : memref<!tpu.dma_semaphore, #tpu.memory_space<semaphore_mem>>)
      %dma_wait3A_79 = tpu.memref_slice %arg5[%mul3A_2] : memref<131072xf32, #tpu.memory_space<hbm>> -> memref<4096xf32, #tpu.memory_space<hbm>>
      %dma_wait3A_80 = tpu.memref_slice %arg5[%mul3A_2] : memref<131072xf32, #tpu.memory_space<hbm>> -> memref<4096xf32, #tpu.memory_space<hbm>>
      tpu.wait_dma2 semaphore(%run_scoped3A : memref<!tpu.dma_semaphore, #tpu.memory_space<semaphore_mem>>) src(%arg10 : memref<4096xf32, #tpu.memory_space<vmem>>) dst(%dma_wait3A_80 : memref<4096xf32, #tpu.memory_space<hbm>>)
      tpu.yield
    }) : () -> ()
    return
  }
}

</mosaic_0001>

<sc_bundles>
// kernel: kernel.3.cloned.1.call-start
scs
__scs_entry_jumppad:
0x0: {  	(pc) =	sbr.rel $0x88, $3  }
0x1: {  	(tag) =	ssettag $0x0;
	lr =	simm.s32 $0x1  }
0x2: {  	[smem:$0x3F9F] =	sst lr;
	_ =	strace $0xD0000000  }
0x3: {  	_ = 	snop  }
0x4: {  	_ = 	snop  }
0x5: {  	_ = 	snop  }
0x6: {  	_ = 	snop  }
0x7: {  	_ = 	snop  }
__scs_overlays_trampoline_lowered:
0x8: {  	[smem:$0x3FAE] =	sst s0  }
0x9: {  	[smem:$0x3FAF] =	sst s1  }
0xa: {  	[smem:$0x3FB0] =	sst s2  }
0xb: {  	[smem:$0x3FB1] =	sst s3  }
0xc: {  	[smem:$0x3FB2] =	sst s4  }
0xd: {  	[smem:$0x3FB3] =	sst s5  }
0xe: {  	[smem:$0x3FB4] =	sst s6  }
0xf: {  	[smem:$0x3FB5] =	sst s7  }
0x10: {  	[smem:$0x3FB6] =	sst s8  }
0x11: {  	[smem:$0x3FB7] =	sst s9;
	s0 =	simm.s32 @!p0 $0x0  }
0x12: {  	s1 =	sld [smem:$0x3F9D];
	s0 =	simm.s32 @p0 $0x1  }
0x13: {  	[smem:$0x3FB8] =	sst s0;
	s0 =	simm.s32 @!p1 $0x0  }
0x14: {  	s2 =	sld [smem:$0x3F9C];
	s0 =	simm.s32 @p1 $0x1  }
0x15: {  	[smem:$0x3FB9] =	sst s0;
	s0 =	simm.s32 @!p2 $0x0  }
0x16: {  	s3 =	sld [smem:$0x3FDB];
	s0 =	simm.s32 @p2 $0x1  }
0x17: {  	s4 =	simm.s32 $0x1BF5;
	[smem:$0x3FBB] =	sst s0  }
0x18: {  	s0 =	sld [smem:$0x3F9E];
	_ =	swait.ge [sflag:s4], $0x0  }
0x19: {  	s7 =	sld [smem:$0x3F9F]  }
0x1a: {  	s8 =	sadd.s32 $0xFFFFE003, lr  }
0x1b: {  	s9 =	sadd.s32 $0xFFFFFEF7, lr;
	s5 =	simm.s32 $0xFFFFFFFF;
	p2 =	slt.u32 s8, $0xFFFFF086  }
0x1c: {  	p1 =	slt.u32 s9, $0xF7A;
	s5 =	simm.s32 @!p2 $0x0  }
0x1d: {  	s5 =	simm.s32 @p1 $0x1;
	p0 =	seq.s32 s7, s2  }
0x1e: {  	s7 =	smul.u32 @!p0 $0xF7A, s2;
	p2 =	seq.s32 @!p0 s5, $0x0  }
0x1f: {  	s9 =	smul.u32 $0xF7A, s1;
	s8 =	simm.s32 @!p0 $0x1BF5;
	p2 =	por !p2, p0  }
0x20: {  	[sflag:s8] =	ssyncset.s32 @!p0 $0xFFFFF086;
	s6 =	sadd.s32 @!p0 s3, s7;
	s7 =	simm.s32 @!p0 $0x108  }
0x21: {  	s3 =	sadd.s32 s3, s9;
	s6 =	sadd.s32 @!p0 $0x88, s6;
	s7 =	simm.s32 @p2 $0x1082  }
0x22: {  	[simem:s7], [sflag:s8] =	dma.local @!p0 [hbm:s6], $0xF7A  }
0x23: {  	s9 =	sor.u32 $0xD0000000, s2;
	s6 =	simm.s32 $0x108;
	_ =	swait.ge @!p0 [sflag:s8], $0x0  }
0x24: {  	s3 =	sadd.s32 $0x88, s3;
	s6 =	simm.s32 @!p1 $0x1082;
	[sflag:s4] =	ssyncset.s32 $0xFFFFF086  }
0x25: {  	[simem:s6], [sflag:s4] =	dma.local [hbm:s3], $0xF7A  }
0x26: {  	[smem:$0x3F9F] =	sst s1;
	(tag) =	ssettag s2;
	_ =	strace s9  }
0x27: {  	s1 =	sld [smem:$0x3FAF]  }
0x28: {  	s2 =	sld [smem:$0x3FB0]  }
0x29: {  	s4 =	sld [smem:$0x3FB2]  }
0x2a: {  	p0 =	seq.s32 s5, $0x0;
	s5 =	sld [smem:$0x3FB3]  }
0x2b: {  	s6 =	sld [smem:$0x3FB4]  }
0x2c: {  	s7 =	sld [smem:$0x3FB5]  }
0x2d: {  	s3 =	simm.s32 $0x108;
	s8 =	sld [smem:$0x3FB6]  }
0x2e: {  	s3 =	simm.s32 @!p0 $0x1082;
	s9 =	sld [smem:$0x3FB7]  }
0x2f: {  	lr =	sadd.s32 s0, s3;
	s0 =	sld [smem:$0x3FAE]  }
0x30: {  	s3 =	sld [smem:$0x3FB1]  }
0x31: {  	[smem:$0x3FBA] =	sst s10  }
0x32: {  	s10 =	sld [smem:$0x3FB8];
	_ =	sdelay $0x3  }
0x33: {  	p0 =	seq.s32 s10, $0x1;
	s10 =	sld [smem:$0x3FBA];
	_ =	sdelay $0x3  }
0x34: {  	[smem:$0x3FBA] =	sst s10  }
0x35: {  	s10 =	sld [smem:$0x3FB9];
	_ =	sdelay $0x3  }
0x36: {  	p1 =	seq.s32 s10, $0x1;
	s10 =	sld [smem:$0x3FBA];
	_ =	sdelay $0x3  }
0x37: {  	[smem:$0x3FBA] =	sst s10  }
0x38: {  	s10 =	sld [smem:$0x3FBB]  }
0x39: {  	_ = 	snop;
	(pc) =	sbr.ind lr, $3  }
0x3a: {  	_ = 	snop  }
0x3b: {  	_ = 	snop  }
0x3c: {  	p2 =	seq.s32 s10, $0x1;
	s10 =	sld [smem:$0x3FBA]  }
0x3d: {  	_ =	shalt  }
0x3e: {  	_ =	shalt  }
0x3f: {  	_ =	shalt  }
0x40: {  	_ =	shalt  }
0x41: {  	_ =	shalt  }
0x42: {  	_ =	shalt  }
0x43: {  	_ =	shalt  }
0x44: {  	_ =	shalt  }
0x45: {  	_ =	shalt  }
0x46: {  	_ =	shalt  }
0x47: {  	_ =	shalt  }
0x48: {  	_ =	shalt  }
0x49: {  	_ =	shalt  }
0x4a: {  	_ =	shalt  }
0x4b: {  	_ =	shalt  }
0x4c: {  	_ =	shalt  }
0x4d: {  	_ =	shalt  }
0x4e: {  	_ =	shalt  }
0x4f: {  	_ =	shalt  }
0x50: {  	_ =	shalt  }
0x51: {  	_ =	shalt  }
0x52: {  	_ =	shalt  }
0x53: {  	_ =	shalt  }
0x54: {  	_ =	shalt  }
0x55: {  	_ =	shalt  }
0x56: {  	_ =	shalt  }
0x57: {  	_ =	shalt  }
0x58: {  	_ =	shalt  }
0x59: {  	_ =	shalt  }
0x5a: {  	_ =	shalt  }
0x5b: {  	_ =	shalt  }
0x5c: {  	_ =	shalt  }
0x5d: {  	_ =	shalt  }
0x5e: {  	_ =	shalt  }
0x5f: {  	_ =	shalt  }
0x60: {  	_ =	shalt  }
0x61: {  	_ =	shalt  }
0x62: {  	_ =	shalt  }
0x63: {  	_ =	shalt  }
0x64: {  	_ =	shalt  }
0x65: {  	_ =	shalt  }
0x66: {  	_ =	shalt  }
0x67: {  	_ =	shalt  }
0x68: {  	_ =	shalt  }
0x69: {  	_ =	shalt  }
0x6a: {  	_ =	shalt  }
0x6b: {  	_ =	shalt  }
0x6c: {  	_ =	shalt  }
0x6d: {  	_ =	shalt  }
0x6e: {  	_ =	shalt  }
0x6f: {  	_ =	shalt  }
0x70: {  	_ =	shalt  }
0x71: {  	_ =	shalt  }
0x72: {  	_ =	shalt  }
0x73: {  	_ =	shalt  }
0x74: {  	_ =	shalt  }
0x75: {  	_ =	shalt  }
0x76: {  	_ =	shalt  }
0x77: {  	_ =	shalt  }
0x78: {  	_ =	shalt  }
0x79: {  	_ =	shalt  }
0x7a: {  	_ =	shalt  }
0x7b: {  	_ =	shalt  }
0x7c: {  	_ =	shalt  }
0x7d: {  	_ =	shalt  }
0x7e: {  	_ =	shalt  }
0x7f: {  	_ =	shalt  }
0x80: {  	_ =	shalt  }
0x81: {  	_ =	shalt  }
0x82: {  	_ =	shalt  }
0x83: {  	_ =	shalt  }
0x84: {  	_ =	shalt  }
0x85: {  	_ =	shalt  }
0x86: {  	_ =	shalt  }
0x87: {  	_ =	shalt  }
.Lfunc_end0:
.L_simem_size_0:
called_computation_lowered:
.L_overlay_start_0:
0x88: {  	s2 =	sld [smem:$0x3FD9]  }
0x89: {  	s3 =	sld [smem:$0x3FFE];
	_ =	sdelay $0x1  }
0x8a: {  	s1 =	srdreg.scid  }
0x8b: {  	s0 =	sand.u32 $0x1, s1  }
0x8c: {  	s17 =	sshll.u32 s0, $0xA;
	s2 =	sadd.s32 s3, s2  }
0x8d: {  	s2 =	sadd.s32 s2, s17  }
0x8e: {  	[smem:$0x3FC6] =	sst s2  }
0x8f: {  	_ = 	snop  }
0x90: {  	s2 =	sld [smem:$0x3FC8]  }
0x91: {  	s18 =	sld [smem:$0x3FD0];
	(tm) =	ssettm $0x1  }
0x92: {  	s4 =	sld [smem:$0x3FFB];
	_ =	sdelay $0x3  }
0x93: {  	_ =	strace s4  }
0x94: {  	s4 =	sld [smem:$0x3FFC];
	_ =	sdelay $0x3  }
0x95: {  	_ =	strace s4  }
0x96: {  	s4 =	sld [smem:$0x3FFD];
	_ =	sdelay $0x3  }
0x97: {  	_ =	strace s4  }
0x98: {  	_ =	strace $0x8FFFFFFF  }
0x99: {  	s19 =	sld [smem:$0x3FDB];
	_ =	sdelay $0x1  }
0x9a: {  	s5 =	simm.s32 $_scs_section_size  }
0x9b: {  	s6 =	simm.s32 $_size__tile_overlayer_lowered;
	s7 =	simm.s32 $_tile_overlayer_lowered  }
0x9c: {  	s22 =	simm.s32 $0x1BFF;
	s21 =	sshll.u32 s7, $0x1;
	s4 =	sadd.s32 s5, s19  }
0x9d: {  	s8 =	simm.s32 $0x0;
	s20 =	sshll.u32 s6, $0x1;
	s6 =	sadd.s32 s21, s4  }
0x9e: {  	[timem:s8], [sflag:s22] =	dma.local [hbm:s6], s20  }
0x9f: {  	_ =	swait.ge [sflag:s22], s20  }
0xa0: {  	s5 =	ssub.s32 $0x0, s20;
	[sflag:s22] =	ssyncset.done $0x0  }
0xa1: {  	[sflag:s22] =	ssyncadd.s32 s5;
	_ =	sdelay $0x1  }
0xa2: {  	s23 =	simm.s32 $0x1B8B  }
0xa3: {  	_ =	swait.ge [sflag:s23], $0x1  }
0xa4: {  	[sflag:s23] =	ssyncset.done $0x0  }
0xa5: {  	s25 =	simm.s32 $0x1B8E;
	s24 =	sld [smem:$0x3FFE];
	[sflag:s23] =	ssyncadd.s32 $0xFFFFFFFF  }
0xa6: {  	s26 =	simm.s32 $execute0_lowered;
	[smem:$0x3FD2] =	sst s25  }
0xa7: {  	s6 =	sshll.u32 s26, $0x1;
	_ =	strace $0x80000046;
	[dreg:$0x1] =	wrdreg $0xFFFFFFFF  }
0xa8: {  	s28 =	simm.s32 $_size_execute0_lowered;
	s4 =	sadd.s32 s4, s6;
	[dreg:$0x0] =	wrdreg $0x0  }
0xa9: {  	s6 =	sshll.u32 s28, $0x1;
	[dreg:$0x2] =	wrdreg s4  }
0xaa: {  	[dreg:$0x3] =	wrdreg s6  }
0xab: {  	[dreg:$0x4] =	wrdreg $0xC0  }
0xac: {  	_ =	task [dreg:s8], $0x5FFFF  }
0xad: {  	[dreg:$0x1] =	wrdreg $0xFFFFFFFF  }
0xae: {  	[dreg:$0x0] =	wrdreg $0x60  }
0xaf: {  	[dreg:$0x2] =	wrdreg s24  }
0xb0: {  	[dreg:$0x3] =	wrdreg s2  }
0xb1: {  	[dreg:$0x4] =	wrdreg s18  }
0xb2: {  	[dreg:$0x5] =	wrdreg $0x9  }
0xb3: {  	_ =	task.clear_ibuf [dreg:s8], $0x6FFFF;
	_ =	strace $0x90000046  }
0xb4: {  	s29 =	simm.s32 $0x9;
	_ =	strace $0x80000048  }
0xb5: {  	_ =	swait.ge [sflag:s29], $0x1  }
0xb6: {  	[sflag:s29] =	ssyncadd.s32 $0xFFFFFFFF  }
0xb7: {  	_ =	strace $0x90000048  }
0xb8: {  	_ =	sfence  }
0xb9: {  	s30 =	sld [smem:$0x0];
	_ =	sdelay $0x2  }
0xba: {  	s31 =	sshll.u32 s1, $0xD;
	s1 =	sshrl.u32 s1, $0x2  }
0xbb: {  	s3 =	sand.u32 $0x4000, s31;
	s1 =	sadd.s32 s1, s30  }
0xbc: {  	s0 =	sor.u32 s3, s0;
	s1 =	sshll.u32 s1, $0x11  }
0xbd: {  	s0 =	sor.u32 s1, s0  }
0xbe: {  	s0 =	sadd.s32 $0x8F2B, s0  }
0xbf: {  	[sflag:s0] =	ssyncadd.remote.s32 $0x1  }
0xc0: {  	_ =	sfence.sel $0xFFFF  }
0xc1: {  	[dreg:$0x0] =	wrdreg $0xFFFFFFFF;
	(pc) =	sbr.abs _section_cstart, $3  }
0xc2: {  	[dreg:$0x1] =	wrdreg $0xFFFFFFFF  }
0xc3: {  	_ =	task.clear_ibuf [dreg:s8], $0x2FFFF;
	_ =	strace $0x9FFFFFFF  }
0xc4: {  	(tm) =	ssettm $0x7FFFFFFF  }
0xc5: {  	_ =	shalt  }
tec
execute0_lowered:
.L_overlay_start_1:
0x0: {  	(tag) =	ssettag $0x1  }
0x1: {  	s0 =	rddreg [dreg:$0x0]  }
0x2: {  	s1 =	rddreg [dreg:$0x1]  }
0x3: {  	s3 =	rddreg [dreg:$0x2];
	s2 =	simm.s32 $0x0  }
0x4: {  	s4 =	srdreg.scid;
	s6 =	stileid.u32;
	s12 =	simm.s32 $0x400  }
0x5: {  	s13 =	simm.s32 $0x8000;
	s15 =	simm.s32 $0x3;
	s17 =	simm.s32 $0x1  }
0x6: {  	s18 =	simm.s32 $0x1000;
	s28 =	simm.s32 $0xA000;
	s29 =	simm.s32 $0xB000  }
0x7: {  	s30 =	simm.s32 $0xC000;
	s31 =	simm.s32 $0xD000;
	s16 =	simm.s32 $0x0  }
0x8: {  	[smem:$0x7FF] =	sst s2;
	s4 =	sand.u32 $0x1, s4;
	s5 =	sshll.u32 s6, $0xA  }
0x9: {  	s6 =	sshll.u32 s6, $0x3;
	_ =	strace $0x80000047;
	s7 =	sshll.u32 s4, $0x9  }
0xa: {  	s4 =	ssub.s32 $0x2, s4;
	s6 =	sand.u32 $0x70, s6;
	s5 =	sor.u32 s7, s5  }
0xb: {  	s19 =	sshrl.u32 s4, $0x1;
	s6 =	sadd.s32 s1, s6;
	s7 =	simm.s32 $0x80  }
0xc: {  	s1 =	simm.s32 $0xF000;
	s21 =	sadd.s32 $0x8000, s6;
	[dreg:$0x4] =	wrdreg s6  }
0xd: {  	s0 =	sadd.s32 s5, s0;
	s23 =	sadd.s32 $0x10000, s6;
	[dreg:$0x5] =	wrdreg s21  }
0xe: {  	s20 =	ssub.s32 s4, s19;
	s24 =	sadd.s32 $0x18000, s6;
	[dreg:$0x8] =	wrdreg s23  }
0xf: {  	s25 =	sadd.s32 s3, s5;
	s19 =	simm.s32 $0x2000;
	[dreg:$0x9] =	wrdreg s24  }
0x10: {  	s22 =	sadd.s32 $0x4600, s0;
	s0 =	sadd.s32 $0x600, s0;
	[dreg:$0xa] =	wrdreg s25  }
0x11: {  	s26 =	smax.u32 s20, $0x1;
	s20 =	simm.s32 $0x3000;
	[dreg:$0x6] =	wrdreg s22  }
0x12: {  	s21 =	simm.s32 $0x4000;
	s23 =	simm.s32 $0x6000;
	[dreg:$0x7] =	wrdreg s0  }
0x13: {  	s24 =	simm.s32 $0x7000;
	s25 =	simm.s32 $0x2;
	[dreg:$0xb] =	wrdreg s26  }
0x14: {  	v0 =	vimm.s32 $0x0;
	s22 =	simm.s32 $0x5000;
	s26 =	simm.s32 $0x9000;
	s0 =	simm.s32 $0xE000  }
.LBB2_1:
0x15: {  	s3 =	rddreg [dreg:$0x4]  }
0x16: {  	[tilespmem:s2], [sflag:$0x1] =	stream.strided.gather [hbm4b:s3+s7], $0x8000, s12, s7, $0x38;
	[tilespmem:$0x19000] =	vst v63  }
0x17: {  	s9 =	rddreg [dreg:$0x5]  }
0x18: {  	[tilespmem:s13], [sflag:$0x2] =	stream.strided.gather [hbm4b:s9+s7], $0x8000, s12, s7, $0x38;
	[tilespmem:$0x19000] =	vst v63  }
0x19: {  	s10 =	rddreg [dreg:$0x6];
	s4 =	simm.s32 $0x10000  }
0x1a: {  	[tilespmem:s4], [sflag:$0x3] =	stream.linear.gather [hbm4b:s10+s2], $0x1000, $0x38;
	[tilespmem:$0x19000] =	vst v63  }
0x1b: {  	_ =	swait.ge [sflag:s15], $0x1000  }
0x1c: {  	[sflag:s15] =	ssyncset.done $0x0  }
0x1d: {  	s14 =	simm.s32 $0x11000;
	s11 =	rddreg [dreg:$0x7];
	[sflag:s15] =	ssyncadd.s32 $0xFFFFF000  }
0x1e: {  	[tilespmem:s14], [sflag:$0x3] =	stream.linear.gather [hbm4b:s11+s2], $0x1000, $0x38;
	[tilespmem:$0x19000] =	vst v63  }
0x1f: {  	_ =	swait.ge [sflag:s15], $0x1000  }
0x20: {  	s5 =	simm.s32 $0x18020;
	s6 =	simm.s32 $0x17020;
	[sflag:s15] =	ssyncset.done $0x0  }
0x21: {  	s8 =	simm.s32 $0x15020;
	s3 =	simm.s32 $0x11020;
	[sflag:s15] =	ssyncadd.s32 $0xFFFFF000  }
0x22: {  	s7 =	simm.s32 $0x16020;
	s9 =	simm.s32 $0x14020;
	_ =	swait.ge [sflag:s17], $0x8000  }
0x23: {  	s4 =	simm.s32 $0xFFFFFFFC;
	s10 =	simm.s32 $0x13020;
	[sflag:s17] =	ssyncset.done $0x0  }
0x24: {  	s14 =	simm.s32 $0x12020;
	s11 =	simm.s32 $0x10020;
	[sflag:s17] =	ssyncadd.s32 $0xFFFF8000  }
.LBB2_2:
0x25: {  	v1 =	vld [tilespmem:s11+$0xFFFFFFE0];
	_ =	sdelay $0x2  }
0x26: {  	v2 =	vld [tilespmem:s3+$0xFFFFFFE0];
	_ =	sdelay $0x1  }
0x27: {  	v1 =	vmul.f32 $6.400000000e+01, v1  }
0x28: {  	v36 =	vld [tilespmem:s3+$0xFFFFFFF0]  }
0x29: {  	v3 =	vtrunc.f32 v1  }
0x2a: {  	v35 =	vld [tilespmem:s11+$0xFFFFFFF0];
	v2 =	vmul.f32 $6.400000000e+01, v2;
	v3 =	vcvt.f32.s32 v3;
	_ =	sdelay $0x1  }
0x2b: {  	v5 =	vtrunc.f32 v2;
	v4 =	vcvt.s32.f32 v3  }
0x2c: {  	v15 =	vmul.f32 $6.400000000e+01, v36;
	v6 =	vadd.f32 $1.000000000e+00, v5  }
0x2d: {  	v4 =	vadd.f32 $1.000000000e+00, v4  }
0x2e: {  	v41 =	vmul.f32 $6.400000000e+01, v35;
	v17 =	vtrunc.f32 v15;
	v8 =	vsub.f32 v6, v2  }
0x2f: {  	v20 =	vadd.f32 $1.000000000e+00, v17;
	v7 =	vsub.f32 v4, v1  }
0x30: {  	v16 =	vtrunc.f32 v41;
	v8 =	vmul.f32 $3.200000000e+01, v8  }
0x31: {  	v10 =	vcvt.f32.s32 v5;
	v18 =	vsub.f32 v20, v15;
	v7 =	vmul.f32 $3.200000000e+01, v7  }
0x32: {  	v19 =	vadd.f32 $1.000000000e+00, v16;
	v16 =	vcvt.f32.s32 v16;
	v8 =	vsub.f32 $3.300000000e+01, v8  }
0x33: {  	v11 =	vshll.u32 v3, $0x6;
	v47 =	vmul.f32 $3.200000000e+01, v18;
	v7 =	vsub.f32 $3.300000000e+01, v7  }
0x34: {  	v3 =	vadd.s32 $0x1, v3;
	v14 =	vadd.s32 $0x1, v10;
	v25 =	vtrunc.f32 v8  }
0x35: {  	v51 =	vsub.f32 $3.300000000e+01, v47;
	v5 =	vcvt.f32.s32 v25;
	v7 =	vtrunc.f32 v7  }
0x36: {  	v46 =	vsub.f32 v19, v41;
	vm0 =	vlt.s32 v3, $0x3F;
	v7 =	vcvt.f32.s32 v7  }
0x37: {  	vm10 =	vlt.s32 v14, $0x3F;
	v53 =	vtrunc.f32 v51;
	v12 =	vsub.s32 $0x20, v5  }
0x38: {  	v12 =	vcvt.s32.f32 v12;
	v26 =	vsub.s32 $0x20, v7;
	v9 =	vsub.s32 $0x21, v7  }
0x39: {  	v13 =	vsub.s32 $0x21, v5;
	v8 =	vcvt.s32.f32 v26;
	v9 =	vcvt.s32.f32 v9  }
0x3a: {  	v3 =	vnsel vm0, $0x3F, v3;
	v13 =	vcvt.s32.f32 v13;
	v12 =	vmul.f32 $3.125000000e-02, v12  }
0x3b: {  	v28 =	vnsel vm10, $0x3F, v14;
	v8 =	vmul.f32 $3.125000000e-02, v8;
	v9 =	vmul.f32 $3.125000000e-02, v9  }
0x3c: {  	v23 =	vmul.f32 $3.200000000e+01, v46;
	v54 =	vcvt.f32.s32 v53;
	v29 =	vadd.f32 v12, v2  }
0x3d: {  	v27 =	vmul.f32 $3.125000000e-02, v13;
	v8 =	vadd.f32 v8, v1;
	v1 =	vadd.f32 v9, v1  }
0x3e: {  	v3 =	vshll.u32 v3, $0x6;
	v48 =	vsub.f32 $3.300000000e+01, v23;
	v58 =	vsub.s32 $0x20, v54  }
0x3f: {  	vm13 =	vge.f32 v29, v6;
	vm12 =	vge.f32 v1, v4;
	v1 =	vadd.f32 v27, v2  }
0x40: {  	v59 =	vsub.s32 $0x21, v54;
	v32 =	vsel vm13, $0xFFFFFFFF, v0;
	vm11 =	vge.f32 v8, v4  }
0x41: {  	v5 =	vsub.s32 v32, v5;
	v30 =	vsel vm11, $0xFFFFFFFF, v0;
	vm14 =	vge.f32 v1, v6  }
0x42: {  	v2 =	vsel vm12, $0xFFFFFFFF, v0;
	v31 =	vsub.s32 v30, v7;
	v33 =	vsel vm14, $0xFFFFFFFF, v0  }
0x43: {  	[tilespmem:s10+$0xFFFFFFE0] =	vst v11;
	v60 =	vcvt.s32.f32 v58;
	v2 =	vadd.s32 v2, v31;
	v4 =	vadd.s32 v33, v5  }
0x44: {  	[tilespmem:s9+$0xFFFFFFE0] =	vst v3;
	v1 =	vadd.s32 v10, v11;
	v2 =	vadd.s32 $0x22, v2;
	v34 =	vadd.s32 $0x22, v4  }
0x45: {  	[tilespmem:s8+$0xFFFFFFE0] =	vst v10;
	vm15 =	vlt.s32 v2, $0x2;
	vm5 =	vlt.s32 v2, $0x3;
	vm6 =	vlt.s32 v2, $0x4  }
0x46: {  	[tilespmem:s7+$0xFFFFFFE0] =	vst v28;
	vm8 =	vlt.s32 v2, $0x5;
	vm10 =	vlt.s32 v2, $0x6;
	vm12 =	vlt.s32 v2, $0x7  }
0x47: {  	[tilespmem:s6+$0xFFFFFFE0] =	vst v2;
	vm14 =	vlt.s32 v2, $0x8;
	v2 =	vtrunc.f32 v48;
	v37 =	vsel vm15, v3, v11  }
0x48: {  	vm4 =	vlt.s32 v34, $0x2;
	vm1 =	vlt.s32 v34, $0x3;
	v39 =	vsel vm5, v3, v11  }
0x49: {  	vm7 =	vlt.s32 v34, $0x4;
	v42 =	vsel vm6, v3, v11;
	vm9 =	vlt.s32 v34, $0x5  }
0x4a: {  	v44 =	vsel vm8, v3, v11;
	vm11 =	vlt.s32 v34, $0x6;
	v21 =	vsel vm10, v3, v11  }
0x4b: {  	vm13 =	vlt.s32 v34, $0x7;
	v49 =	vsel vm12, v3, v11;
	vm15 =	vlt.s32 v34, $0x8  }
0x4c: {  	v52 =	vcvt.f32.s32 v2;
	v2 =	vsel vm14, v3, v11;
	v11 =	vshll.u32 v16, $0x6  }
0x4d: {  	v16 =	vadd.s32 $0x1, v16;
	v38 =	vsel vm4, v28, v10;
	v40 =	vsel vm1, v28, v10  }
0x4e: {  	v43 =	vsel vm7, v28, v10;
	v45 =	vsel vm9, v28, v10;
	v22 =	vsel vm11, v28, v10  }
0x4f: {  	v50 =	vsel vm13, v28, v10;
	v3 =	vsel vm15, v28, v10;
	v10 =	vcvt.f32.s32 v17  }
0x50: {  	vm4 =	vlt.s32 v16, $0x3F;
	v6 =	vadd.s32 v37, v38;
	v4 =	vadd.s32 v39, v40  }
0x51: {  	[tilespmem:s5+$0xFFFFFFE0] =	vst v34;
	v5 =	vadd.s32 v42, v43;
	v9 =	vadd.s32 v44, v45;
	v7 =	vadd.s32 v21, v22  }
0x52: {  	v1 =	vld.idx.msk [tilespmem:v1+s2+$0x0], $0xffff;
	v8 =	vadd.s32 v49, v50;
	v55 =	vsub.s32 $0x20, v52;
	v56 =	vsub.s32 $0x21, v52  }
0x53: {  	v21 =	vcvt.s32.f32 v59;
	v22 =	vmul.f32 $3.125000000e-02, v60;
	v16 =	vnsel vm4, $0x3F, v16  }
0x54: {  	v39 =	vld [tilespmem:s11+$0x0];
	v2 =	vadd.s32 v2, v3;
	v57 =	vcvt.s32.f32 v55;
	v17 =	vcvt.s32.f32 v56  }
0x55: {  	v40 =	vld [tilespmem:s3+$0x0];
	v63 =	vshll.u32 v16, $0x6;
	v38 =	vadd.s32 $0x1, v10;
	v21 =	vmul.f32 $3.125000000e-02, v21  }
0x56: {  	v62 =	vadd.f32 v22, v15;
	vm9 =	vlt.s32 v38, $0x3F;
	v18 =	vmul.f32 $3.125000000e-02, v57  }
0x57: {  	v17 =	vmul.f32 $3.125000000e-02, v17;
	v25 =	vnsel vm9, $0x3F, v38;
	v1 =	vadd.f32 $0.0e+00, v1  }
0x58: {  	v15 =	vadd.f32 v21, v15;
	vm7 =	vge.f32 v62, v20;
	v61 =	vadd.f32 v18, v41  }
0x59: {  	v14 =	vadd.f32 v17, v41;
	v17 =	vsel vm7, $0xFFFFFFFF, v0;
	v28 =	vmul.f32 $6.400000000e+01, v39  }
0x5a: {  	v29 =	vmul.f32 $6.400000000e+01, v40;
	vm8 =	vge.f32 v15, v20;
	v13 =	vsub.s32 v17, v54  }
0x5b: {  	v6 =	vld.idx.msk [tilespmem:v6+s18+$0x0], $0xffff;
	vm5 =	vge.f32 v61, v19;
	vm6 =	vge.f32 v14, v19;
	v15 =	vsel vm8, $0xFFFFFFFF, v0  }
0x5c: {  	v4 =	vld.idx.msk [tilespmem:v4+s19+$0x0], $0xffff;
	v45 =	vtrunc.f32 v28;
	v27 =	vtrunc.f32 v29;
	v37 =	vsel vm5, $0xFFFFFFFF, v0  }
0x5d: {  	v14 =	vsel vm6, $0xFFFFFFFF, v0;
	v13 =	vadd.s32 v15, v13;
	v30 =	vadd.f32 $1.000000000e+00, v45  }
0x5e: {  	v31 =	vadd.f32 $1.000000000e+00, v27;
	v34 =	vcvt.f32.s32 v45;
	v12 =	vsub.s32 v37, v52  }
0x5f: {  	v17 =	vadd.s32 v10, v11;
	v12 =	vadd.s32 v14, v12;
	v14 =	vadd.s32 $0x22, v13  }
0x60: {  	v24 =	vsub.f32 v30, v28;
	v49 =	vsub.f32 v31, v29;
	v21 =	vshll.u32 v34, $0x6  }
0x61: {  	v34 =	vadd.s32 $0x1, v34;
	v1 =	vadd.f32 v4, v1;
	v6 =	vadd.f32 $0.0e+00, v6  }
0x62: {  	v20 =	vadd.s32 $0x22, v12;
	vm11 =	vlt.s32 v14, $0x2;
	vm13 =	vlt.s32 v14, $0x3  }
0x63: {  	v5 =	vld.idx.msk [tilespmem:v5+s20+$0x0], $0xffff;
	vm15 =	vlt.s32 v14, $0x4;
	vm5 =	vlt.s32 v14, $0x5;
	vm7 =	vlt.s32 v14, $0x6  }
0x64: {  	v9 =	vld.idx.msk [tilespmem:v9+s21+$0x0], $0xffff;
	vm9 =	vlt.s32 v14, $0x7;
	vm10 =	vlt.s32 v20, $0x2;
	v42 =	vsel vm11, v25, v10  }
0x65: {  	vm12 =	vlt.s32 v20, $0x3;
	v16 =	vsel vm13, v25, v10;
	vm14 =	vlt.s32 v20, $0x4  }
0x66: {  	v46 =	vsel vm15, v25, v10;
	vm4 =	vlt.s32 v20, $0x5;
	v48 =	vsel vm5, v25, v10  }
0x67: {  	vm6 =	vlt.s32 v20, $0x6;
	v50 =	vmul.f32 $3.200000000e+01, v24;
	v33 =	vsel vm7, v25, v10  }
0x68: {  	v12 =	vmul.f32 $3.200000000e+01, v49;
	vm8 =	vlt.s32 v20, $0x7;
	vm11 =	vlt.s32 v14, $0x8  }
0x69: {  	v5 =	vadd.f32 v5, v6;
	v1 =	vadd.f32 v9, v1;
	v41 =	vsel vm10, v63, v11  }
0x6a: {  	v43 =	vsel vm12, v63, v11;
	v44 =	vsel vm14, v63, v11;
	v47 =	vsel vm4, v63, v11  }
0x6b: {  	v32 =	vsel vm6, v63, v11;
	v13 =	vsel vm8, v63, v11;
	vm10 =	vlt.s32 v20, $0x8  }
0x6c: {  	v7 =	vld.idx.msk [tilespmem:v7+s22+$0x0], $0xffff;
	v24 =	vsel vm11, v25, v10;
	vm12 =	vlt.s32 v34, $0x3F;
	v15 =	vadd.s32 v41, v42  }
0x6d: {  	v19 =	vadd.s32 v43, v16;
	v51 =	vsub.f32 $3.300000000e+01, v50;
	v12 =	vsub.f32 $3.300000000e+01, v12  }
0x6e: {  	[tilespmem:s10+$0xFFFFFFF0] =	vst v11;
	v26 =	vadd.s32 v44, v46;
	v23 =	vadd.s32 v47, v48;
	v16 =	vsel vm9, v25, v10  }
0x6f: {  	[tilespmem:s9+$0xFFFFFFF0] =	vst v63;
	v8 =	vld.idx.msk [tilespmem:v8+s23+$0x0], $0xffff;
	v22 =	vsel vm10, v63, v11;
	v52 =	vtrunc.f32 v51;
	v12 =	vtrunc.f32 v12  }
0x70: {  	[tilespmem:s8+$0xFFFFFFF0] =	vst v10;
	v2 =	vld.idx.msk [tilespmem:v2+s24+$0x0], $0xffff;
	v34 =	vnsel vm12, $0x3F, v34;
	v35 =	vcvt.f32.s32 v52;
	v36 =	vcvt.f32.s32 v12  }
0x71: {  	[tilespmem:s7+$0xFFFFFFF0] =	vst v25;
	v32 =	vadd.s32 v32, v33;
	v5 =	vadd.f32 v7, v5;
	v12 =	vcvt.f32.s32 v27  }
0x72: {  	[tilespmem:s6+$0xFFFFFFF0] =	vst v20;
	v53 =	vsub.s32 $0x20, v35;
	v37 =	vsub.s32 $0x21, v35;
	v38 =	vsub.s32 $0x20, v36  }
0x73: {  	v57 =	vld [tilespmem:s11+$0x10];
	[tilespmem:s5+$0xFFFFFFF0] =	vst v14;
	v39 =	vsub.s32 $0x21, v36;
	v27 =	vcvt.s32.f32 v53;
	v37 =	vcvt.s32.f32 v37  }
0x74: {  	v1 =	vadd.f32 v8, v1;
	v15 =	vld.idx.msk [tilespmem:v15+s18+$0x0], $0xffff;
	v38 =	vcvt.s32.f32 v38;
	v39 =	vcvt.s32.f32 v39  }
0x75: {  	v2 =	vadd.f32 v2, v5;
	v27 =	vmul.f32 $3.125000000e-02, v27;
	v37 =	vmul.f32 $3.125000000e-02, v37  }
0x76: {  	v17 =	vld.idx.msk [tilespmem:v17+s2+$0x0], $0xffff;
	v55 =	vadd.s32 $0x1, v12;
	v38 =	vmul.f32 $3.125000000e-02, v38;
	v39 =	vmul.f32 $3.125000000e-02, v39  }
0x77: {  	vm5 =	vlt.s32 v55, $0x3F;
	v40 =	vadd.f32 v27, v28;
	v28 =	vadd.f32 v37, v28  }
0x78: {  	v27 =	vshll.u32 v34, $0x6;
	v54 =	vadd.f32 v38, v29;
	v29 =	vadd.f32 v39, v29  }
0x79: {  	v19 =	vld.idx.msk [tilespmem:v19+s19+$0x0], $0xffff;
	v34 =	vmul.f32 $6.400000000e+01, v57;
	v15 =	vadd.f32 $0.0e+00, v15;
	vm13 =	vge.f32 v40, v30  }
0x7a: {  	vm14 =	vge.f32 v28, v30;
	vm15 =	vge.f32 v54, v31;
	vm4 =	vge.f32 v29, v31  }
0x7b: {  	v61 =	vtrunc.f32 v34;
	v40 =	vadd.f32 $0.0e+00, v17;
	v56 =	vsel vm13, $0xFFFFFFFF, v0  }
0x7c: {  	v60 =	vld [tilespmem:s3+$0x10];
	v28 =	vsel vm14, $0xFFFFFFFF, v0;
	v58 =	vsel vm15, $0xFFFFFFFF, v0;
	v31 =	vsel vm4, $0xFFFFFFFF, v0  }
0x7d: {  	v62 =	vadd.f32 $1.000000000e+00, v61;
	v38 =	vcvt.f32.s32 v61;
	v59 =	vsub.s32 v56, v35  }
0x7e: {  	v30 =	vsub.s32 v58, v36;
	v53 =	vadd.f32 v19, v40;
	v28 =	vadd.s32 v28, v59  }
0x7f: {  	v31 =	vadd.s32 v31, v30;
	v30 =	vnsel vm5, $0x3F, v55;
	v43 =	vsub.f32 v62, v34  }
0x80: {  	v54 =	vadd.s32 $0x1, v38;
	v29 =	vadd.s32 $0x22, v28;
	v28 =	vadd.s32 $0x22, v31  }
0x81: {  	v31 =	vmul.f32 $6.400000000e+01, v60;
	vm6 =	vlt.s32 v29, $0x2;
	vm7 =	vlt.s32 v28, $0x2  }
0x82: {  	vm8 =	vlt.s32 v29, $0x3;
	vm9 =	vlt.s32 v28, $0x3;
	vm10 =	vlt.s32 v29, $0x4  }
0x83: {  	vm11 =	vlt.s32 v28, $0x4;
	vm12 =	vlt.s32 v29, $0x5;
	vm13 =	vlt.s32 v28, $0x5  }
0x84: {  	vm14 =	vlt.s32 v29, $0x6;
	v43 =	vmul.f32 $3.200000000e+01, v43;
	vm15 =	vlt.s32 v28, $0x6  }
0x85: {  	vm4 =	vlt.s32 v29, $0x7;
	vm5 =	vlt.s32 v28, $0x7;
	v35 =	vsel vm6, v27, v21  }
0x86: {  	v36 =	vsel vm7, v30, v12;
	v37 =	vsel vm8, v27, v21;
	v39 =	vsel vm9, v30, v12  }
0x87: {  	v41 =	vsel vm10, v27, v21;
	v42 =	vsel vm11, v30, v12;
	v45 =	vtrunc.f32 v31  }
0x88: {  	v44 =	vsel vm12, v27, v21;
	v47 =	vsel vm13, v30, v12;
	v46 =	vadd.f32 $1.000000000e+00, v45  }
0x89: {  	v48 =	vsel vm14, v27, v21;
	v33 =	vsel vm15, v30, v12;
	v43 =	vsub.f32 $3.300000000e+01, v43  }
0x8a: {  	v26 =	vld.idx.msk [tilespmem:v26+s20+$0x0], $0xffff;
	v50 =	vsel vm4, v27, v21;
	v51 =	vsel vm5, v30, v12;
	v49 =	vsub.f32 v46, v31  }
0x8b: {  	v59 =	vld.idx.msk [tilespmem:v23+s21+$0x0], $0xffff;
	vm6 =	vlt.s32 v29, $0x8;
	vm7 =	vlt.s32 v28, $0x8;
	v43 =	vtrunc.f32 v43  }
0x8c: {  	vm8 =	vlt.s32 v54, $0x3F;
	v43 =	vcvt.f32.s32 v43;
	v49 =	vmul.f32 $3.200000000e+01, v49  }
0x8d: {  	v11 =	vsel vm6, v27, v21;
	v18 =	vsel vm7, v30, v12;
	v20 =	vcvt.f32.s32 v45  }
0x8e: {  	v52 =	vsub.s32 $0x20, v43;
	v63 =	vsub.s32 $0x21, v43;
	v49 =	vsub.f32 $3.300000000e+01, v49  }
0x8f: {  	v14 =	vnsel vm8, $0x3F, v54;
	v52 =	vcvt.s32.f32 v52;
	v10 =	vcvt.s32.f32 v63  }
0x90: {  	v54 =	vadd.f32 v26, v15;
	v3 =	vadd.f32 v59, v53;
	v49 =	vtrunc.f32 v49  }
0x91: {  	v14 =	vshll.u32 v14, $0x6;
	v55 =	vmul.f32 $3.125000000e-02, v52;
	v10 =	vmul.f32 $3.125000000e-02, v10  }
0x92: {  	v11 =	vadd.s32 v11, v18;
	v58 =	vadd.s32 $0x1, v20;
	v49 =	vcvt.f32.s32 v49  }
0x93: {  	vm9 =	vlt.s32 v58, $0x3F;
	v45 =	vadd.f32 v55, v34;
	v10 =	vadd.f32 v10, v34  }
0x94: {  	v34 =	vnsel vm9, $0x3F, v58;
	v58 =	vadd.s32 v35, v36;
	v56 =	vsub.s32 $0x20, v49  }
0x95: {  	v36 =	vadd.s32 v48, v33;
	v57 =	vsub.s32 $0x21, v49;
	v25 =	vcvt.s32.f32 v56  }
0x96: {  	v52 =	vcvt.s32.f32 v57;
	vm10 =	vge.f32 v45, v62;
	vm11 =	vge.f32 v10, v62  }
0x97: {  	v62 =	vld.idx.msk [tilespmem:v32+s22+$0x0], $0xffff;
	v56 =	vadd.s32 v13, v16;
	v57 =	vadd.s32 v22, v24;
	v45 =	vsel vm10, $0xFFFFFFFF, v0  }
0x98: {  	v63 =	vsel vm11, $0xFFFFFFFF, v0;
	v25 =	vmul.f32 $3.125000000e-02, v25;
	v59 =	vsub.s32 v45, v43  }
0x99: {  	[tilespmem:s10+$0x0] =	vst v21;
	v32 =	vadd.s32 v44, v47;
	v52 =	vmul.f32 $3.125000000e-02, v52;
	v10 =	vadd.s32 v63, v59  }
0x9a: {  	[tilespmem:s9+$0x0] =	vst v27;
	v63 =	vshll.u32 v38, $0x6;
	v38 =	vadd.s32 v50, v51;
	v60 =	vadd.f32 v25, v31  }
0x9b: {  	[tilespmem:s8+$0x0] =	vst v12;
	v61 =	vadd.f32 v52, v31;
	v10 =	vadd.s32 $0x22, v10;
	v44 =	vadd.s32 v20, v63  }
0x9c: {  	[tilespmem:s7+$0x0] =	vst v30;
	v55 =	vadd.f32 v62, v54;
	v62 =	vadd.s32 v12, v21;
	vm14 =	vlt.s32 v10, $0x2  }
0x9d: {  	[tilespmem:s6+$0x0] =	vst v29;
	vm15 =	vlt.s32 v10, $0x3;
	vm4 =	vlt.s32 v10, $0x4;
	vm5 =	vlt.s32 v10, $0x5  }
0x9e: {  	[tilespmem:s5+$0x0] =	vst v28;
	vm6 =	vlt.s32 v10, $0x6;
	vm7 =	vlt.s32 v10, $0x7;
	vm12 =	vge.f32 v60, v46  }
0x9f: {  	v11 =	vld.idx.msk [tilespmem:v11+s24+$0x0], $0xffff;
	vm8 =	vlt.s32 v10, $0x8;
	vm13 =	vge.f32 v61, v46;
	v52 =	vsel vm12, $0xFFFFFFFF, v0  }
0xa0: {  	v9 =	vld.idx.msk [tilespmem:v58+s18+$0x0], $0xffff;
	v60 =	vadd.s32 v37, v39;
	v31 =	vsel vm13, $0xFFFFFFFF, v0;
	v6 =	vsub.s32 v52, v49  }
0xa1: {  	v22 =	vld.idx.msk [tilespmem:v36+s22+$0x0], $0xffff;
	v61 =	vadd.s32 v41, v42;
	v35 =	vsel vm14, v14, v63;
	v6 =	vadd.s32 v31, v6  }
0xa2: {  	v7 =	vld.idx.msk [tilespmem:v56+s23+$0x0], $0xffff;
	v37 =	vsel vm15, v14, v63;
	v39 =	vsel vm4, v14, v63;
	v6 =	vadd.s32 $0x22, v6  }
0xa3: {  	[tilespmem:s10+$0x10] =	vst v63;
	v8 =	vld.idx.msk [tilespmem:v57+s24+$0x0], $0xffff;
	v40 =	vsel vm5, v14, v63;
	v41 =	vsel vm6, v14, v63;
	vm9 =	vlt.s32 v6, $0x2  }
0xa4: {  	[tilespmem:s9+$0x10] =	vst v14;
	v12 =	vld.idx.msk [tilespmem:v32+s21+$0x0], $0xffff;
	v42 =	vsel vm7, v14, v63;
	vm10 =	vlt.s32 v6, $0x3;
	v45 =	vsel vm9, v34, v20  }
0xa5: {  	[tilespmem:s8+$0x10] =	vst v20;
	v48 =	vld.idx.msk [tilespmem:v38+s23+$0x0], $0xffff;
	vm11 =	vlt.s32 v6, $0x4;
	v46 =	vsel vm10, v34, v20;
	v17 =	vadd.s32 v35, v45  }
0xa6: {  	[tilespmem:s7+$0x10] =	vst v34;
	v16 =	vld.idx.msk [tilespmem:v62+s2+$0x0], $0xffff;
	vm12 =	vlt.s32 v6, $0x5;
	v47 =	vsel vm11, v34, v20;
	v21 =	vadd.s32 v37, v46  }
0xa7: {  	[tilespmem:s6+$0x10] =	vst v10;
	v13 =	vld.idx.msk [tilespmem:v60+s19+$0x0], $0xffff;
	vm13 =	vlt.s32 v6, $0x6;
	v49 =	vsel vm12, v34, v20;
	v23 =	vadd.s32 v39, v47  }
0xa8: {  	v15 =	vld.idx.msk [tilespmem:v61+s20+$0x0], $0xffff;
	[tilespmem:s5+$0x10] =	vst v6;
	vm14 =	vlt.s32 v6, $0x7;
	v50 =	vsel vm13, v34, v20;
	v24 =	vadd.s32 v40, v49  }
0xa9: {  	vm15 =	vlt.s32 v6, $0x8;
	v51 =	vsel vm14, v34, v20;
	v52 =	vld.idx.msk [tilespmem:v44+s2+$0x0], $0xffff;
	v19 =	vadd.s32 v41, v50  }
0xaa: {  	v43 =	vsel vm8, v14, v63;
	v54 =	vsel vm15, v34, v20;
	v53 =	vadd.s32 v42, v51;
	v17 =	vld.idx.msk [tilespmem:v17+s18+$0x0], $0xffff  }
0xab: {  	v3 =	vadd.f32 v7, v3;
	v4 =	vadd.f32 v8, v55;
	v55 =	vadd.s32 v43, v54;
	v56 =	vld.idx.msk [tilespmem:v21+s19+$0x0], $0xffff  }
0xac: {  	v57 =	vld.idx.msk [tilespmem:v23+s20+$0x0], $0xffff  }
0xad: {  	v1 =	vadd.f32 v2, v1;
	v2 =	vadd.f32 v4, v3;
	v3 =	vld.idx.msk [tilespmem:v24+s21+$0x0], $0xffff  }
0xae: {  	v9 =	vadd.f32 $0.0e+00, v9;
	v58 =	vadd.f32 $0.0e+00, v16;
	v59 =	vld.idx.msk [tilespmem:v19+s22+$0x0], $0xffff  }
0xaf: {  	v6 =	vadd.f32 $0.0e+00, v52;
	v5 =	vld.idx.msk [tilespmem:v53+s23+$0x0], $0xffff;
	v17 =	vadd.f32 $0.0e+00, v17  }
0xb0: {  	v9 =	vadd.f32 v15, v9;
	v4 =	vadd.f32 v13, v58;
	v7 =	vld.idx.msk [tilespmem:v55+s24+$0x0], $0xffff  }
0xb1: {  	v6 =	vadd.f32 v56, v6;
	v60 =	vadd.f32 v57, v17  }
0xb2: {  	v9 =	vadd.f32 v22, v9;
	v4 =	vadd.f32 v12, v4  }
0xb3: {  	s4 =	sadd.s32 $0x4, s4;
	v3 =	vadd.f32 v3, v6;
	v61 =	vadd.f32 v59, v60  }
0xb4: {  	p0 =	slt.u32 s4, $0xFC;
	v62 =	vadd.f32 v11, v9;
	v4 =	vadd.f32 v48, v4  }
.Ltmp0:
0xb5: {  	v3 =	vadd.f32 v5, v3;
	v63 =	vadd.f32 v7, v61;
	(pc) =	sbr.rel @p0 .LBB2_2-.Ltmp0, $4  }
0xb6: {  	[tilespmem:s14+$0xFFFFFFE0] =	vst v1;
	v1 =	vadd.f32 v62, v4  }
0xb7: {  	s3 =	sadd.s32 $0x40, s3;
	s11 =	sadd.s32 $0x40, s11;
	s10 =	sadd.s32 $0x40, s10;
	[tilespmem:s14+$0xFFFFFFF0] =	vst v2;
	v2 =	vadd.f32 v63, v3  }
0xb8: {  	s9 =	sadd.s32 $0x40, s9;
	s8 =	sadd.s32 $0x40, s8;
	s7 =	sadd.s32 $0x40, s7;
	[tilespmem:s14+$0x0] =	vst v1  }
0xb9: {  	s6 =	sadd.s32 $0x40, s6;
	s5 =	sadd.s32 $0x40, s5;
	[tilespmem:s14+$0x10] =	vst v2;
	s14 =	sadd.s32 $0x40, s14  }
0xba: {  	s3 =	simm.s32 $0x0;
	s4 =	rddreg [dreg:$0x8];
	s7 =	simm.s32 $0x80  }
0xbb: {  	[tilespmem:s3], [sflag:$0x1] =	stream.strided.gather [hbm4b:s4+s7], $0x8000, s12, s7, $0x38;
	[tilespmem:$0x19000] =	vst v63  }
0xbc: {  	_ =	swait.ge [sflag:s25], $0x8000  }
0xbd: {  	[sflag:s25] =	ssyncset.done $0x0  }
0xbe: {  	s14 =	simm.s32 $0x0;
	[sflag:s25] =	ssyncadd.s32 $0xFFFF8000  }
0xbf: {  	v3 =	vld [tilespmem:s14+$0x17030]  }
0xc0: {  	v7 =	vld [tilespmem:s14+$0x18030];
	_ =	sdelay $0x1  }
0xc1: {  	v13 =	vld [tilespmem:s14+$0x13030]  }
0xc2: {  	v14 =	vld [tilespmem:s14+$0x14030]  }
0xc3: {  	v15 =	vld [tilespmem:s14+$0x15030]  }
0xc4: {  	v5 =	vld [tilespmem:s14+$0x18000];
	vm1 =	vlt.s32 v3, $0xF;
	vm2 =	vlt.s32 v7, $0xF  }
0xc5: {  	v16 =	vld [tilespmem:s14+$0x16030];
	vm0 =	vlt.s32 v3, $0x10;
	vm4 =	vlt.s32 v3, $0xD;
	vm5 =	vlt.s32 v7, $0xD  }
0xc6: {  	vm3 =	vlt.s32 v7, $0x10;
	vm6 =	vlt.s32 v3, $0xB;
	vm7 =	vlt.s32 v3, $0xE  }
0xc7: {  	v2 =	vld [tilespmem:s14+$0x18010];
	vm8 =	vlt.s32 v7, $0xE;
	vm9 =	vlt.s32 v7, $0xB;
	vm10 =	vlt.s32 v3, $0xC  }
0xc8: {  	v1 =	vld [tilespmem:s14+$0x17020];
	vm11 =	vlt.s32 v7, $0xC;
	vm12 =	vlt.s32 v3, $0x9;
	vm13 =	vlt.s32 v7, $0x9  }
0xc9: {  	v4 =	vld [tilespmem:s14+$0x17000];
	vm14 =	vlt.s32 v3, $0xA;
	vm15 =	vlt.s32 v5, $0xA;
	v8 =	vsel vm12, v14, v13  }
0xca: {  	v10 =	vsel vm13, v16, v15;
	vm12 =	vlt.s32 v7, $0xA;
	v12 =	vsel vm9, v16, v15  }
0xcb: {  	v19 =	vsel vm11, v16, v15;
	v20 =	vsel vm4, v14, v13;
	v21 =	vsel vm5, v16, v15  }
0xcc: {  	v6 =	vld [tilespmem:s14+$0x17010];
	v22 =	vsel vm8, v16, v15;
	v23 =	vsel vm2, v16, v15;
	vm13 =	vlt.s32 v5, $0x9  }
0xcd: {  	v9 =	vld [tilespmem:s14+$0x13000];
	vm5 =	vlt.s32 v2, $0xA;
	vm2 =	vlt.s32 v1, $0x9;
	vm4 =	vlt.s32 v1, $0xA  }
0xce: {  	v3 =	vld [tilespmem:s14+$0x18020];
	vm8 =	vlt.s32 v4, $0xB;
	vm9 =	vlt.s32 v5, $0xB;
	v7 =	vadd.s32 v8, v10  }
0xcf: {  	v8 =	vsel vm14, v14, v13;
	v11 =	vsel vm12, v16, v15;
	v10 =	vld [tilespmem:s14+$0x14000];
	v20 =	vadd.s32 v20, v21  }
0xd0: {  	v21 =	vsel vm7, v14, v13;
	v17 =	vadd.s32 v8, v11;
	v8 =	vsel vm6, v14, v13;
	v11 =	vld [tilespmem:s14+$0x15000]  }
0xd1: {  	v21 =	vadd.s32 v21, v22;
	v22 =	vsel vm1, v14, v13;
	v18 =	vadd.s32 v8, v12;
	v12 =	vld [tilespmem:s14+$0x16000]  }
0xd2: {  	v8 =	vsel vm10, v14, v13;
	v13 =	vsel vm0, v14, v13;
	v14 =	vsel vm3, v16, v15;
	v16 =	vld [tilespmem:s14+$0x14010]  }
0xd3: {  	vm11 =	vlt.s32 v5, $0xC;
	vm12 =	vlt.s32 v4, $0x9;
	v19 =	vadd.s32 v8, v19;
	v8 =	vld [tilespmem:s14+$0x13010]  }
0xd4: {  	vm14 =	vlt.s32 v4, $0xA;
	vm7 =	vlt.s32 v6, $0x9;
	vm6 =	vlt.s32 v6, $0xA;
	v7 =	vld.idx.msk [tilespmem:v7+s13+$0x0], $0xffff  }
0xd5: {  	v22 =	vadd.s32 v22, v23;
	vm3 =	vlt.s32 v2, $0x9;
	vm10 =	vlt.s32 v4, $0xC;
	v17 =	vld.idx.msk [tilespmem:v17+s26+$0x0], $0xffff  }
0xd6: {  	v13 =	vadd.s32 v13, v14;
	vm0 =	vlt.s32 v3, $0x9;
	vm1 =	vlt.s32 v3, $0xA;
	v15 =	vld.idx.msk [tilespmem:v18+s28+$0x0], $0xffff  }
0xd7: {  	v23 =	vsel vm14, v10, v9;
	vm14 =	vlt.s32 v6, $0xC;
	v28 =	vsel vm10, v10, v9;
	v18 =	vld.idx.msk [tilespmem:v20+s30+$0x0], $0xffff  }
0xd8: {  	vm10 =	vlt.s32 v4, $0x10;
	v20 =	vsel vm12, v10, v9;
	vm12 =	vlt.s32 v6, $0xB;
	v14 =	vld.idx.msk [tilespmem:v19+s29+$0x0], $0xffff  }
0xd9: {  	v27 =	vsel vm9, v12, v11;
	v29 =	vsel vm11, v12, v11;
	vm9 =	vlt.s32 v5, $0xF;
	v19 =	vld.idx.msk [tilespmem:v21+s31+$0x0], $0xffff  }
0xda: {  	vm11 =	vlt.s32 v5, $0x10;
	v21 =	vld.idx.msk [tilespmem:v22+s0+$0x0], $0xffff;
	v22 =	vsel vm13, v12, v11;
	vm13 =	vlt.s32 v2, $0xB  }
0xdb: {  	v24 =	vld.idx.msk [tilespmem:v13+s1+$0x0], $0xffff;
	v7 =	vadd.f32 $0.0e+00, v7;
	v13 =	vadd.f32 $0.0e+00, v17;
	v17 =	vsel vm15, v12, v11  }
0xdc: {  	v32 =	vsel vm12, v16, v8;
	v20 =	vadd.s32 v20, v22;
	v22 =	vadd.s32 v23, v17;
	v17 =	vld [tilespmem:s14+$0x15010]  }
0xdd: {  	v49 =	vsel vm14, v16, v8;
	vm14 =	vlt.s32 v5, $0xD;
	v7 =	vadd.f32 v15, v7;
	v23 =	vld [tilespmem:s14+$0x16010]  }
0xde: {  	vm12 =	vlt.s32 v3, $0xD;
	v55 =	vsel vm14, v12, v11;
	v14 =	vadd.f32 v14, v13  }
0xdf: {  	vm14 =	vlt.s32 v3, $0xE;
	vm15 =	vlt.s32 v2, $0xC;
	v7 =	vadd.f32 v18, v7  }
0xe0: {  	v18 =	vadd.f32 v19, v14;
	v19 =	vsel vm7, v16, v8;
	vm7 =	vlt.s32 v3, $0xB  }
0xe1: {  	v13 =	vld [tilespmem:s14+$0x13020];
	v7 =	vadd.f32 v21, v7;
	v21 =	vsel vm6, v16, v8;
	vm6 =	vlt.s32 v1, $0xB  }
0xe2: {  	v14 =	vld [tilespmem:s14+$0x14020];
	v18 =	vadd.f32 v24, v18;
	v25 =	vsel vm3, v23, v17;
	v26 =	vsel vm5, v23, v17  }
0xe3: {  	vm3 =	vlt.s32 v1, $0xC;
	vm5 =	vlt.s32 v3, $0xC;
	v48 =	vsel vm13, v23, v17  }
0xe4: {  	v33 =	vsel vm15, v23, v17;
	vm15 =	vlt.s32 v1, $0xD;
	vm13 =	vlt.s32 v1, $0xE  }
0xe5: {  	v51 =	vadd.s32 v32, v48;
	v52 =	vadd.s32 v49, v33;
	v7 =	vadd.f32 v18, v7  }
0xe6: {  	v15 =	vld [tilespmem:s14+$0x15020];
	v18 =	vadd.s32 v19, v25;
	v19 =	vadd.s32 v21, v26;
	v26 =	vsel vm8, v10, v9  }
0xe7: {  	v24 =	vld [tilespmem:s14+$0x16020];
	vm8 =	vlt.s32 v1, $0xF;
	v21 =	vsel vm2, v14, v13;
	v25 =	vsel vm4, v14, v13  }
0xe8: {  	v34 =	vsel vm6, v14, v13;
	v36 =	vsel vm3, v14, v13;
	v26 =	vadd.s32 v26, v27  }
0xe9: {  	v27 =	vadd.s32 v28, v29;
	vm2 =	vlt.s32 v4, $0xE;
	vm3 =	vlt.s32 v5, $0xE  }
0xea: {  	v20 =	vld.idx.msk [tilespmem:v20+s13+$0x0], $0xffff;
	vm4 =	vlt.s32 v6, $0xD;
	vm6 =	vlt.s32 v6, $0xE;
	v40 =	vsel vm15, v14, v13  }
0xeb: {  	v22 =	vld.idx.msk [tilespmem:v22+s26+$0x0], $0xffff;
	v42 =	vsel vm13, v14, v13;
	vm15 =	vlt.s32 v4, $0xF;
	vm13 =	vlt.s32 v2, $0xF  }
0xec: {  	v56 =	vsel vm2, v10, v9;
	v57 =	vsel vm3, v12, v11;
	v30 =	vsel vm0, v24, v15;
	v29 =	vld.idx.msk [tilespmem:v51+s28+$0x0], $0xffff  }
0xed: {  	v58 =	vsel vm4, v16, v8;
	v59 =	vadd.s32 v56, v57;
	v21 =	vadd.s32 v21, v30;
	v30 =	vld.idx.msk [tilespmem:v52+s29+$0x0], $0xffff  }
0xee: {  	v38 =	vsel vm6, v16, v8;
	v31 =	vsel vm1, v24, v15;
	v35 =	vsel vm7, v24, v15;
	v18 =	vld.idx.msk [tilespmem:v18+s13+$0x0], $0xffff  }
0xef: {  	v50 =	vsel vm5, v24, v15;
	vm0 =	vlt.s32 v4, $0xD;
	v25 =	vadd.s32 v25, v31;
	v19 =	vld.idx.msk [tilespmem:v19+s26+$0x0], $0xffff  }
0xf0: {  	vm5 =	vlt.s32 v2, $0xD;
	vm7 =	vlt.s32 v2, $0xE;
	v53 =	vadd.s32 v34, v35;
	v26 =	vld.idx.msk [tilespmem:v26+s28+$0x0], $0xffff  }
0xf1: {  	v41 =	vsel vm12, v24, v15;
	v60 =	vsel vm14, v24, v15;
	v28 =	vadd.s32 v36, v50;
	v27 =	vld.idx.msk [tilespmem:v27+s29+$0x0], $0xffff  }
0xf2: {  	vm12 =	vlt.s32 v6, $0xF;
	vm14 =	vlt.s32 v6, $0x10;
	v63 =	vadd.s32 v40, v41;
	v41 =	vld.idx.msk [tilespmem:v59+s31+$0x0], $0xffff  }
0xf3: {  	v6 =	vsel vm15, v10, v9;
	v54 =	vsel vm0, v10, v9;
	v34 =	vadd.s32 v42, v60;
	v21 =	vld.idx.msk [tilespmem:v21+s13+$0x0], $0xffff  }
0xf4: {  	v37 =	vsel vm5, v23, v17;
	v39 =	vsel vm7, v23, v17;
	v32 =	vadd.s32 v54, v55;
	v25 =	vld.idx.msk [tilespmem:v25+s26+$0x0], $0xffff  }
0xf5: {  	v40 =	vsel vm9, v12, v11;
	v9 =	vsel vm10, v10, v9;
	v61 =	vadd.s32 v58, v37;
	v31 =	vld.idx.msk [tilespmem:v53+s28+$0x0], $0xffff  }
0xf6: {  	v10 =	vsel vm11, v12, v11;
	v12 =	vsel vm12, v16, v8;
	v62 =	vadd.s32 v38, v39;
	v4 =	vld.idx.msk [tilespmem:v28+s29+$0x0], $0xffff  }
0xf7: {  	v42 =	vsel vm13, v23, v17;
	vm10 =	vlt.s32 v1, $0x10;
	v9 =	vadd.s32 v9, v10;
	v1 =	vld.idx.msk [tilespmem:v63+s30+$0x0], $0xffff  }
0xf8: {  	v10 =	vadd.s32 v12, v42;
	v12 =	vadd.f32 $0.0e+00, v20;
	v20 =	vld.idx.msk [tilespmem:v34+s31+$0x0], $0xffff  }
0xf9: {  	vm9 =	vlt.s32 v3, $0xF;
	vm11 =	vlt.s32 v3, $0x10;
	v3 =	vadd.f32 $0.0e+00, v22;
	v5 =	vld.idx.msk [tilespmem:v32+s30+$0x0], $0xffff  }
0xfa: {  	vm15 =	vlt.s32 v2, $0x10;
	v16 =	vsel vm14, v16, v8;
	v6 =	vadd.s32 v6, v40;
	v11 =	vld.idx.msk [tilespmem:v61+s30+$0x0], $0xffff  }
0xfb: {  	v17 =	vsel vm15, v23, v17;
	v2 =	vld.idx.msk [tilespmem:v62+s31+$0x0], $0xffff;
	v18 =	vadd.f32 $0.0e+00, v18;
	v3 =	vadd.f32 v27, v3  }
0xfc: {  	s4 =	simm.s32 $0x40;
	v23 =	vsel vm8, v14, v13;
	v8 =	vadd.f32 $0.0e+00, v19;
	v22 =	vld.idx.msk [tilespmem:v9+s1+$0x0], $0xffff;
	v12 =	vadd.f32 v26, v12  }
0xfd: {  	v13 =	vsel vm10, v14, v13;
	v26 =	vld [tilespmem:s4+$0x17030];
	v9 =	vadd.f32 v29, v18;
	v14 =	vadd.f32 v41, v3  }
0xfe: {  	v18 =	vld.idx.msk [tilespmem:v10+s0+$0x0], $0xffff;
	v10 =	vsel vm9, v24, v15;
	v19 =	vadd.f32 $0.0e+00, v21;
	v21 =	vadd.f32 $0.0e+00, v25  }
0xff: {  	v6 =	vld.idx.msk [tilespmem:v6+s0+$0x0], $0xffff;
	v10 =	vadd.s32 v23, v10;
	v25 =	vadd.f32 v30, v8;
	v5 =	vadd.f32 v5, v12  }
0x100: {  	v23 =	vld [tilespmem:s4+$0x14030];
	v12 =	vsel vm11, v24, v15;
	v11 =	vadd.f32 v11, v9;
	v19 =	vadd.f32 v31, v19  }
0x101: {  	v9 =	vadd.s32 v16, v17;
	v24 =	vld [tilespmem:s4+$0x13030];
	v4 =	vadd.f32 v4, v21;
	v2 =	vadd.f32 v2, v25  }
0x102: {  	v15 =	vld [tilespmem:s4+$0x18020];
	vm1 =	vlt.s32 v26, $0xF;
	vm0 =	vlt.s32 v26, $0x10;
	vm4 =	vlt.s32 v26, $0xD  }
0x103: {  	v21 =	vld [tilespmem:s4+$0x18030];
	vm6 =	vlt.s32 v26, $0xB;
	vm7 =	vlt.s32 v26, $0xE;
	vm10 =	vlt.s32 v26, $0xC  }
0x104: {  	vm12 =	vlt.s32 v26, $0x9;
	vm14 =	vlt.s32 v26, $0xA;
	v3 =	vadd.f32 v1, v19  }
0x105: {  	v25 =	vld [tilespmem:s4+$0x16030];
	v1 =	vadd.f32 v20, v4;
	v4 =	vadd.f32 v6, v5;
	v19 =	vadd.s32 v13, v12  }
0x106: {  	v6 =	vadd.f32 v22, v14;
	v22 =	vld [tilespmem:s4+$0x15030];
	v5 =	vadd.f32 v18, v11;
	v17 =	vsel vm12, v23, v24  }
0x107: {  	v8 =	vld [tilespmem:s4+$0x17000];
	v45 =	vsel vm4, v23, v24;
	v47 =	vsel vm7, v23, v24;
	v49 =	vsel vm1, v23, v24  }
0x108: {  	v11 =	vld [tilespmem:s4+$0x18000];
	vm1 =	vlt.s32 v15, $0xA;
	vm2 =	vlt.s32 v21, $0xF;
	vm5 =	vlt.s32 v21, $0xD  }
0x109: {  	v12 =	vld [tilespmem:s4+$0x17010];
	vm3 =	vlt.s32 v21, $0x10;
	vm8 =	vlt.s32 v21, $0xE;
	vm9 =	vlt.s32 v21, $0xB  }
0x10a: {  	v13 =	vld [tilespmem:s4+$0x18010];
	vm11 =	vlt.s32 v21, $0xC;
	vm13 =	vlt.s32 v21, $0x9;
	vm12 =	vlt.s32 v21, $0xA  }
0x10b: {  	v14 =	vld [tilespmem:s4+$0x17020];
	v18 =	vsel vm13, v25, v22;
	v20 =	vsel vm12, v25, v22;
	v21 =	vsel vm9, v25, v22  }
0x10c: {  	v44 =	vsel vm11, v25, v22;
	v46 =	vsel vm5, v25, v22;
	v48 =	vsel vm8, v25, v22  }
0x10d: {  	v33 =	vld [tilespmem:s4+$0x14010];
	v50 =	vsel vm2, v25, v22;
	v22 =	vsel vm3, v25, v22;
	vm12 =	vlt.s32 v8, $0x9  }
0x10e: {  	v34 =	vld [tilespmem:s4+$0x15020];
	vm13 =	vlt.s32 v11, $0x9;
	vm15 =	vlt.s32 v11, $0xA;
	vm7 =	vlt.s32 v12, $0x9  }
0x10f: {  	v16 =	vld [tilespmem:s4+$0x13000];
	vm4 =	vlt.s32 v13, $0x9;
	vm5 =	vlt.s32 v13, $0xA;
	v26 =	vadd.s32 v17, v18  }
0x110: {  	vm2 =	vlt.s32 v14, $0x9;
	v18 =	vsel vm14, v23, v24;
	v17 =	vld [tilespmem:s4+$0x14000];
	v31 =	vadd.s32 v47, v48  }
0x111: {  	vm3 =	vlt.s32 v14, $0xA;
	v27 =	vadd.s32 v18, v20;
	v20 =	vsel vm6, v23, v24;
	v18 =	vld [tilespmem:s4+$0x15000]  }
0x112: {  	vm8 =	vlt.s32 v8, $0xB;
	v43 =	vadd.s32 v20, v21;
	v21 =	vsel vm10, v23, v24;
	v20 =	vld [tilespmem:s4+$0x16000]  }
0x113: {  	vm9 =	vlt.s32 v11, $0xB;
	vm11 =	vlt.s32 v11, $0xC;
	v29 =	vadd.s32 v21, v44;
	v21 =	vld [tilespmem:s4+$0x13010]  }
0x114: {  	v30 =	vadd.s32 v45, v46;
	v32 =	vadd.s32 v49, v50;
	vm14 =	vlt.s32 v8, $0xA;
	v26 =	vld.idx.msk [tilespmem:v26+s13+$0x0], $0xffff  }
0x115: {  	vm6 =	vlt.s32 v12, $0xA;
	v23 =	vsel vm0, v23, v24;
	vm0 =	vlt.s32 v15, $0x9;
	v51 =	vld.idx.msk [tilespmem:v31+s31+$0x0], $0xffff  }
0x116: {  	vm10 =	vlt.s32 v8, $0xC;
	v22 =	vadd.s32 v23, v22;
	v52 =	vsel vm12, v17, v16;
	v31 =	vld [tilespmem:s4+$0x16020]  }
0x117: {  	v55 =	vsel vm14, v17, v16;
	vm12 =	vlt.s32 v12, $0xB;
	vm14 =	vlt.s32 v12, $0xC;
	v27 =	vld.idx.msk [tilespmem:v27+s26+$0x0], $0xffff  }
0x118: {  	v62 =	vsel vm8, v17, v16;
	v48 =	vsel vm10, v17, v16;
	v24 =	vld.idx.msk [tilespmem:v43+s28+$0x0], $0xffff;
	v53 =	vsel vm13, v20, v18  }
0x119: {  	v56 =	vsel vm15, v20, v18;
	vm13 =	vlt.s32 v13, $0xB;
	vm15 =	vlt.s32 v13, $0xC;
	v23 =	vld.idx.msk [tilespmem:v29+s29+$0x0], $0xffff  }
0x11a: {  	v25 =	vld.idx.msk [tilespmem:v30+s30+$0x0], $0xffff;
	v63 =	vsel vm9, v20, v18;
	v49 =	vsel vm11, v20, v18;
	v29 =	vadd.s32 v52, v53  }
0x11b: {  	v54 =	vld.idx.msk [tilespmem:v32+s0+$0x0], $0xffff;
	v30 =	vadd.s32 v55, v56;
	v57 =	vsel vm7, v33, v21;
	v26 =	vadd.f32 $0.0e+00, v26  }
0x11c: {  	v32 =	vld [tilespmem:s4+$0x15010];
	vm7 =	vlt.s32 v15, $0xB;
	v52 =	vsel vm12, v33, v21;
	v27 =	vadd.f32 $0.0e+00, v27  }
0x11d: {  	v22 =	vld.idx.msk [tilespmem:v22+s1+$0x0], $0xffff;
	v36 =	vadd.s32 v62, v63;
	v37 =	vadd.s32 v48, v49;
	v24 =	vadd.f32 v24, v26  }
0x11e: {  	vm12 =	vlt.s32 v15, $0xD;
	v50 =	vsel vm0, v31, v34;
	v26 =	vld [tilespmem:s4+$0x16010];
	v23 =	vadd.f32 v23, v27  }
0x11f: {  	v45 =	vsel vm7, v31, v34;
	vm0 =	vlt.s32 v8, $0xD;
	v24 =	vadd.f32 v25, v24  }
0x120: {  	vm7 =	vlt.s32 v13, $0xE;
	v49 =	vsel vm12, v31, v34;
	v23 =	vadd.f32 v51, v23  }
0x121: {  	vm12 =	vlt.s32 v14, $0xF;
	v51 =	vsel vm1, v31, v34;
	v24 =	vadd.f32 v54, v24  }
0x122: {  	v54 =	vsel vm14, v33, v21;
	vm14 =	vlt.s32 v11, $0xD;
	v22 =	vadd.f32 v22, v23  }
0x123: {  	v27 =	vld [tilespmem:s4+$0x13020];
	v23 =	vsel vm6, v33, v21;
	vm6 =	vlt.s32 v14, $0xB;
	v58 =	vsel vm4, v26, v32  }
0x124: {  	v25 =	vld [tilespmem:s4+$0x14020];
	v59 =	vsel vm5, v26, v32;
	vm4 =	vlt.s32 v14, $0xC;
	vm5 =	vlt.s32 v15, $0xC  }
0x125: {  	v53 =	vsel vm13, v26, v32;
	v43 =	vsel vm15, v26, v32;
	vm15 =	vlt.s32 v14, $0xD  }
0x126: {  	vm13 =	vlt.s32 v14, $0xE;
	v47 =	vsel vm7, v26, v32;
	vm7 =	vlt.s32 v13, $0x10  }
0x127: {  	[tilespmem:s14+$0x12030] =	vst.add.f32.msk $0xffff, v7;
	v23 =	vadd.s32 v23, v59;
	v55 =	vsel vm5, v31, v34;
	v56 =	vadd.s32 v52, v53  }
0x128: {  	v7 =	vld.idx.msk [tilespmem:v9+s1+$0x0], $0xffff;
	vm5 =	vlt.s32 v13, $0xD;
	v59 =	vsel vm14, v20, v18;
	vm14 =	vlt.s32 v15, $0xE  }
0x129: {  	v9 =	vld.idx.msk [tilespmem:v10+s0+$0x0], $0xffff;
	v22 =	vadd.f32 v22, v24;
	v24 =	vadd.s32 v57, v58;
	v60 =	vsel vm2, v25, v27  }
0x12a: {  	v10 =	vld.idx.msk [tilespmem:v19+s1+$0x0], $0xffff;
	v61 =	vsel vm3, v25, v27;
	v44 =	vsel vm6, v25, v27;
	v46 =	vsel vm4, v25, v27  }
0x12b: {  	v29 =	vld.idx.msk [tilespmem:v29+s13+$0x0], $0xffff;
	v57 =	vadd.s32 v54, v43;
	vm2 =	vlt.s32 v8, $0xE;
	vm3 =	vlt.s32 v11, $0xE  }
0x12c: {  	v30 =	vld.idx.msk [tilespmem:v30+s26+$0x0], $0xffff;
	vm4 =	vlt.s32 v12, $0xD;
	vm6 =	vlt.s32 v12, $0xE;
	v19 =	vsel vm5, v26, v32  }
0x12d: {  	v36 =	vld.idx.msk [tilespmem:v36+s28+$0x0], $0xffff;
	v48 =	vsel vm15, v25, v27;
	v53 =	vsel vm14, v31, v34;
	vm15 =	vlt.s32 v11, $0xF  }
0x12e: {  	v37 =	vld.idx.msk [tilespmem:v37+s29+$0x0], $0xffff;
	vm5 =	vlt.s32 v13, $0xF;
	vm14 =	vlt.s32 v14, $0x10;
	v28 =	vadd.s32 v60, v50  }
0x12f: {  	v35 =	vadd.s32 v61, v51;
	v58 =	vadd.s32 v44, v45;
	v38 =	vadd.s32 v46, v55;
	[tilespmem:s4+$0x12030] =	vst.add.f32.msk $0xffff, v22  }
0x130: {  	v60 =	vsel vm2, v17, v16;
	v61 =	vsel vm3, v20, v18;
	v62 =	vsel vm4, v33, v21;
	v23 =	vld.idx.msk [tilespmem:v23+s26+$0x0], $0xffff  }
0x131: {  	v63 =	vsel vm6, v33, v21;
	v50 =	vsel vm13, v25, v27;
	v55 =	vadd.s32 v48, v49;
	v39 =	vld.idx.msk [tilespmem:v56+s28+$0x0], $0xffff  }
0x132: {  	vm2 =	vlt.s32 v8, $0x10;
	vm3 =	vlt.s32 v11, $0x10;
	vm4 =	vlt.s32 v12, $0xF;
	v24 =	vld.idx.msk [tilespmem:v24+s13+$0x0], $0xffff  }
0x133: {  	vm6 =	vlt.s32 v12, $0x10;
	vm13 =	vlt.s32 v15, $0xF;
	v11 =	vsel vm15, v20, v18;
	v14 =	vld.idx.msk [tilespmem:v57+s29+$0x0], $0xffff  }
0x134: {  	vm15 =	vlt.s32 v15, $0x10;
	v22 =	vsel vm0, v17, v16;
	v52 =	vadd.s32 v60, v61;
	v28 =	vld.idx.msk [tilespmem:v28+s13+$0x0], $0xffff  }
0x135: {  	v19 =	vadd.s32 v62, v19;
	v54 =	vadd.s32 v63, v47;
	v22 =	vadd.s32 v22, v59;
	v35 =	vld.idx.msk [tilespmem:v35+s26+$0x0], $0xffff  }
0x136: {  	vm0 =	vlt.s32 v8, $0xF;
	v43 =	vadd.s32 v50, v53;
	v12 =	vsel vm2, v17, v16;
	v15 =	vld.idx.msk [tilespmem:v58+s28+$0x0], $0xffff  }
0x137: {  	v13 =	vsel vm3, v20, v18;
	v18 =	vsel vm5, v26, v32;
	v8 =	vsel vm0, v17, v16;
	v17 =	vld.idx.msk [tilespmem:v38+s29+$0x0], $0xffff  }
0x138: {  	v20 =	vsel vm6, v33, v21;
	v26 =	vsel vm7, v26, v32;
	v61 =	vadd.s32 v12, v13;
	v12 =	vld.idx.msk [tilespmem:v55+s30+$0x0], $0xffff  }
0x139: {  	v57 =	vsel vm12, v25, v27;
	v27 =	vsel vm14, v25, v27;
	v25 =	vadd.f32 $0.0e+00, v30;
	v59 =	vld.idx.msk [tilespmem:v52+s31+$0x0], $0xffff  }
0x13a: {  	v16 =	vsel vm4, v33, v21;
	v60 =	vadd.s32 v8, v11;
	v56 =	vld.idx.msk [tilespmem:v22+s30+$0x0], $0xffff;
	v22 =	vadd.f32 $0.0e+00, v29  }
0x13b: {  	v21 =	vadd.s32 v16, v18;
	v8 =	vld.idx.msk [tilespmem:v19+s30+$0x0], $0xffff;
	v63 =	vadd.f32 v37, v25;
	v23 =	vadd.f32 $0.0e+00, v23  }
0x13c: {  	v58 =	vsel vm13, v31, v34;
	v11 =	vld.idx.msk [tilespmem:v54+s31+$0x0], $0xffff;
	v24 =	vadd.f32 $0.0e+00, v24;
	v18 =	vadd.f32 v36, v22  }
0x13d: {  	v31 =	vsel vm15, v31, v34;
	v13 =	vld.idx.msk [tilespmem:v43+s31+$0x0], $0xffff;
	v28 =	vadd.f32 $0.0e+00, v28;
	v62 =	vadd.f32 $0.0e+00, v35  }
0x13e: {  	v19 =	vadd.s32 v20, v26;
	v22 =	vadd.f32 v14, v23;
	v24 =	vadd.f32 v39, v24  }
0x13f: {  	v16 =	vadd.s32 v57, v58;
	v14 =	vld.idx.msk [tilespmem:v60+s0+$0x0], $0xffff;
	v25 =	vadd.f32 v15, v28;
	v23 =	vadd.f32 v17, v62  }
0x140: {  	s5 =	simm.s32 $0x200;
	s3 =	simm.s32 $0x4;
	v17 =	vadd.s32 v27, v31;
	v20 =	vadd.f32 v56, v18;
	v15 =	vadd.f32 v59, v63;
	v18 =	vld.idx.msk [tilespmem:v61+s1+$0x0], $0xffff  }
.LBB2_4:
0x141: {  	s6 =	sshra.s32 s5, $0x2;
	v27 =	vadd.f32 v8, v24;
	v8 =	vadd.f32 v11, v22;
	v11 =	vld.idx.msk [tilespmem:v21+s0+$0x0], $0xffff  }
0x142: {  	v12 =	vadd.f32 v12, v25;
	v13 =	vadd.f32 v13, v23;
	v21 =	vld [tilespmem:s6+$0x17030]  }
0x143: {  	v7 =	vadd.f32 v7, v2;
	v9 =	vadd.f32 v9, v3;
	v22 =	vld [tilespmem:s6+$0x18030];
	v2 =	vmov v8  }
0x144: {  	v25 =	vadd.f32 v6, v4;
	v10 =	vadd.f32 v10, v1;
	v3 =	vmovc v12;
	v1 =	vmov v13;
	v8 =	vld [tilespmem:s6+$0x17000]  }
0x145: {  	v26 =	vadd.f32 v7, v5;
	v4 =	vadd.f32 v14, v20;
	v28 =	vld [tilespmem:s6+$0x13030]  }
0x146: {  	v24 =	vadd.f32 v10, v9;
	v6 =	vadd.f32 v18, v15;
	v7 =	vld [tilespmem:s6+$0x14030]  }
0x147: {  	s3 =	sadd.s32 $0x4, s3;
	v5 =	vadd.f32 v11, v27;
	v9 =	vld [tilespmem:s6+$0x15030]  }
0x148: {  	p0 =	slt.u32 s3, $0xFC;
	vm1 =	vlt.s32 v21, $0xF;
	vm0 =	vlt.s32 v21, $0x10;
	v10 =	vld [tilespmem:s6+$0x16030];
	vm2 =	vlt.s32 v22, $0xF  }
0x149: {  	vm4 =	vlt.s32 v21, $0xD;
	vm5 =	vlt.s32 v22, $0xD;
	vm3 =	vlt.s32 v22, $0x10;
	v11 =	vld [tilespmem:s6+$0x18000]  }
0x14a: {  	vm8 =	vlt.s32 v21, $0xB;
	vm6 =	vlt.s32 v21, $0xE;
	vm7 =	vlt.s32 v22, $0xE;
	v12 =	vld [tilespmem:s6+$0x17010]  }
0x14b: {  	vm10 =	vlt.s32 v21, $0xC;
	vm9 =	vlt.s32 v22, $0xB;
	vm11 =	vlt.s32 v22, $0xC;
	v13 =	vld [tilespmem:s6+$0x18010]  }
0x14c: {  	vm12 =	vlt.s32 v21, $0x9;
	vm14 =	vlt.s32 v21, $0xA;
	vm13 =	vlt.s32 v22, $0x9;
	v14 =	vld [tilespmem:s6+$0x17020]  }
0x14d: {  	v20 =	vsel vm12, v7, v28;
	vm12 =	vlt.s32 v22, $0xA;
	v15 =	vld [tilespmem:s6+$0x18020];
	v21 =	vsel vm13, v10, v9  }
0x14e: {  	v22 =	vsel vm12, v10, v9;
	v18 =	vld [tilespmem:s6+$0x13000];
	v27 =	vadd.s32 v20, v21;
	v21 =	vsel vm14, v7, v28  }
0x14f: {  	v23 =	vsel vm9, v10, v9;
	v20 =	vld [tilespmem:s6+$0x14000];
	v29 =	vadd.s32 v21, v22;
	v22 =	vsel vm8, v7, v28  }
0x150: {  	v31 =	vsel vm11, v10, v9;
	v21 =	vld [tilespmem:s6+$0x15000];
	v30 =	vadd.s32 v22, v23;
	v22 =	vsel vm10, v7, v28  }
0x151: {  	v32 =	vsel vm4, v7, v28;
	v33 =	vsel vm5, v10, v9;
	v23 =	vld [tilespmem:s6+$0x16000];
	v31 =	vadd.s32 v22, v31  }
0x152: {  	v34 =	vsel vm7, v10, v9;
	v32 =	vadd.s32 v32, v33;
	v33 =	vsel vm6, v7, v28;
	v22 =	vld [tilespmem:s6+$0x13010]  }
0x153: {  	v35 =	vsel vm2, v10, v9;
	v33 =	vadd.s32 v33, v34;
	v34 =	vsel vm1, v7, v28;
	v27 =	vld.idx.msk [tilespmem:v27+s13+$0x0], $0xffff  }
0x154: {  	v9 =	vsel vm3, v10, v9;
	v34 =	vadd.s32 v34, v35;
	v7 =	vsel vm0, v7, v28;
	v29 =	vld.idx.msk [tilespmem:v29+s26+$0x0], $0xffff  }
0x155: {  	vm7 =	vlt.s32 v11, $0x9;
	vm1 =	vlt.s32 v8, $0x9;
	v7 =	vadd.s32 v7, v9;
	v10 =	vld.idx.msk [tilespmem:v30+s28+$0x0], $0xffff  }
0x156: {  	vm9 =	vlt.s32 v8, $0xA;
	vm8 =	vlt.s32 v12, $0x9;
	vm10 =	vlt.s32 v11, $0xA;
	v9 =	vld.idx.msk [tilespmem:v31+s29+$0x0], $0xffff  }
0x157: {  	vm6 =	vlt.s32 v12, $0xA;
	vm4 =	vlt.s32 v13, $0x9;
	vm5 =	vlt.s32 v13, $0xA;
	v31 =	vld.idx.msk [tilespmem:v32+s30+$0x0], $0xffff  }
0x158: {  	vm2 =	vlt.s32 v14, $0x9;
	vm3 =	vlt.s32 v14, $0xA;
	vm0 =	vlt.s32 v15, $0x9;
	v32 =	vld.idx.msk [tilespmem:v33+s31+$0x0], $0xffff  }
0x159: {  	v28 =	vsel vm1, v20, v18;
	vm1 =	vlt.s32 v15, $0xA;
	v30 =	vsel vm7, v23, v21;
	v33 =	vld.idx.msk [tilespmem:v34+s0+$0x0], $0xffff  }
0x15a: {  	v35 =	vadd.f32 $0.0e+00, v27;
	v34 =	vsel vm9, v20, v18;
	v29 =	vadd.f32 $0.0e+00, v29;
	v7 =	vld.idx.msk [tilespmem:v7+s1+$0x0], $0xffff  }
0x15b: {  	vm7 =	vlt.s32 v8, $0xB;
	v36 =	vadd.s32 v28, v30;
	v28 =	vsel vm10, v23, v21;
	v27 =	vld [tilespmem:s6+$0x14010]  }
0x15c: {  	v37 =	vadd.s32 v34, v28;
	v10 =	vadd.f32 v10, v35;
	v9 =	vadd.f32 v9, v29;
	v28 =	vld [tilespmem:s6+$0x15010]  }
0x15d: {  	vm15 =	vlt.s32 v8, $0xC;
	vm14 =	vlt.s32 v11, $0xB;
	vm13 =	vlt.s32 v11, $0xC;
	v30 =	vld [tilespmem:s6+$0x16010]  }
0x15e: {  	vm12 =	vlt.s32 v12, $0xB;
	v10 =	vadd.f32 v31, v10;
	v9 =	vadd.f32 v32, v9;
	v29 =	vld [tilespmem:s6+$0x13020]  }
0x15f: {  	vm11 =	vlt.s32 v13, $0xC;
	vm10 =	vlt.s32 v12, $0xC;
	vm9 =	vlt.s32 v13, $0xB;
	v32 =	vld [tilespmem:s6+$0x14020]  }
0x160: {  	v10 =	vadd.f32 v33, v10;
	v7 =	vadd.f32 v7, v9;
	v38 =	vsel vm8, v27, v22;
	v31 =	vld [tilespmem:s6+$0x15020]  }
0x161: {  	v9 =	vsel vm6, v27, v22;
	vm6 =	vlt.s32 v14, $0xB;
	vm8 =	vlt.s32 v15, $0xB;
	v33 =	vld [tilespmem:s6+$0x16020]  }
0x162: {  	v7 =	vadd.f32 v7, v10;
	v34 =	vld.idx.msk [tilespmem:v36+s13+$0x0], $0xffff;
	v36 =	vsel vm4, v30, v28;
	v39 =	vsel vm5, v30, v28  }
0x163: {  	vm4 =	vlt.s32 v14, $0xC;
	v35 =	vld.idx.msk [tilespmem:v37+s26+$0x0], $0xffff;
	v36 =	vadd.s32 v38, v36;
	v37 =	vadd.s32 v9, v39  }
0x164: {  	v10 =	vsel vm2, v32, v29;
	v38 =	vsel vm3, v32, v29;
	vm2 =	vlt.s32 v15, $0xC;
	[tilespmem:s6+$0x12030] =	vst.add.f32.msk $0xffff, v7  }
0x165: {  	v41 =	vsel vm15, v20, v18;
	v40 =	vsel vm14, v23, v21;
	v39 =	vsel vm7, v20, v18;
	v7 =	vld.idx.msk [tilespmem:v19+s1+$0x0], $0xffff  }
0x166: {  	v19 =	vsel vm13, v23, v21;
	v42 =	vsel vm0, v33, v31;
	v43 =	vsel vm1, v33, v31;
	v9 =	vld.idx.msk [tilespmem:v16+s0+$0x0], $0xffff  }
0x167: {  	v16 =	vsel vm12, v27, v22;
	v42 =	vadd.s32 v10, v42;
	v38 =	vadd.s32 v38, v43;
	v10 =	vld.idx.msk [tilespmem:v17+s1+$0x0], $0xffff  }
0x168: {  	v44 =	vsel vm11, v30, v28;
	v43 =	vsel vm10, v27, v22;
	v17 =	vld.idx.msk [tilespmem:v36+s13+$0x0], $0xffff;
	v36 =	vsel vm9, v30, v28  }
0x169: {  	v45 =	vsel vm6, v32, v29;
	v47 =	vsel vm4, v32, v29;
	v46 =	vsel vm8, v33, v31;
	v37 =	vld.idx.msk [tilespmem:v37+s26+$0x0], $0xffff  }
0x16a: {  	v39 =	vadd.s32 v39, v40;
	v19 =	vadd.s32 v41, v19;
	v40 =	vsel vm2, v33, v31;
	[tilespmem:s14+$0x12000] =	vst.add.f32.msk $0xffff, v25  }
0x16b: {  	v16 =	vadd.s32 v16, v36;
	v36 =	vadd.s32 v45, v46;
	v25 =	vadd.s32 v43, v44;
	[tilespmem:s14+$0x12010] =	vst.add.f32.msk $0xffff, v26  }
0x16c: {  	vm0 =	vlt.s32 v8, $0xD;
	vm1 =	vlt.s32 v11, $0xD;
	v40 =	vadd.s32 v47, v40;
	v26 =	vld.idx.msk [tilespmem:v42+s13+$0x0], $0xffff  }
0x16d: {  	vm3 =	vlt.s32 v11, $0xE;
	vm4 =	vlt.s32 v12, $0xD;
	vm2 =	vlt.s32 v8, $0xE;
	v38 =	vld.idx.msk [tilespmem:v38+s26+$0x0], $0xffff  }
0x16e: {  	vm5 =	vlt.s32 v13, $0xD;
	vm7 =	vlt.s32 v13, $0xE;
	vm6 =	vlt.s32 v12, $0xE;
	[tilespmem:s14+$0x12020] =	vst.add.f32.msk $0xffff, v24;
	s14 =	smov.u32 s4;
	s4 =	smov.u32 s6  }
0x16f: {  	vm8 =	vlt.s32 v14, $0xD;
	vm10 =	vlt.s32 v14, $0xE;
	vm9 =	vlt.s32 v15, $0xD;
	v24 =	vld.idx.msk [tilespmem:v39+s28+$0x0], $0xffff  }
0x170: {  	v41 =	vsel vm1, v23, v21;
	v39 =	vld.idx.msk [tilespmem:v19+s29+$0x0], $0xffff;
	v19 =	vsel vm0, v20, v18;
	vm0 =	vlt.s32 v15, $0xE  }
0x171: {  	v43 =	vsel vm3, v23, v21;
	v42 =	vsel vm2, v20, v18;
	v44 =	vld.idx.msk [tilespmem:v16+s28+$0x0], $0xffff;
	v16 =	vsel vm4, v27, v22  }
0x172: {  	v47 =	vsel vm7, v30, v28;
	v45 =	vsel vm5, v30, v28;
	v46 =	vsel vm6, v27, v22;
	v25 =	vld.idx.msk [tilespmem:v25+s29+$0x0], $0xffff  }
0x173: {  	v48 =	vsel vm8, v32, v29;
	v50 =	vsel vm10, v32, v29;
	v49 =	vsel vm9, v33, v31;
	v36 =	vld.idx.msk [tilespmem:v36+s28+$0x0], $0xffff  }
0x174: {  	v19 =	vadd.s32 v19, v41;
	v41 =	vadd.s32 v42, v43;
	v42 =	vsel vm0, v33, v31;
	v40 =	vld.idx.msk [tilespmem:v40+s29+$0x0], $0xffff  }
0x175: {  	v43 =	vadd.s32 v46, v47;
	v16 =	vadd.s32 v16, v45;
	v45 =	vadd.s32 v48, v49  }
0x176: {  	vm1 =	vlt.s32 v11, $0xF;
	vm0 =	vlt.s32 v8, $0xF;
	v42 =	vadd.s32 v50, v42  }
0x177: {  	vm3 =	vlt.s32 v11, $0x10;
	vm2 =	vlt.s32 v8, $0x10;
	vm4 =	vlt.s32 v12, $0xF  }
0x178: {  	vm7 =	vlt.s32 v13, $0x10;
	vm5 =	vlt.s32 v13, $0xF;
	vm6 =	vlt.s32 v12, $0x10  }
0x179: {  	vm8 =	vlt.s32 v14, $0xF;
	vm10 =	vlt.s32 v14, $0x10;
	vm9 =	vlt.s32 v15, $0xF;
	v46 =	vld.idx.msk [tilespmem:v19+s30+$0x0], $0xffff  }
0x17a: {  	v14 =	vsel vm0, v20, v18;
	vm0 =	vlt.s32 v15, $0x10;
	v19 =	vsel vm1, v23, v21;
	v41 =	vld.idx.msk [tilespmem:v41+s31+$0x0], $0xffff  }
0x17b: {  	v15 =	vsel vm2, v20, v18;
	v18 =	vsel vm3, v23, v21;
	v8 =	vld.idx.msk [tilespmem:v16+s30+$0x0], $0xffff;
	v16 =	vsel vm4, v27, v22  }
0x17c: {  	v20 =	vsel vm5, v30, v28;
	v23 =	vsel vm7, v30, v28;
	v22 =	vsel vm6, v27, v22;
	v11 =	vld.idx.msk [tilespmem:v43+s31+$0x0], $0xffff  }
0x17d: {  	v28 =	vsel vm9, v33, v31;
	v27 =	vsel vm8, v32, v29;
	v29 =	vsel vm10, v32, v29;
	v12 =	vld.idx.msk [tilespmem:v45+s30+$0x0], $0xffff  }
0x17e: {  	v30 =	vadd.f32 $0.0e+00, v34;
	v31 =	vsel vm0, v33, v31;
	v32 =	vadd.f32 $0.0e+00, v35;
	v13 =	vld.idx.msk [tilespmem:v42+s31+$0x0], $0xffff  }
0x17f: {  	v33 =	vadd.f32 $0.0e+00, v17;
	v34 =	vadd.f32 $0.0e+00, v37;
	v14 =	vadd.s32 v14, v19  }
0x180: {  	v18 =	vadd.s32 v15, v18;
	v15 =	vadd.f32 $0.0e+00, v26;
	v26 =	vadd.f32 $0.0e+00, v38  }
.Ltmp1:
0x181: {  	v21 =	vadd.s32 v16, v20;
	v19 =	vadd.s32 v22, v23;
	v16 =	vadd.s32 v27, v28;
	(pc) =	sbr.rel @p0 .LBB2_4-.Ltmp1, $4  }
0x182: {  	v20 =	vadd.f32 v24, v30;
	v17 =	vadd.s32 v29, v31;
	v27 =	vadd.f32 v39, v32  }
0x183: {  	v24 =	vadd.f32 v44, v33;
	v22 =	vadd.f32 v25, v34  }
0x184: {  	v25 =	vadd.f32 v36, v15;
	v23 =	vadd.f32 v40, v26;
	v14 =	vld.idx.msk [tilespmem:v14+s0+$0x0], $0xffff  }
0x185: {  	s5 =	sadd.s32 $0x100, s5;
	v20 =	vadd.f32 v46, v20;
	v15 =	vadd.f32 v41, v27;
	v18 =	vld.idx.msk [tilespmem:v18+s1+$0x0], $0xffff  }
0x186: {  	_ =	sdelay $0x3  }
0x187: {  	v8 =	vadd.f32 v8, v24;
	v21 =	vld.idx.msk [tilespmem:v21+s0+$0x0], $0xffff  }
0x188: {  	v11 =	vadd.f32 v11, v22;
	v12 =	vadd.f32 v12, v25;
	v19 =	vld.idx.msk [tilespmem:v19+s1+$0x0], $0xffff  }
0x189: {  	v2 =	vadd.f32 v7, v2;
	v7 =	vld.idx.msk [tilespmem:v16+s0+$0x0], $0xffff;
	v3 =	vadd.f32 v9, v3  }
0x18a: {  	v4 =	vadd.f32 v6, v4;
	v6 =	vld.idx.msk [tilespmem:v17+s1+$0x0], $0xffff;
	v1 =	vadd.f32 v10, v1  }
0x18b: {  	v13 =	vadd.f32 v13, v23;
	v2 =	vadd.f32 v2, v5  }
0x18c: {  	v1 =	vadd.f32 v1, v3;
	v9 =	vadd.f32 v14, v20  }
0x18d: {  	v5 =	vadd.f32 v18, v15;
	v3 =	vadd.f32 v21, v8  }
0x18e: {  	[tilespmem:s14+$0x12000] =	vst.add.f32.msk $0xffff, v4;
	v4 =	vadd.f32 v19, v11;
	v7 =	vadd.f32 v7, v12  }
0x18f: {  	[tilespmem:s14+$0x12010] =	vst.add.f32.msk $0xffff, v2;
	v2 =	vadd.f32 v5, v9;
	v5 =	vadd.f32 v6, v13  }
0x190: {  	[tilespmem:s14+$0x12020] =	vst.add.f32.msk $0xffff, v1;
	v1 =	vadd.f32 v4, v3  }
0x191: {  	v3 =	vadd.f32 v5, v7;
	[tilespmem:s4+$0x12000] =	vst.add.f32.msk $0xffff, v2  }
0x192: {  	[tilespmem:s4+$0x12010] =	vst.add.f32.msk $0xffff, v1  }
0x193: {  	[tilespmem:s4+$0x12020] =	vst.add.f32.msk $0xffff, v3  }
0x194: {  	s3 =	rddreg [dreg:$0x9]  }
0x195: {  	[tilespmem:s13], [sflag:$0x2] =	stream.strided.gather [hbm4b:s3+s7], $0x8000, s12, s7, $0x38;
	[tilespmem:$0x19000] =	vst v63  }
0x196: {  	_ =	swait.ge [sflag:s17], $0x8000  }
0x197: {  	[sflag:s17] =	ssyncset.done $0x0  }
0x198: {  	s14 =	simm.s32 $0x0;
	[sflag:s17] =	ssyncadd.s32 $0xFFFF8000  }
0x199: {  	v3 =	vld [tilespmem:s14+$0x17030]  }
0x19a: {  	v7 =	vld [tilespmem:s14+$0x18030];
	_ =	sdelay $0x1  }
0x19b: {  	v13 =	vld [tilespmem:s14+$0x13030]  }
0x19c: {  	v14 =	vld [tilespmem:s14+$0x14030]  }
0x19d: {  	v15 =	vld [tilespmem:s14+$0x15030]  }
0x19e: {  	v5 =	vld [tilespmem:s14+$0x18000];
	vm1 =	vlt.s32 v3, $0x17;
	vm2 =	vlt.s32 v7, $0x17  }
0x19f: {  	v16 =	vld [tilespmem:s14+$0x16030];
	vm0 =	vlt.s32 v3, $0x18;
	vm4 =	vlt.s32 v3, $0x15;
	vm5 =	vlt.s32 v7, $0x15  }
0x1a0: {  	vm3 =	vlt.s32 v7, $0x18;
	vm6 =	vlt.s32 v3, $0x13;
	vm7 =	vlt.s32 v3, $0x16  }
0x1a1: {  	v2 =	vld [tilespmem:s14+$0x18010];
	vm8 =	vlt.s32 v7, $0x16;
	vm9 =	vlt.s32 v7, $0x13;
	vm10 =	vlt.s32 v3, $0x14  }
0x1a2: {  	v1 =	vld [tilespmem:s14+$0x17020];
	vm11 =	vlt.s32 v7, $0x14;
	vm12 =	vlt.s32 v3, $0x11;
	vm13 =	vlt.s32 v7, $0x11  }
0x1a3: {  	v4 =	vld [tilespmem:s14+$0x17000];
	vm14 =	vlt.s32 v3, $0x12;
	vm15 =	vlt.s32 v5, $0x12;
	v8 =	vsel vm12, v14, v13  }
0x1a4: {  	v10 =	vsel vm13, v16, v15;
	vm12 =	vlt.s32 v7, $0x12;
	v12 =	vsel vm9, v16, v15  }
0x1a5: {  	v19 =	vsel vm11, v16, v15;
	v20 =	vsel vm4, v14, v13;
	v21 =	vsel vm5, v16, v15  }
0x1a6: {  	v6 =	vld [tilespmem:s14+$0x17010];
	v22 =	vsel vm8, v16, v15;
	v23 =	vsel vm2, v16, v15;
	vm13 =	vlt.s32 v5, $0x11  }
0x1a7: {  	v9 =	vld [tilespmem:s14+$0x13000];
	vm5 =	vlt.s32 v2, $0x12;
	vm2 =	vlt.s32 v1, $0x11;
	vm4 =	vlt.s32 v1, $0x12  }
0x1a8: {  	v3 =	vld [tilespmem:s14+$0x18020];
	vm8 =	vlt.s32 v4, $0x13;
	vm9 =	vlt.s32 v5, $0x13;
	v7 =	vadd.s32 v8, v10  }
0x1a9: {  	v8 =	vsel vm14, v14, v13;
	v11 =	vsel vm12, v16, v15;
	v10 =	vld [tilespmem:s14+$0x14000];
	v20 =	vadd.s32 v20, v21  }
0x1aa: {  	v21 =	vsel vm7, v14, v13;
	v17 =	vadd.s32 v8, v11;
	v8 =	vsel vm6, v14, v13;
	v11 =	vld [tilespmem:s14+$0x15000]  }
0x1ab: {  	v21 =	vadd.s32 v21, v22;
	v22 =	vsel vm1, v14, v13;
	v18 =	vadd.s32 v8, v12;
	v12 =	vld [tilespmem:s14+$0x16000]  }
0x1ac: {  	v8 =	vsel vm10, v14, v13;
	v13 =	vsel vm0, v14, v13;
	v14 =	vsel vm3, v16, v15;
	v16 =	vld [tilespmem:s14+$0x14010]  }
0x1ad: {  	vm11 =	vlt.s32 v5, $0x14;
	vm12 =	vlt.s32 v4, $0x11;
	v19 =	vadd.s32 v8, v19;
	v8 =	vld [tilespmem:s14+$0x13010]  }
0x1ae: {  	vm14 =	vlt.s32 v4, $0x12;
	vm7 =	vlt.s32 v6, $0x11;
	vm6 =	vlt.s32 v6, $0x12;
	v7 =	vld.idx.msk [tilespmem:v7+s2+$0x0], $0xffff  }
0x1af: {  	v22 =	vadd.s32 v22, v23;
	vm3 =	vlt.s32 v2, $0x11;
	vm10 =	vlt.s32 v4, $0x14;
	v17 =	vld.idx.msk [tilespmem:v17+s18+$0x0], $0xffff  }
0x1b0: {  	v13 =	vadd.s32 v13, v14;
	vm0 =	vlt.s32 v3, $0x11;
	vm1 =	vlt.s32 v3, $0x12;
	v15 =	vld.idx.msk [tilespmem:v18+s19+$0x0], $0xffff  }
0x1b1: {  	v23 =	vsel vm14, v10, v9;
	vm14 =	vlt.s32 v6, $0x14;
	v28 =	vsel vm10, v10, v9;
	v18 =	vld.idx.msk [tilespmem:v20+s21+$0x0], $0xffff  }
0x1b2: {  	vm10 =	vlt.s32 v4, $0x18;
	v20 =	vsel vm12, v10, v9;
	vm12 =	vlt.s32 v6, $0x13;
	v14 =	vld.idx.msk [tilespmem:v19+s20+$0x0], $0xffff  }
0x1b3: {  	v27 =	vsel vm9, v12, v11;
	v29 =	vsel vm11, v12, v11;
	vm9 =	vlt.s32 v5, $0x17;
	v19 =	vld.idx.msk [tilespmem:v21+s22+$0x0], $0xffff  }
0x1b4: {  	vm11 =	vlt.s32 v5, $0x18;
	v21 =	vld.idx.msk [tilespmem:v22+s23+$0x0], $0xffff;
	v22 =	vsel vm13, v12, v11;
	vm13 =	vlt.s32 v2, $0x13  }
0x1b5: {  	v24 =	vld.idx.msk [tilespmem:v13+s24+$0x0], $0xffff;
	v7 =	vadd.f32 $0.0e+00, v7;
	v13 =	vadd.f32 $0.0e+00, v17;
	v17 =	vsel vm15, v12, v11  }
0x1b6: {  	v32 =	vsel vm12, v16, v8;
	v20 =	vadd.s32 v20, v22;
	v22 =	vadd.s32 v23, v17;
	v17 =	vld [tilespmem:s14+$0x15010]  }
0x1b7: {  	v49 =	vsel vm14, v16, v8;
	vm14 =	vlt.s32 v5, $0x15;
	v7 =	vadd.f32 v15, v7;
	v23 =	vld [tilespmem:s14+$0x16010]  }
0x1b8: {  	vm12 =	vlt.s32 v3, $0x15;
	v55 =	vsel vm14, v12, v11;
	v14 =	vadd.f32 v14, v13  }
0x1b9: {  	vm14 =	vlt.s32 v3, $0x16;
	vm15 =	vlt.s32 v2, $0x14;
	v7 =	vadd.f32 v18, v7  }
0x1ba: {  	v18 =	vadd.f32 v19, v14;
	v19 =	vsel vm7, v16, v8;
	vm7 =	vlt.s32 v3, $0x13  }
0x1bb: {  	v13 =	vld [tilespmem:s14+$0x13020];
	v7 =	vadd.f32 v21, v7;
	v21 =	vsel vm6, v16, v8;
	vm6 =	vlt.s32 v1, $0x13  }
0x1bc: {  	v14 =	vld [tilespmem:s14+$0x14020];
	v18 =	vadd.f32 v24, v18;
	v25 =	vsel vm3, v23, v17;
	v26 =	vsel vm5, v23, v17  }
0x1bd: {  	vm3 =	vlt.s32 v1, $0x14;
	vm5 =	vlt.s32 v3, $0x14;
	v48 =	vsel vm13, v23, v17  }
0x1be: {  	v33 =	vsel vm15, v23, v17;
	vm15 =	vlt.s32 v1, $0x15;
	vm13 =	vlt.s32 v1, $0x16  }
0x1bf: {  	v51 =	vadd.s32 v32, v48;
	v52 =	vadd.s32 v49, v33;
	v7 =	vadd.f32 v18, v7  }
0x1c0: {  	v15 =	vld [tilespmem:s14+$0x15020];
	v18 =	vadd.s32 v19, v25;
	v19 =	vadd.s32 v21, v26;
	v26 =	vsel vm8, v10, v9  }
0x1c1: {  	v24 =	vld [tilespmem:s14+$0x16020];
	vm8 =	vlt.s32 v1, $0x17;
	v21 =	vsel vm2, v14, v13;
	v25 =	vsel vm4, v14, v13  }
0x1c2: {  	v34 =	vsel vm6, v14, v13;
	v36 =	vsel vm3, v14, v13;
	v26 =	vadd.s32 v26, v27  }
0x1c3: {  	v27 =	vadd.s32 v28, v29;
	vm2 =	vlt.s32 v4, $0x16;
	vm3 =	vlt.s32 v5, $0x16  }
0x1c4: {  	v20 =	vld.idx.msk [tilespmem:v20+s2+$0x0], $0xffff;
	vm4 =	vlt.s32 v6, $0x15;
	vm6 =	vlt.s32 v6, $0x16;
	v40 =	vsel vm15, v14, v13  }
0x1c5: {  	v22 =	vld.idx.msk [tilespmem:v22+s18+$0x0], $0xffff;
	v42 =	vsel vm13, v14, v13;
	vm15 =	vlt.s32 v4, $0x17;
	vm13 =	vlt.s32 v2, $0x17  }
0x1c6: {  	v56 =	vsel vm2, v10, v9;
	v57 =	vsel vm3, v12, v11;
	v30 =	vsel vm0, v24, v15;
	v29 =	vld.idx.msk [tilespmem:v51+s19+$0x0], $0xffff  }
0x1c7: {  	v58 =	vsel vm4, v16, v8;
	v59 =	vadd.s32 v56, v57;
	v21 =	vadd.s32 v21, v30;
	v30 =	vld.idx.msk [tilespmem:v52+s20+$0x0], $0xffff  }
0x1c8: {  	v38 =	vsel vm6, v16, v8;
	v31 =	vsel vm1, v24, v15;
	v35 =	vsel vm7, v24, v15;
	v18 =	vld.idx.msk [tilespmem:v18+s2+$0x0], $0xffff  }
0x1c9: {  	v50 =	vsel vm5, v24, v15;
	vm0 =	vlt.s32 v4, $0x15;
	v25 =	vadd.s32 v25, v31;
	v19 =	vld.idx.msk [tilespmem:v19+s18+$0x0], $0xffff  }
0x1ca: {  	vm5 =	vlt.s32 v2, $0x15;
	vm7 =	vlt.s32 v2, $0x16;
	v53 =	vadd.s32 v34, v35;
	v26 =	vld.idx.msk [tilespmem:v26+s19+$0x0], $0xffff  }
0x1cb: {  	v41 =	vsel vm12, v24, v15;
	v60 =	vsel vm14, v24, v15;
	v28 =	vadd.s32 v36, v50;
	v27 =	vld.idx.msk [tilespmem:v27+s20+$0x0], $0xffff  }
0x1cc: {  	vm12 =	vlt.s32 v6, $0x17;
	vm14 =	vlt.s32 v6, $0x18;
	v63 =	vadd.s32 v40, v41;
	v41 =	vld.idx.msk [tilespmem:v59+s22+$0x0], $0xffff  }
0x1cd: {  	v6 =	vsel vm15, v10, v9;
	v54 =	vsel vm0, v10, v9;
	v34 =	vadd.s32 v42, v60;
	v21 =	vld.idx.msk [tilespmem:v21+s2+$0x0], $0xffff  }
0x1ce: {  	v37 =	vsel vm5, v23, v17;
	v39 =	vsel vm7, v23, v17;
	v32 =	vadd.s32 v54, v55;
	v25 =	vld.idx.msk [tilespmem:v25+s18+$0x0], $0xffff  }
0x1cf: {  	v40 =	vsel vm9, v12, v11;
	v9 =	vsel vm10, v10, v9;
	v61 =	vadd.s32 v58, v37;
	v31 =	vld.idx.msk [tilespmem:v53+s19+$0x0], $0xffff  }
0x1d0: {  	v10 =	vsel vm11, v12, v11;
	v12 =	vsel vm12, v16, v8;
	v62 =	vadd.s32 v38, v39;
	v4 =	vld.idx.msk [tilespmem:v28+s20+$0x0], $0xffff  }
0x1d1: {  	v42 =	vsel vm13, v23, v17;
	vm10 =	vlt.s32 v1, $0x18;
	v9 =	vadd.s32 v9, v10;
	v1 =	vld.idx.msk [tilespmem:v63+s21+$0x0], $0xffff  }
0x1d2: {  	v10 =	vadd.s32 v12, v42;
	v12 =	vadd.f32 $0.0e+00, v20;
	v20 =	vld.idx.msk [tilespmem:v34+s22+$0x0], $0xffff  }
0x1d3: {  	vm9 =	vlt.s32 v3, $0x17;
	vm11 =	vlt.s32 v3, $0x18;
	v3 =	vadd.f32 $0.0e+00, v22;
	v5 =	vld.idx.msk [tilespmem:v32+s21+$0x0], $0xffff  }
0x1d4: {  	vm15 =	vlt.s32 v2, $0x18;
	v16 =	vsel vm14, v16, v8;
	v6 =	vadd.s32 v6, v40;
	v11 =	vld.idx.msk [tilespmem:v61+s21+$0x0], $0xffff  }
0x1d5: {  	v17 =	vsel vm15, v23, v17;
	v2 =	vld.idx.msk [tilespmem:v62+s22+$0x0], $0xffff;
	v18 =	vadd.f32 $0.0e+00, v18;
	v3 =	vadd.f32 v27, v3  }
0x1d6: {  	s4 =	simm.s32 $0x40;
	v23 =	vsel vm8, v14, v13;
	v8 =	vadd.f32 $0.0e+00, v19;
	v22 =	vld.idx.msk [tilespmem:v9+s24+$0x0], $0xffff;
	v12 =	vadd.f32 v26, v12  }
0x1d7: {  	v13 =	vsel vm10, v14, v13;
	v26 =	vld [tilespmem:s4+$0x17030];
	v9 =	vadd.f32 v29, v18;
	v14 =	vadd.f32 v41, v3  }
0x1d8: {  	v18 =	vld.idx.msk [tilespmem:v10+s23+$0x0], $0xffff;
	v10 =	vsel vm9, v24, v15;
	v19 =	vadd.f32 $0.0e+00, v21;
	v21 =	vadd.f32 $0.0e+00, v25  }
0x1d9: {  	v6 =	vld.idx.msk [tilespmem:v6+s23+$0x0], $0xffff;
	v10 =	vadd.s32 v23, v10;
	v25 =	vadd.f32 v30, v8;
	v5 =	vadd.f32 v5, v12  }
0x1da: {  	v23 =	vld [tilespmem:s4+$0x14030];
	v12 =	vsel vm11, v24, v15;
	v11 =	vadd.f32 v11, v9;
	v19 =	vadd.f32 v31, v19  }
0x1db: {  	v9 =	vadd.s32 v16, v17;
	v24 =	vld [tilespmem:s4+$0x13030];
	v4 =	vadd.f32 v4, v21;
	v2 =	vadd.f32 v2, v25  }
0x1dc: {  	v15 =	vld [tilespmem:s4+$0x18020];
	vm1 =	vlt.s32 v26, $0x17;
	vm0 =	vlt.s32 v26, $0x18;
	vm4 =	vlt.s32 v26, $0x15  }
0x1dd: {  	v21 =	vld [tilespmem:s4+$0x18030];
	vm6 =	vlt.s32 v26, $0x13;
	vm7 =	vlt.s32 v26, $0x16;
	vm10 =	vlt.s32 v26, $0x14  }
0x1de: {  	vm12 =	vlt.s32 v26, $0x11;
	vm14 =	vlt.s32 v26, $0x12;
	v3 =	vadd.f32 v1, v19  }
0x1df: {  	v25 =	vld [tilespmem:s4+$0x16030];
	v1 =	vadd.f32 v20, v4;
	v4 =	vadd.f32 v6, v5;
	v19 =	vadd.s32 v13, v12  }
0x1e0: {  	v6 =	vadd.f32 v22, v14;
	v22 =	vld [tilespmem:s4+$0x15030];
	v5 =	vadd.f32 v18, v11;
	v17 =	vsel vm12, v23, v24  }
0x1e1: {  	v8 =	vld [tilespmem:s4+$0x17000];
	v45 =	vsel vm4, v23, v24;
	v47 =	vsel vm7, v23, v24;
	v49 =	vsel vm1, v23, v24  }
0x1e2: {  	v11 =	vld [tilespmem:s4+$0x18000];
	vm1 =	vlt.s32 v15, $0x12;
	vm2 =	vlt.s32 v21, $0x17;
	vm5 =	vlt.s32 v21, $0x15  }
0x1e3: {  	v12 =	vld [tilespmem:s4+$0x17010];
	vm3 =	vlt.s32 v21, $0x18;
	vm8 =	vlt.s32 v21, $0x16;
	vm9 =	vlt.s32 v21, $0x13  }
0x1e4: {  	v13 =	vld [tilespmem:s4+$0x18010];
	vm11 =	vlt.s32 v21, $0x14;
	vm13 =	vlt.s32 v21, $0x11;
	vm12 =	vlt.s32 v21, $0x12  }
0x1e5: {  	v14 =	vld [tilespmem:s4+$0x17020];
	v18 =	vsel vm13, v25, v22;
	v20 =	vsel vm12, v25, v22;
	v21 =	vsel vm9, v25, v22  }
0x1e6: {  	v44 =	vsel vm11, v25, v22;
	v46 =	vsel vm5, v25, v22;
	v48 =	vsel vm8, v25, v22  }
0x1e7: {  	v33 =	vld [tilespmem:s4+$0x14010];
	v50 =	vsel vm2, v25, v22;
	v22 =	vsel vm3, v25, v22;
	vm12 =	vlt.s32 v8, $0x11  }
0x1e8: {  	v34 =	vld [tilespmem:s4+$0x15020];
	vm13 =	vlt.s32 v11, $0x11;
	vm15 =	vlt.s32 v11, $0x12;
	vm7 =	vlt.s32 v12, $0x11  }
0x1e9: {  	v16 =	vld [tilespmem:s4+$0x13000];
	vm4 =	vlt.s32 v13, $0x11;
	vm5 =	vlt.s32 v13, $0x12;
	v26 =	vadd.s32 v17, v18  }
0x1ea: {  	vm2 =	vlt.s32 v14, $0x11;
	v18 =	vsel vm14, v23, v24;
	v17 =	vld [tilespmem:s4+$0x14000];
	v31 =	vadd.s32 v47, v48  }
0x1eb: {  	vm3 =	vlt.s32 v14, $0x12;
	v27 =	vadd.s32 v18, v20;
	v20 =	vsel vm6, v23, v24;
	v18 =	vld [tilespmem:s4+$0x15000]  }
0x1ec: {  	vm8 =	vlt.s32 v8, $0x13;
	v43 =	vadd.s32 v20, v21;
	v21 =	vsel vm10, v23, v24;
	v20 =	vld [tilespmem:s4+$0x16000]  }
0x1ed: {  	vm9 =	vlt.s32 v11, $0x13;
	vm11 =	vlt.s32 v11, $0x14;
	v29 =	vadd.s32 v21, v44;
	v21 =	vld [tilespmem:s4+$0x13010]  }
0x1ee: {  	v30 =	vadd.s32 v45, v46;
	v32 =	vadd.s32 v49, v50;
	vm14 =	vlt.s32 v8, $0x12;
	v26 =	vld.idx.msk [tilespmem:v26+s2+$0x0], $0xffff  }
0x1ef: {  	vm6 =	vlt.s32 v12, $0x12;
	v23 =	vsel vm0, v23, v24;
	vm0 =	vlt.s32 v15, $0x11;
	v51 =	vld.idx.msk [tilespmem:v31+s22+$0x0], $0xffff  }
0x1f0: {  	vm10 =	vlt.s32 v8, $0x14;
	v22 =	vadd.s32 v23, v22;
	v52 =	vsel vm12, v17, v16;
	v31 =	vld [tilespmem:s4+$0x16020]  }
0x1f1: {  	v55 =	vsel vm14, v17, v16;
	vm12 =	vlt.s32 v12, $0x13;
	vm14 =	vlt.s32 v12, $0x14;
	v27 =	vld.idx.msk [tilespmem:v27+s18+$0x0], $0xffff  }
0x1f2: {  	v62 =	vsel vm8, v17, v16;
	v48 =	vsel vm10, v17, v16;
	v24 =	vld.idx.msk [tilespmem:v43+s19+$0x0], $0xffff;
	v53 =	vsel vm13, v20, v18  }
0x1f3: {  	v56 =	vsel vm15, v20, v18;
	vm13 =	vlt.s32 v13, $0x13;
	vm15 =	vlt.s32 v13, $0x14;
	v23 =	vld.idx.msk [tilespmem:v29+s20+$0x0], $0xffff  }
0x1f4: {  	v25 =	vld.idx.msk [tilespmem:v30+s21+$0x0], $0xffff;
	v63 =	vsel vm9, v20, v18;
	v49 =	vsel vm11, v20, v18;
	v29 =	vadd.s32 v52, v53  }
0x1f5: {  	v54 =	vld.idx.msk [tilespmem:v32+s23+$0x0], $0xffff;
	v30 =	vadd.s32 v55, v56;
	v57 =	vsel vm7, v33, v21;
	v26 =	vadd.f32 $0.0e+00, v26  }
0x1f6: {  	v32 =	vld [tilespmem:s4+$0x15010];
	vm7 =	vlt.s32 v15, $0x13;
	v52 =	vsel vm12, v33, v21;
	v27 =	vadd.f32 $0.0e+00, v27  }
0x1f7: {  	v22 =	vld.idx.msk [tilespmem:v22+s24+$0x0], $0xffff;
	v36 =	vadd.s32 v62, v63;
	v37 =	vadd.s32 v48, v49;
	v24 =	vadd.f32 v24, v26  }
0x1f8: {  	vm12 =	vlt.s32 v15, $0x15;
	v50 =	vsel vm0, v31, v34;
	v26 =	vld [tilespmem:s4+$0x16010];
	v23 =	vadd.f32 v23, v27  }
0x1f9: {  	v45 =	vsel vm7, v31, v34;
	vm0 =	vlt.s32 v8, $0x15;
	v24 =	vadd.f32 v25, v24  }
0x1fa: {  	vm7 =	vlt.s32 v13, $0x16;
	v49 =	vsel vm12, v31, v34;
	v23 =	vadd.f32 v51, v23  }
0x1fb: {  	vm12 =	vlt.s32 v14, $0x17;
	v51 =	vsel vm1, v31, v34;
	v24 =	vadd.f32 v54, v24  }
0x1fc: {  	v54 =	vsel vm14, v33, v21;
	vm14 =	vlt.s32 v11, $0x15;
	v22 =	vadd.f32 v22, v23  }
0x1fd: {  	v27 =	vld [tilespmem:s4+$0x13020];
	v23 =	vsel vm6, v33, v21;
	vm6 =	vlt.s32 v14, $0x13;
	v58 =	vsel vm4, v26, v32  }
0x1fe: {  	v25 =	vld [tilespmem:s4+$0x14020];
	v59 =	vsel vm5, v26, v32;
	vm4 =	vlt.s32 v14, $0x14;
	vm5 =	vlt.s32 v15, $0x14  }
0x1ff: {  	v53 =	vsel vm13, v26, v32;
	v43 =	vsel vm15, v26, v32;
	vm15 =	vlt.s32 v14, $0x15  }
0x200: {  	vm13 =	vlt.s32 v14, $0x16;
	v47 =	vsel vm7, v26, v32;
	vm7 =	vlt.s32 v13, $0x18  }
0x201: {  	[tilespmem:s14+$0x12030] =	vst.add.f32.msk $0xffff, v7;
	v23 =	vadd.s32 v23, v59;
	v55 =	vsel vm5, v31, v34;
	v56 =	vadd.s32 v52, v53  }
0x202: {  	v7 =	vld.idx.msk [tilespmem:v9+s24+$0x0], $0xffff;
	vm5 =	vlt.s32 v13, $0x15;
	v59 =	vsel vm14, v20, v18;
	vm14 =	vlt.s32 v15, $0x16  }
0x203: {  	v9 =	vld.idx.msk [tilespmem:v10+s23+$0x0], $0xffff;
	v22 =	vadd.f32 v22, v24;
	v24 =	vadd.s32 v57, v58;
	v60 =	vsel vm2, v25, v27  }
0x204: {  	v10 =	vld.idx.msk [tilespmem:v19+s24+$0x0], $0xffff;
	v61 =	vsel vm3, v25, v27;
	v44 =	vsel vm6, v25, v27;
	v46 =	vsel vm4, v25, v27  }
0x205: {  	v29 =	vld.idx.msk [tilespmem:v29+s2+$0x0], $0xffff;
	v57 =	vadd.s32 v54, v43;
	vm2 =	vlt.s32 v8, $0x16;
	vm3 =	vlt.s32 v11, $0x16  }
0x206: {  	v30 =	vld.idx.msk [tilespmem:v30+s18+$0x0], $0xffff;
	vm4 =	vlt.s32 v12, $0x15;
	vm6 =	vlt.s32 v12, $0x16;
	v19 =	vsel vm5, v26, v32  }
0x207: {  	v36 =	vld.idx.msk [tilespmem:v36+s19+$0x0], $0xffff;
	v48 =	vsel vm15, v25, v27;
	v53 =	vsel vm14, v31, v34;
	vm15 =	vlt.s32 v11, $0x17  }
0x208: {  	v37 =	vld.idx.msk [tilespmem:v37+s20+$0x0], $0xffff;
	vm5 =	vlt.s32 v13, $0x17;
	vm14 =	vlt.s32 v14, $0x18;
	v28 =	vadd.s32 v60, v50  }
0x209: {  	v35 =	vadd.s32 v61, v51;
	v58 =	vadd.s32 v44, v45;
	v38 =	vadd.s32 v46, v55;
	[tilespmem:s4+$0x12030] =	vst.add.f32.msk $0xffff, v22  }
0x20a: {  	v60 =	vsel vm2, v17, v16;
	v61 =	vsel vm3, v20, v18;
	v62 =	vsel vm4, v33, v21;
	v23 =	vld.idx.msk [tilespmem:v23+s18+$0x0], $0xffff  }
0x20b: {  	v63 =	vsel vm6, v33, v21;
	v50 =	vsel vm13, v25, v27;
	v55 =	vadd.s32 v48, v49;
	v39 =	vld.idx.msk [tilespmem:v56+s19+$0x0], $0xffff  }
0x20c: {  	vm2 =	vlt.s32 v8, $0x18;
	vm3 =	vlt.s32 v11, $0x18;
	vm4 =	vlt.s32 v12, $0x17;
	v24 =	vld.idx.msk [tilespmem:v24+s2+$0x0], $0xffff  }
0x20d: {  	vm6 =	vlt.s32 v12, $0x18;
	vm13 =	vlt.s32 v15, $0x17;
	v11 =	vsel vm15, v20, v18;
	v14 =	vld.idx.msk [tilespmem:v57+s20+$0x0], $0xffff  }
0x20e: {  	vm15 =	vlt.s32 v15, $0x18;
	v22 =	vsel vm0, v17, v16;
	v52 =	vadd.s32 v60, v61;
	v28 =	vld.idx.msk [tilespmem:v28+s2+$0x0], $0xffff  }
0x20f: {  	v19 =	vadd.s32 v62, v19;
	v54 =	vadd.s32 v63, v47;
	v22 =	vadd.s32 v22, v59;
	v35 =	vld.idx.msk [tilespmem:v35+s18+$0x0], $0xffff  }
0x210: {  	vm0 =	vlt.s32 v8, $0x17;
	v43 =	vadd.s32 v50, v53;
	v12 =	vsel vm2, v17, v16;
	v15 =	vld.idx.msk [tilespmem:v58+s19+$0x0], $0xffff  }
0x211: {  	v13 =	vsel vm3, v20, v18;
	v18 =	vsel vm5, v26, v32;
	v8 =	vsel vm0, v17, v16;
	v17 =	vld.idx.msk [tilespmem:v38+s20+$0x0], $0xffff  }
0x212: {  	v20 =	vsel vm6, v33, v21;
	v26 =	vsel vm7, v26, v32;
	v61 =	vadd.s32 v12, v13;
	v12 =	vld.idx.msk [tilespmem:v55+s21+$0x0], $0xffff  }
0x213: {  	v57 =	vsel vm12, v25, v27;
	v27 =	vsel vm14, v25, v27;
	v25 =	vadd.f32 $0.0e+00, v30;
	v59 =	vld.idx.msk [tilespmem:v52+s22+$0x0], $0xffff  }
0x214: {  	v16 =	vsel vm4, v33, v21;
	v60 =	vadd.s32 v8, v11;
	v56 =	vld.idx.msk [tilespmem:v22+s21+$0x0], $0xffff;
	v22 =	vadd.f32 $0.0e+00, v29  }
0x215: {  	v21 =	vadd.s32 v16, v18;
	v8 =	vld.idx.msk [tilespmem:v19+s21+$0x0], $0xffff;
	v63 =	vadd.f32 v37, v25;
	v23 =	vadd.f32 $0.0e+00, v23  }
0x216: {  	v58 =	vsel vm13, v31, v34;
	v11 =	vld.idx.msk [tilespmem:v54+s22+$0x0], $0xffff;
	v24 =	vadd.f32 $0.0e+00, v24;
	v18 =	vadd.f32 v36, v22  }
0x217: {  	v31 =	vsel vm15, v31, v34;
	v13 =	vld.idx.msk [tilespmem:v43+s22+$0x0], $0xffff;
	v28 =	vadd.f32 $0.0e+00, v28;
	v62 =	vadd.f32 $0.0e+00, v35  }
0x218: {  	v19 =	vadd.s32 v20, v26;
	v22 =	vadd.f32 v14, v23;
	v24 =	vadd.f32 v39, v24  }
0x219: {  	v16 =	vadd.s32 v57, v58;
	v14 =	vld.idx.msk [tilespmem:v60+s23+$0x0], $0xffff;
	v25 =	vadd.f32 v15, v28;
	v23 =	vadd.f32 v17, v62  }
0x21a: {  	s5 =	simm.s32 $0x200;
	s3 =	simm.s32 $0x4;
	v17 =	vadd.s32 v27, v31;
	v20 =	vadd.f32 v56, v18;
	v15 =	vadd.f32 v59, v63;
	v18 =	vld.idx.msk [tilespmem:v61+s24+$0x0], $0xffff  }
.LBB2_6:
0x21b: {  	s6 =	sshra.s32 s5, $0x2;
	v27 =	vadd.f32 v8, v24;
	v8 =	vadd.f32 v11, v22;
	v11 =	vld.idx.msk [tilespmem:v21+s23+$0x0], $0xffff  }
0x21c: {  	v12 =	vadd.f32 v12, v25;
	v13 =	vadd.f32 v13, v23;
	v21 =	vld [tilespmem:s6+$0x17030]  }
0x21d: {  	v7 =	vadd.f32 v7, v2;
	v9 =	vadd.f32 v9, v3;
	v22 =	vld [tilespmem:s6+$0x18030];
	v2 =	vmov v8  }
0x21e: {  	v25 =	vadd.f32 v6, v4;
	v10 =	vadd.f32 v10, v1;
	v3 =	vmovc v12;
	v1 =	vmov v13;
	v8 =	vld [tilespmem:s6+$0x17000]  }
0x21f: {  	v26 =	vadd.f32 v7, v5;
	v4 =	vadd.f32 v14, v20;
	v28 =	vld [tilespmem:s6+$0x13030]  }
0x220: {  	v24 =	vadd.f32 v10, v9;
	v6 =	vadd.f32 v18, v15;
	v7 =	vld [tilespmem:s6+$0x14030]  }
0x221: {  	s3 =	sadd.s32 $0x4, s3;
	v5 =	vadd.f32 v11, v27;
	v9 =	vld [tilespmem:s6+$0x15030]  }
0x222: {  	p0 =	slt.u32 s3, $0xFC;
	vm1 =	vlt.s32 v21, $0x17;
	vm0 =	vlt.s32 v21, $0x18;
	v10 =	vld [tilespmem:s6+$0x16030];
	vm2 =	vlt.s32 v22, $0x17  }
0x223: {  	vm4 =	vlt.s32 v21, $0x15;
	vm5 =	vlt.s32 v22, $0x15;
	vm3 =	vlt.s32 v22, $0x18;
	v11 =	vld [tilespmem:s6+$0x18000]  }
0x224: {  	vm8 =	vlt.s32 v21, $0x13;
	vm6 =	vlt.s32 v21, $0x16;
	vm7 =	vlt.s32 v22, $0x16;
	v12 =	vld [tilespmem:s6+$0x17010]  }
0x225: {  	vm10 =	vlt.s32 v21, $0x14;
	vm9 =	vlt.s32 v22, $0x13;
	vm11 =	vlt.s32 v22, $0x14;
	v13 =	vld [tilespmem:s6+$0x18010]  }
0x226: {  	vm12 =	vlt.s32 v21, $0x11;
	vm14 =	vlt.s32 v21, $0x12;
	vm13 =	vlt.s32 v22, $0x11;
	v14 =	vld [tilespmem:s6+$0x17020]  }
0x227: {  	v20 =	vsel vm12, v7, v28;
	vm12 =	vlt.s32 v22, $0x12;
	v15 =	vld [tilespmem:s6+$0x18020];
	v21 =	vsel vm13, v10, v9  }
0x228: {  	v22 =	vsel vm12, v10, v9;
	v18 =	vld [tilespmem:s6+$0x13000];
	v27 =	vadd.s32 v20, v21;
	v21 =	vsel vm14, v7, v28  }
0x229: {  	v23 =	vsel vm9, v10, v9;
	v20 =	vld [tilespmem:s6+$0x14000];
	v29 =	vadd.s32 v21, v22;
	v22 =	vsel vm8, v7, v28  }
0x22a: {  	v31 =	vsel vm11, v10, v9;
	v21 =	vld [tilespmem:s6+$0x15000];
	v30 =	vadd.s32 v22, v23;
	v22 =	vsel vm10, v7, v28  }
0x22b: {  	v32 =	vsel vm4, v7, v28;
	v33 =	vsel vm5, v10, v9;
	v23 =	vld [tilespmem:s6+$0x16000];
	v31 =	vadd.s32 v22, v31  }
0x22c: {  	v34 =	vsel vm7, v10, v9;
	v32 =	vadd.s32 v32, v33;
	v33 =	vsel vm6, v7, v28;
	v22 =	vld [tilespmem:s6+$0x13010]  }
0x22d: {  	v35 =	vsel vm2, v10, v9;
	v33 =	vadd.s32 v33, v34;
	v34 =	vsel vm1, v7, v28;
	v27 =	vld.idx.msk [tilespmem:v27+s2+$0x0], $0xffff  }
0x22e: {  	v9 =	vsel vm3, v10, v9;
	v34 =	vadd.s32 v34, v35;
	v7 =	vsel vm0, v7, v28;
	v29 =	vld.idx.msk [tilespmem:v29+s18+$0x0], $0xffff  }
0x22f: {  	vm7 =	vlt.s32 v11, $0x11;
	vm1 =	vlt.s32 v8, $0x11;
	v7 =	vadd.s32 v7, v9;
	v10 =	vld.idx.msk [tilespmem:v30+s19+$0x0], $0xffff  }
0x230: {  	vm9 =	vlt.s32 v8, $0x12;
	vm8 =	vlt.s32 v12, $0x11;
	vm10 =	vlt.s32 v11, $0x12;
	v9 =	vld.idx.msk [tilespmem:v31+s20+$0x0], $0xffff  }
0x231: {  	vm6 =	vlt.s32 v12, $0x12;
	vm4 =	vlt.s32 v13, $0x11;
	vm5 =	vlt.s32 v13, $0x12;
	v31 =	vld.idx.msk [tilespmem:v32+s21+$0x0], $0xffff  }
0x232: {  	vm2 =	vlt.s32 v14, $0x11;
	vm3 =	vlt.s32 v14, $0x12;
	vm0 =	vlt.s32 v15, $0x11;
	v32 =	vld.idx.msk [tilespmem:v33+s22+$0x0], $0xffff  }
0x233: {  	v28 =	vsel vm1, v20, v18;
	vm1 =	vlt.s32 v15, $0x12;
	v30 =	vsel vm7, v23, v21;
	v33 =	vld.idx.msk [tilespmem:v34+s23+$0x0], $0xffff  }
0x234: {  	v35 =	vadd.f32 $0.0e+00, v27;
	v34 =	vsel vm9, v20, v18;
	v29 =	vadd.f32 $0.0e+00, v29;
	v7 =	vld.idx.msk [tilespmem:v7+s24+$0x0], $0xffff  }
0x235: {  	vm7 =	vlt.s32 v8, $0x13;
	v36 =	vadd.s32 v28, v30;
	v28 =	vsel vm10, v23, v21;
	v27 =	vld [tilespmem:s6+$0x14010]  }
0x236: {  	v37 =	vadd.s32 v34, v28;
	v10 =	vadd.f32 v10, v35;
	v9 =	vadd.f32 v9, v29;
	v28 =	vld [tilespmem:s6+$0x15010]  }
0x237: {  	vm15 =	vlt.s32 v8, $0x14;
	vm14 =	vlt.s32 v11, $0x13;
	vm13 =	vlt.s32 v11, $0x14;
	v30 =	vld [tilespmem:s6+$0x16010]  }
0x238: {  	vm12 =	vlt.s32 v12, $0x13;
	v10 =	vadd.f32 v31, v10;
	v9 =	vadd.f32 v32, v9;
	v29 =	vld [tilespmem:s6+$0x13020]  }
0x239: {  	vm11 =	vlt.s32 v13, $0x14;
	vm10 =	vlt.s32 v12, $0x14;
	vm9 =	vlt.s32 v13, $0x13;
	v32 =	vld [tilespmem:s6+$0x14020]  }
0x23a: {  	v10 =	vadd.f32 v33, v10;
	v7 =	vadd.f32 v7, v9;
	v38 =	vsel vm8, v27, v22;
	v31 =	vld [tilespmem:s6+$0x15020]  }
0x23b: {  	v9 =	vsel vm6, v27, v22;
	vm6 =	vlt.s32 v14, $0x13;
	vm8 =	vlt.s32 v15, $0x13;
	v33 =	vld [tilespmem:s6+$0x16020]  }
0x23c: {  	v7 =	vadd.f32 v7, v10;
	v34 =	vld.idx.msk [tilespmem:v36+s2+$0x0], $0xffff;
	v36 =	vsel vm4, v30, v28;
	v39 =	vsel vm5, v30, v28  }
0x23d: {  	vm4 =	vlt.s32 v14, $0x14;
	v35 =	vld.idx.msk [tilespmem:v37+s18+$0x0], $0xffff;
	v36 =	vadd.s32 v38, v36;
	v37 =	vadd.s32 v9, v39  }
0x23e: {  	v10 =	vsel vm2, v32, v29;
	v38 =	vsel vm3, v32, v29;
	vm2 =	vlt.s32 v15, $0x14;
	[tilespmem:s6+$0x12030] =	vst.add.f32.msk $0xffff, v7  }
0x23f: {  	v41 =	vsel vm15, v20, v18;
	v40 =	vsel vm14, v23, v21;
	v39 =	vsel vm7, v20, v18;
	v7 =	vld.idx.msk [tilespmem:v19+s24+$0x0], $0xffff  }
0x240: {  	v19 =	vsel vm13, v23, v21;
	v42 =	vsel vm0, v33, v31;
	v43 =	vsel vm1, v33, v31;
	v9 =	vld.idx.msk [tilespmem:v16+s23+$0x0], $0xffff  }
0x241: {  	v16 =	vsel vm12, v27, v22;
	v42 =	vadd.s32 v10, v42;
	v38 =	vadd.s32 v38, v43;
	v10 =	vld.idx.msk [tilespmem:v17+s24+$0x0], $0xffff  }
0x242: {  	v44 =	vsel vm11, v30, v28;
	v43 =	vsel vm10, v27, v22;
	v17 =	vld.idx.msk [tilespmem:v36+s2+$0x0], $0xffff;
	v36 =	vsel vm9, v30, v28  }
0x243: {  	v45 =	vsel vm6, v32, v29;
	v47 =	vsel vm4, v32, v29;
	v46 =	vsel vm8, v33, v31;
	v37 =	vld.idx.msk [tilespmem:v37+s18+$0x0], $0xffff  }
0x244: {  	v39 =	vadd.s32 v39, v40;
	v19 =	vadd.s32 v41, v19;
	v40 =	vsel vm2, v33, v31;
	[tilespmem:s14+$0x12000] =	vst.add.f32.msk $0xffff, v25  }
0x245: {  	v16 =	vadd.s32 v16, v36;
	v36 =	vadd.s32 v45, v46;
	v25 =	vadd.s32 v43, v44;
	[tilespmem:s14+$0x12010] =	vst.add.f32.msk $0xffff, v26  }
0x246: {  	vm0 =	vlt.s32 v8, $0x15;
	vm1 =	vlt.s32 v11, $0x15;
	v40 =	vadd.s32 v47, v40;
	v26 =	vld.idx.msk [tilespmem:v42+s2+$0x0], $0xffff  }
0x247: {  	vm3 =	vlt.s32 v11, $0x16;
	vm4 =	vlt.s32 v12, $0x15;
	vm2 =	vlt.s32 v8, $0x16;
	v38 =	vld.idx.msk [tilespmem:v38+s18+$0x0], $0xffff  }
0x248: {  	vm5 =	vlt.s32 v13, $0x15;
	vm7 =	vlt.s32 v13, $0x16;
	vm6 =	vlt.s32 v12, $0x16;
	[tilespmem:s14+$0x12020] =	vst.add.f32.msk $0xffff, v24;
	s14 =	smov.u32 s4;
	s4 =	smov.u32 s6  }
0x249: {  	vm8 =	vlt.s32 v14, $0x15;
	vm10 =	vlt.s32 v14, $0x16;
	vm9 =	vlt.s32 v15, $0x15;
	v24 =	vld.idx.msk [tilespmem:v39+s19+$0x0], $0xffff  }
0x24a: {  	v41 =	vsel vm1, v23, v21;
	v39 =	vld.idx.msk [tilespmem:v19+s20+$0x0], $0xffff;
	v19 =	vsel vm0, v20, v18;
	vm0 =	vlt.s32 v15, $0x16  }
0x24b: {  	v43 =	vsel vm3, v23, v21;
	v42 =	vsel vm2, v20, v18;
	v44 =	vld.idx.msk [tilespmem:v16+s19+$0x0], $0xffff;
	v16 =	vsel vm4, v27, v22  }
0x24c: {  	v47 =	vsel vm7, v30, v28;
	v45 =	vsel vm5, v30, v28;
	v46 =	vsel vm6, v27, v22;
	v25 =	vld.idx.msk [tilespmem:v25+s20+$0x0], $0xffff  }
0x24d: {  	v48 =	vsel vm8, v32, v29;
	v50 =	vsel vm10, v32, v29;
	v49 =	vsel vm9, v33, v31;
	v36 =	vld.idx.msk [tilespmem:v36+s19+$0x0], $0xffff  }
0x24e: {  	v19 =	vadd.s32 v19, v41;
	v41 =	vadd.s32 v42, v43;
	v42 =	vsel vm0, v33, v31;
	v40 =	vld.idx.msk [tilespmem:v40+s20+$0x0], $0xffff  }
0x24f: {  	v43 =	vadd.s32 v46, v47;
	v16 =	vadd.s32 v16, v45;
	v45 =	vadd.s32 v48, v49  }
0x250: {  	vm1 =	vlt.s32 v11, $0x17;
	vm0 =	vlt.s32 v8, $0x17;
	v42 =	vadd.s32 v50, v42  }
0x251: {  	vm3 =	vlt.s32 v11, $0x18;
	vm2 =	vlt.s32 v8, $0x18;
	vm4 =	vlt.s32 v12, $0x17  }
0x252: {  	vm7 =	vlt.s32 v13, $0x18;
	vm5 =	vlt.s32 v13, $0x17;
	vm6 =	vlt.s32 v12, $0x18  }
0x253: {  	vm8 =	vlt.s32 v14, $0x17;
	vm10 =	vlt.s32 v14, $0x18;
	vm9 =	vlt.s32 v15, $0x17;
	v46 =	vld.idx.msk [tilespmem:v19+s21+$0x0], $0xffff  }
0x254: {  	v14 =	vsel vm0, v20, v18;
	vm0 =	vlt.s32 v15, $0x18;
	v19 =	vsel vm1, v23, v21;
	v41 =	vld.idx.msk [tilespmem:v41+s22+$0x0], $0xffff  }
0x255: {  	v15 =	vsel vm2, v20, v18;
	v18 =	vsel vm3, v23, v21;
	v8 =	vld.idx.msk [tilespmem:v16+s21+$0x0], $0xffff;
	v16 =	vsel vm4, v27, v22  }
0x256: {  	v20 =	vsel vm5, v30, v28;
	v23 =	vsel vm7, v30, v28;
	v22 =	vsel vm6, v27, v22;
	v11 =	vld.idx.msk [tilespmem:v43+s22+$0x0], $0xffff  }
0x257: {  	v28 =	vsel vm9, v33, v31;
	v27 =	vsel vm8, v32, v29;
	v29 =	vsel vm10, v32, v29;
	v12 =	vld.idx.msk [tilespmem:v45+s21+$0x0], $0xffff  }
0x258: {  	v30 =	vadd.f32 $0.0e+00, v34;
	v31 =	vsel vm0, v33, v31;
	v32 =	vadd.f32 $0.0e+00, v35;
	v13 =	vld.idx.msk [tilespmem:v42+s22+$0x0], $0xffff  }
0x259: {  	v33 =	vadd.f32 $0.0e+00, v17;
	v34 =	vadd.f32 $0.0e+00, v37;
	v14 =	vadd.s32 v14, v19  }
0x25a: {  	v18 =	vadd.s32 v15, v18;
	v15 =	vadd.f32 $0.0e+00, v26;
	v26 =	vadd.f32 $0.0e+00, v38  }
.Ltmp2:
0x25b: {  	v21 =	vadd.s32 v16, v20;
	v19 =	vadd.s32 v22, v23;
	v16 =	vadd.s32 v27, v28;
	(pc) =	sbr.rel @p0 .LBB2_6-.Ltmp2, $4  }
0x25c: {  	v20 =	vadd.f32 v24, v30;
	v17 =	vadd.s32 v29, v31;
	v27 =	vadd.f32 v39, v32  }
0x25d: {  	v24 =	vadd.f32 v44, v33;
	v22 =	vadd.f32 v25, v34  }
0x25e: {  	v25 =	vadd.f32 v36, v15;
	v23 =	vadd.f32 v40, v26;
	v14 =	vld.idx.msk [tilespmem:v14+s23+$0x0], $0xffff  }
0x25f: {  	s5 =	sadd.s32 $0x100, s5;
	v20 =	vadd.f32 v46, v20;
	v15 =	vadd.f32 v41, v27;
	v18 =	vld.idx.msk [tilespmem:v18+s24+$0x0], $0xffff  }
0x260: {  	_ =	sdelay $0x3  }
0x261: {  	v8 =	vadd.f32 v8, v24;
	v21 =	vld.idx.msk [tilespmem:v21+s23+$0x0], $0xffff  }
0x262: {  	v11 =	vadd.f32 v11, v22;
	v12 =	vadd.f32 v12, v25;
	v19 =	vld.idx.msk [tilespmem:v19+s24+$0x0], $0xffff  }
0x263: {  	v2 =	vadd.f32 v7, v2;
	v7 =	vld.idx.msk [tilespmem:v16+s23+$0x0], $0xffff;
	v3 =	vadd.f32 v9, v3  }
0x264: {  	v4 =	vadd.f32 v6, v4;
	v6 =	vld.idx.msk [tilespmem:v17+s24+$0x0], $0xffff;
	v1 =	vadd.f32 v10, v1  }
0x265: {  	v13 =	vadd.f32 v13, v23;
	v2 =	vadd.f32 v2, v5  }
0x266: {  	v1 =	vadd.f32 v1, v3;
	v9 =	vadd.f32 v14, v20  }
0x267: {  	v5 =	vadd.f32 v18, v15;
	v3 =	vadd.f32 v21, v8  }
0x268: {  	[tilespmem:s14+$0x12000] =	vst.add.f32.msk $0xffff, v4;
	v4 =	vadd.f32 v19, v11;
	v7 =	vadd.f32 v7, v12  }
0x269: {  	[tilespmem:s14+$0x12010] =	vst.add.f32.msk $0xffff, v2;
	v2 =	vadd.f32 v5, v9;
	v5 =	vadd.f32 v6, v13  }
0x26a: {  	[tilespmem:s14+$0x12020] =	vst.add.f32.msk $0xffff, v1;
	v1 =	vadd.f32 v4, v3  }
0x26b: {  	v3 =	vadd.f32 v5, v7;
	[tilespmem:s4+$0x12000] =	vst.add.f32.msk $0xffff, v2  }
0x26c: {  	[tilespmem:s4+$0x12010] =	vst.add.f32.msk $0xffff, v1  }
0x26d: {  	[tilespmem:s4+$0x12020] =	vst.add.f32.msk $0xffff, v3  }
0x26e: {  	_ =	swait.ge [sflag:s25], $0x8000  }
0x26f: {  	[sflag:s25] =	ssyncset.done $0x0  }
0x270: {  	s14 =	simm.s32 $0x0;
	[sflag:s25] =	ssyncadd.s32 $0xFFFF8000  }
0x271: {  	v3 =	vld [tilespmem:s14+$0x17030]  }
0x272: {  	v7 =	vld [tilespmem:s14+$0x18030];
	_ =	sdelay $0x1  }
0x273: {  	v13 =	vld [tilespmem:s14+$0x13030]  }
0x274: {  	v14 =	vld [tilespmem:s14+$0x14030]  }
0x275: {  	v15 =	vld [tilespmem:s14+$0x15030]  }
0x276: {  	v5 =	vld [tilespmem:s14+$0x18000];
	vm1 =	vlt.s32 v3, $0x1F;
	vm2 =	vlt.s32 v7, $0x1F  }
0x277: {  	v16 =	vld [tilespmem:s14+$0x16030];
	vm0 =	vlt.s32 v3, $0x20;
	vm4 =	vlt.s32 v3, $0x1D;
	vm5 =	vlt.s32 v7, $0x1D  }
0x278: {  	vm3 =	vlt.s32 v7, $0x20;
	vm6 =	vlt.s32 v3, $0x1B;
	vm7 =	vlt.s32 v3, $0x1E  }
0x279: {  	v2 =	vld [tilespmem:s14+$0x18010];
	vm8 =	vlt.s32 v7, $0x1E;
	vm9 =	vlt.s32 v7, $0x1B;
	vm10 =	vlt.s32 v3, $0x1C  }
0x27a: {  	v1 =	vld [tilespmem:s14+$0x17020];
	vm11 =	vlt.s32 v7, $0x1C;
	vm12 =	vlt.s32 v3, $0x19;
	vm13 =	vlt.s32 v7, $0x19  }
0x27b: {  	v4 =	vld [tilespmem:s14+$0x17000];
	vm14 =	vlt.s32 v3, $0x1A;
	vm15 =	vlt.s32 v5, $0x1A;
	v8 =	vsel vm12, v14, v13  }
0x27c: {  	v10 =	vsel vm13, v16, v15;
	vm12 =	vlt.s32 v7, $0x1A;
	v12 =	vsel vm9, v16, v15  }
0x27d: {  	v19 =	vsel vm11, v16, v15;
	v20 =	vsel vm4, v14, v13;
	v21 =	vsel vm5, v16, v15  }
0x27e: {  	v6 =	vld [tilespmem:s14+$0x17010];
	v22 =	vsel vm8, v16, v15;
	v23 =	vsel vm2, v16, v15;
	vm13 =	vlt.s32 v5, $0x19  }
0x27f: {  	v9 =	vld [tilespmem:s14+$0x13000];
	vm5 =	vlt.s32 v2, $0x1A;
	vm2 =	vlt.s32 v1, $0x19;
	vm4 =	vlt.s32 v1, $0x1A  }
0x280: {  	v3 =	vld [tilespmem:s14+$0x18020];
	vm8 =	vlt.s32 v4, $0x1B;
	vm9 =	vlt.s32 v5, $0x1B;
	v7 =	vadd.s32 v8, v10  }
0x281: {  	v8 =	vsel vm14, v14, v13;
	v11 =	vsel vm12, v16, v15;
	v10 =	vld [tilespmem:s14+$0x14000];
	v20 =	vadd.s32 v20, v21  }
0x282: {  	v21 =	vsel vm7, v14, v13;
	v17 =	vadd.s32 v8, v11;
	v8 =	vsel vm6, v14, v13;
	v11 =	vld [tilespmem:s14+$0x15000]  }
0x283: {  	v21 =	vadd.s32 v21, v22;
	v22 =	vsel vm1, v14, v13;
	v18 =	vadd.s32 v8, v12;
	v12 =	vld [tilespmem:s14+$0x16000]  }
0x284: {  	v8 =	vsel vm10, v14, v13;
	v13 =	vsel vm0, v14, v13;
	v14 =	vsel vm3, v16, v15;
	v16 =	vld [tilespmem:s14+$0x14010]  }
0x285: {  	vm11 =	vlt.s32 v5, $0x1C;
	vm12 =	vlt.s32 v4, $0x19;
	v19 =	vadd.s32 v8, v19;
	v8 =	vld [tilespmem:s14+$0x13010]  }
0x286: {  	vm14 =	vlt.s32 v4, $0x1A;
	vm7 =	vlt.s32 v6, $0x19;
	vm6 =	vlt.s32 v6, $0x1A;
	v7 =	vld.idx.msk [tilespmem:v7+s13+$0x0], $0xffff  }
0x287: {  	v22 =	vadd.s32 v22, v23;
	vm3 =	vlt.s32 v2, $0x19;
	vm10 =	vlt.s32 v4, $0x1C;
	v17 =	vld.idx.msk [tilespmem:v17+s26+$0x0], $0xffff  }
0x288: {  	v13 =	vadd.s32 v13, v14;
	vm0 =	vlt.s32 v3, $0x19;
	vm1 =	vlt.s32 v3, $0x1A;
	v15 =	vld.idx.msk [tilespmem:v18+s28+$0x0], $0xffff  }
0x289: {  	v23 =	vsel vm14, v10, v9;
	vm14 =	vlt.s32 v6, $0x1C;
	v28 =	vsel vm10, v10, v9;
	v18 =	vld.idx.msk [tilespmem:v20+s30+$0x0], $0xffff  }
0x28a: {  	vm10 =	vlt.s32 v4, $0x20;
	v20 =	vsel vm12, v10, v9;
	vm12 =	vlt.s32 v6, $0x1B;
	v14 =	vld.idx.msk [tilespmem:v19+s29+$0x0], $0xffff  }
0x28b: {  	v27 =	vsel vm9, v12, v11;
	v29 =	vsel vm11, v12, v11;
	vm9 =	vlt.s32 v5, $0x1F;
	v19 =	vld.idx.msk [tilespmem:v21+s31+$0x0], $0xffff  }
0x28c: {  	vm11 =	vlt.s32 v5, $0x20;
	v21 =	vld.idx.msk [tilespmem:v22+s0+$0x0], $0xffff;
	v22 =	vsel vm13, v12, v11;
	vm13 =	vlt.s32 v2, $0x1B  }
0x28d: {  	v24 =	vld.idx.msk [tilespmem:v13+s1+$0x0], $0xffff;
	v7 =	vadd.f32 $0.0e+00, v7;
	v13 =	vadd.f32 $0.0e+00, v17;
	v17 =	vsel vm15, v12, v11  }
0x28e: {  	v32 =	vsel vm12, v16, v8;
	v20 =	vadd.s32 v20, v22;
	v22 =	vadd.s32 v23, v17;
	v17 =	vld [tilespmem:s14+$0x15010]  }
0x28f: {  	v49 =	vsel vm14, v16, v8;
	vm14 =	vlt.s32 v5, $0x1D;
	v7 =	vadd.f32 v15, v7;
	v23 =	vld [tilespmem:s14+$0x16010]  }
0x290: {  	vm12 =	vlt.s32 v3, $0x1D;
	v55 =	vsel vm14, v12, v11;
	v14 =	vadd.f32 v14, v13  }
0x291: {  	vm14 =	vlt.s32 v3, $0x1E;
	vm15 =	vlt.s32 v2, $0x1C;
	v7 =	vadd.f32 v18, v7  }
0x292: {  	v18 =	vadd.f32 v19, v14;
	v19 =	vsel vm7, v16, v8;
	vm7 =	vlt.s32 v3, $0x1B  }
0x293: {  	v13 =	vld [tilespmem:s14+$0x13020];
	v7 =	vadd.f32 v21, v7;
	v21 =	vsel vm6, v16, v8;
	vm6 =	vlt.s32 v1, $0x1B  }
0x294: {  	v14 =	vld [tilespmem:s14+$0x14020];
	v18 =	vadd.f32 v24, v18;
	v25 =	vsel vm3, v23, v17;
	v26 =	vsel vm5, v23, v17  }
0x295: {  	vm3 =	vlt.s32 v1, $0x1C;
	vm5 =	vlt.s32 v3, $0x1C;
	v48 =	vsel vm13, v23, v17  }
0x296: {  	v33 =	vsel vm15, v23, v17;
	vm15 =	vlt.s32 v1, $0x1D;
	vm13 =	vlt.s32 v1, $0x1E  }
0x297: {  	v51 =	vadd.s32 v32, v48;
	v52 =	vadd.s32 v49, v33;
	v7 =	vadd.f32 v18, v7  }
0x298: {  	v15 =	vld [tilespmem:s14+$0x15020];
	v18 =	vadd.s32 v19, v25;
	v19 =	vadd.s32 v21, v26;
	v26 =	vsel vm8, v10, v9  }
0x299: {  	v24 =	vld [tilespmem:s14+$0x16020];
	vm8 =	vlt.s32 v1, $0x1F;
	v21 =	vsel vm2, v14, v13;
	v25 =	vsel vm4, v14, v13  }
0x29a: {  	v34 =	vsel vm6, v14, v13;
	v36 =	vsel vm3, v14, v13;
	v26 =	vadd.s32 v26, v27  }
0x29b: {  	v27 =	vadd.s32 v28, v29;
	vm2 =	vlt.s32 v4, $0x1E;
	vm3 =	vlt.s32 v5, $0x1E  }
0x29c: {  	v20 =	vld.idx.msk [tilespmem:v20+s13+$0x0], $0xffff;
	vm4 =	vlt.s32 v6, $0x1D;
	vm6 =	vlt.s32 v6, $0x1E;
	v40 =	vsel vm15, v14, v13  }
0x29d: {  	v22 =	vld.idx.msk [tilespmem:v22+s26+$0x0], $0xffff;
	v42 =	vsel vm13, v14, v13;
	vm15 =	vlt.s32 v4, $0x1F;
	vm13 =	vlt.s32 v2, $0x1F  }
0x29e: {  	v56 =	vsel vm2, v10, v9;
	v57 =	vsel vm3, v12, v11;
	v30 =	vsel vm0, v24, v15;
	v29 =	vld.idx.msk [tilespmem:v51+s28+$0x0], $0xffff  }
0x29f: {  	v58 =	vsel vm4, v16, v8;
	v59 =	vadd.s32 v56, v57;
	v21 =	vadd.s32 v21, v30;
	v30 =	vld.idx.msk [tilespmem:v52+s29+$0x0], $0xffff  }
0x2a0: {  	v38 =	vsel vm6, v16, v8;
	v31 =	vsel vm1, v24, v15;
	v35 =	vsel vm7, v24, v15;
	v18 =	vld.idx.msk [tilespmem:v18+s13+$0x0], $0xffff  }
0x2a1: {  	v50 =	vsel vm5, v24, v15;
	vm0 =	vlt.s32 v4, $0x1D;
	v25 =	vadd.s32 v25, v31;
	v19 =	vld.idx.msk [tilespmem:v19+s26+$0x0], $0xffff  }
0x2a2: {  	vm5 =	vlt.s32 v2, $0x1D;
	vm7 =	vlt.s32 v2, $0x1E;
	v53 =	vadd.s32 v34, v35;
	v26 =	vld.idx.msk [tilespmem:v26+s28+$0x0], $0xffff  }
0x2a3: {  	v41 =	vsel vm12, v24, v15;
	v60 =	vsel vm14, v24, v15;
	v28 =	vadd.s32 v36, v50;
	v27 =	vld.idx.msk [tilespmem:v27+s29+$0x0], $0xffff  }
0x2a4: {  	vm12 =	vlt.s32 v6, $0x1F;
	vm14 =	vlt.s32 v6, $0x20;
	v63 =	vadd.s32 v40, v41;
	v41 =	vld.idx.msk [tilespmem:v59+s31+$0x0], $0xffff  }
0x2a5: {  	v6 =	vsel vm15, v10, v9;
	v54 =	vsel vm0, v10, v9;
	v34 =	vadd.s32 v42, v60;
	v21 =	vld.idx.msk [tilespmem:v21+s13+$0x0], $0xffff  }
0x2a6: {  	v37 =	vsel vm5, v23, v17;
	v39 =	vsel vm7, v23, v17;
	v32 =	vadd.s32 v54, v55;
	v25 =	vld.idx.msk [tilespmem:v25+s26+$0x0], $0xffff  }
0x2a7: {  	v40 =	vsel vm9, v12, v11;
	v9 =	vsel vm10, v10, v9;
	v61 =	vadd.s32 v58, v37;
	v31 =	vld.idx.msk [tilespmem:v53+s28+$0x0], $0xffff  }
0x2a8: {  	v10 =	vsel vm11, v12, v11;
	v12 =	vsel vm12, v16, v8;
	v62 =	vadd.s32 v38, v39;
	v4 =	vld.idx.msk [tilespmem:v28+s29+$0x0], $0xffff  }
0x2a9: {  	v42 =	vsel vm13, v23, v17;
	vm10 =	vlt.s32 v1, $0x20;
	v9 =	vadd.s32 v9, v10;
	v1 =	vld.idx.msk [tilespmem:v63+s30+$0x0], $0xffff  }
0x2aa: {  	v10 =	vadd.s32 v12, v42;
	v12 =	vadd.f32 $0.0e+00, v20;
	v20 =	vld.idx.msk [tilespmem:v34+s31+$0x0], $0xffff  }
0x2ab: {  	vm9 =	vlt.s32 v3, $0x1F;
	vm11 =	vlt.s32 v3, $0x20;
	v3 =	vadd.f32 $0.0e+00, v22;
	v5 =	vld.idx.msk [tilespmem:v32+s30+$0x0], $0xffff  }
0x2ac: {  	vm15 =	vlt.s32 v2, $0x20;
	v16 =	vsel vm14, v16, v8;
	v6 =	vadd.s32 v6, v40;
	v11 =	vld.idx.msk [tilespmem:v61+s30+$0x0], $0xffff  }
0x2ad: {  	v17 =	vsel vm15, v23, v17;
	v2 =	vld.idx.msk [tilespmem:v62+s31+$0x0], $0xffff;
	v18 =	vadd.f32 $0.0e+00, v18;
	v3 =	vadd.f32 v27, v3  }
0x2ae: {  	s4 =	simm.s32 $0x40;
	v23 =	vsel vm8, v14, v13;
	v8 =	vadd.f32 $0.0e+00, v19;
	v22 =	vld.idx.msk [tilespmem:v9+s1+$0x0], $0xffff;
	v12 =	vadd.f32 v26, v12  }
0x2af: {  	v13 =	vsel vm10, v14, v13;
	v26 =	vld [tilespmem:s4+$0x17030];
	v9 =	vadd.f32 v29, v18;
	v14 =	vadd.f32 v41, v3  }
0x2b0: {  	v18 =	vld.idx.msk [tilespmem:v10+s0+$0x0], $0xffff;
	v10 =	vsel vm9, v24, v15;
	v19 =	vadd.f32 $0.0e+00, v21;
	v21 =	vadd.f32 $0.0e+00, v25  }
0x2b1: {  	v6 =	vld.idx.msk [tilespmem:v6+s0+$0x0], $0xffff;
	v10 =	vadd.s32 v23, v10;
	v25 =	vadd.f32 v30, v8;
	v5 =	vadd.f32 v5, v12  }
0x2b2: {  	v23 =	vld [tilespmem:s4+$0x14030];
	v12 =	vsel vm11, v24, v15;
	v11 =	vadd.f32 v11, v9;
	v19 =	vadd.f32 v31, v19  }
0x2b3: {  	v9 =	vadd.s32 v16, v17;
	v24 =	vld [tilespmem:s4+$0x13030];
	v4 =	vadd.f32 v4, v21;
	v2 =	vadd.f32 v2, v25  }
0x2b4: {  	v15 =	vld [tilespmem:s4+$0x18020];
	vm1 =	vlt.s32 v26, $0x1F;
	vm0 =	vlt.s32 v26, $0x20;
	vm4 =	vlt.s32 v26, $0x1D  }
0x2b5: {  	v21 =	vld [tilespmem:s4+$0x18030];
	vm6 =	vlt.s32 v26, $0x1B;
	vm7 =	vlt.s32 v26, $0x1E;
	vm10 =	vlt.s32 v26, $0x1C  }
0x2b6: {  	vm12 =	vlt.s32 v26, $0x19;
	vm14 =	vlt.s32 v26, $0x1A;
	v3 =	vadd.f32 v1, v19  }
0x2b7: {  	v25 =	vld [tilespmem:s4+$0x16030];
	v1 =	vadd.f32 v20, v4;
	v4 =	vadd.f32 v6, v5;
	v19 =	vadd.s32 v13, v12  }
0x2b8: {  	v6 =	vadd.f32 v22, v14;
	v22 =	vld [tilespmem:s4+$0x15030];
	v5 =	vadd.f32 v18, v11;
	v17 =	vsel vm12, v23, v24  }
0x2b9: {  	v8 =	vld [tilespmem:s4+$0x17000];
	v45 =	vsel vm4, v23, v24;
	v47 =	vsel vm7, v23, v24;
	v49 =	vsel vm1, v23, v24  }
0x2ba: {  	v11 =	vld [tilespmem:s4+$0x18000];
	vm1 =	vlt.s32 v15, $0x1A;
	vm2 =	vlt.s32 v21, $0x1F;
	vm5 =	vlt.s32 v21, $0x1D  }
0x2bb: {  	v12 =	vld [tilespmem:s4+$0x17010];
	vm3 =	vlt.s32 v21, $0x20;
	vm8 =	vlt.s32 v21, $0x1E;
	vm9 =	vlt.s32 v21, $0x1B  }
0x2bc: {  	v13 =	vld [tilespmem:s4+$0x18010];
	vm11 =	vlt.s32 v21, $0x1C;
	vm13 =	vlt.s32 v21, $0x19;
	vm12 =	vlt.s32 v21, $0x1A  }
0x2bd: {  	v14 =	vld [tilespmem:s4+$0x17020];
	v18 =	vsel vm13, v25, v22;
	v20 =	vsel vm12, v25, v22;
	v21 =	vsel vm9, v25, v22  }
0x2be: {  	v44 =	vsel vm11, v25, v22;
	v46 =	vsel vm5, v25, v22;
	v48 =	vsel vm8, v25, v22  }
0x2bf: {  	v33 =	vld [tilespmem:s4+$0x14010];
	v50 =	vsel vm2, v25, v22;
	v22 =	vsel vm3, v25, v22;
	vm12 =	vlt.s32 v8, $0x19  }
0x2c0: {  	v34 =	vld [tilespmem:s4+$0x15020];
	vm13 =	vlt.s32 v11, $0x19;
	vm15 =	vlt.s32 v11, $0x1A;
	vm7 =	vlt.s32 v12, $0x19  }
0x2c1: {  	v16 =	vld [tilespmem:s4+$0x13000];
	vm4 =	vlt.s32 v13, $0x19;
	vm5 =	vlt.s32 v13, $0x1A;
	v26 =	vadd.s32 v17, v18  }
0x2c2: {  	vm2 =	vlt.s32 v14, $0x19;
	v18 =	vsel vm14, v23, v24;
	v17 =	vld [tilespmem:s4+$0x14000];
	v31 =	vadd.s32 v47, v48  }
0x2c3: {  	vm3 =	vlt.s32 v14, $0x1A;
	v27 =	vadd.s32 v18, v20;
	v20 =	vsel vm6, v23, v24;
	v18 =	vld [tilespmem:s4+$0x15000]  }
0x2c4: {  	vm8 =	vlt.s32 v8, $0x1B;
	v43 =	vadd.s32 v20, v21;
	v21 =	vsel vm10, v23, v24;
	v20 =	vld [tilespmem:s4+$0x16000]  }
0x2c5: {  	vm9 =	vlt.s32 v11, $0x1B;
	vm11 =	vlt.s32 v11, $0x1C;
	v29 =	vadd.s32 v21, v44;
	v21 =	vld [tilespmem:s4+$0x13010]  }
0x2c6: {  	v30 =	vadd.s32 v45, v46;
	v32 =	vadd.s32 v49, v50;
	vm14 =	vlt.s32 v8, $0x1A;
	v26 =	vld.idx.msk [tilespmem:v26+s13+$0x0], $0xffff  }
0x2c7: {  	vm6 =	vlt.s32 v12, $0x1A;
	v23 =	vsel vm0, v23, v24;
	vm0 =	vlt.s32 v15, $0x19;
	v51 =	vld.idx.msk [tilespmem:v31+s31+$0x0], $0xffff  }
0x2c8: {  	vm10 =	vlt.s32 v8, $0x1C;
	v22 =	vadd.s32 v23, v22;
	v52 =	vsel vm12, v17, v16;
	v31 =	vld [tilespmem:s4+$0x16020]  }
0x2c9: {  	v55 =	vsel vm14, v17, v16;
	vm12 =	vlt.s32 v12, $0x1B;
	vm14 =	vlt.s32 v12, $0x1C;
	v27 =	vld.idx.msk [tilespmem:v27+s26+$0x0], $0xffff  }
0x2ca: {  	v62 =	vsel vm8, v17, v16;
	v48 =	vsel vm10, v17, v16;
	v24 =	vld.idx.msk [tilespmem:v43+s28+$0x0], $0xffff;
	v53 =	vsel vm13, v20, v18  }
0x2cb: {  	v56 =	vsel vm15, v20, v18;
	vm13 =	vlt.s32 v13, $0x1B;
	vm15 =	vlt.s32 v13, $0x1C;
	v23 =	vld.idx.msk [tilespmem:v29+s29+$0x0], $0xffff  }
0x2cc: {  	v25 =	vld.idx.msk [tilespmem:v30+s30+$0x0], $0xffff;
	v63 =	vsel vm9, v20, v18;
	v49 =	vsel vm11, v20, v18;
	v29 =	vadd.s32 v52, v53  }
0x2cd: {  	v54 =	vld.idx.msk [tilespmem:v32+s0+$0x0], $0xffff;
	v30 =	vadd.s32 v55, v56;
	v57 =	vsel vm7, v33, v21;
	v26 =	vadd.f32 $0.0e+00, v26  }
0x2ce: {  	v32 =	vld [tilespmem:s4+$0x15010];
	vm7 =	vlt.s32 v15, $0x1B;
	v52 =	vsel vm12, v33, v21;
	v27 =	vadd.f32 $0.0e+00, v27  }
0x2cf: {  	v22 =	vld.idx.msk [tilespmem:v22+s1+$0x0], $0xffff;
	v36 =	vadd.s32 v62, v63;
	v37 =	vadd.s32 v48, v49;
	v24 =	vadd.f32 v24, v26  }
0x2d0: {  	vm12 =	vlt.s32 v15, $0x1D;
	v50 =	vsel vm0, v31, v34;
	v26 =	vld [tilespmem:s4+$0x16010];
	v23 =	vadd.f32 v23, v27  }
0x2d1: {  	v45 =	vsel vm7, v31, v34;
	vm0 =	vlt.s32 v8, $0x1D;
	v24 =	vadd.f32 v25, v24  }
0x2d2: {  	vm7 =	vlt.s32 v13, $0x1E;
	v49 =	vsel vm12, v31, v34;
	v23 =	vadd.f32 v51, v23  }
0x2d3: {  	vm12 =	vlt.s32 v14, $0x1F;
	v51 =	vsel vm1, v31, v34;
	v24 =	vadd.f32 v54, v24  }
0x2d4: {  	v54 =	vsel vm14, v33, v21;
	vm14 =	vlt.s32 v11, $0x1D;
	v22 =	vadd.f32 v22, v23  }
0x2d5: {  	v27 =	vld [tilespmem:s4+$0x13020];
	v23 =	vsel vm6, v33, v21;
	vm6 =	vlt.s32 v14, $0x1B;
	v58 =	vsel vm4, v26, v32  }
0x2d6: {  	v25 =	vld [tilespmem:s4+$0x14020];
	v59 =	vsel vm5, v26, v32;
	vm4 =	vlt.s32 v14, $0x1C;
	vm5 =	vlt.s32 v15, $0x1C  }
0x2d7: {  	v53 =	vsel vm13, v26, v32;
	v43 =	vsel vm15, v26, v32;
	vm15 =	vlt.s32 v14, $0x1D  }
0x2d8: {  	vm13 =	vlt.s32 v14, $0x1E;
	v47 =	vsel vm7, v26, v32;
	vm7 =	vlt.s32 v13, $0x20  }
0x2d9: {  	[tilespmem:s14+$0x12030] =	vst.add.f32.msk $0xffff, v7;
	v23 =	vadd.s32 v23, v59;
	v55 =	vsel vm5, v31, v34;
	v56 =	vadd.s32 v52, v53  }
0x2da: {  	v7 =	vld.idx.msk [tilespmem:v9+s1+$0x0], $0xffff;
	vm5 =	vlt.s32 v13, $0x1D;
	v59 =	vsel vm14, v20, v18;
	vm14 =	vlt.s32 v15, $0x1E  }
0x2db: {  	v9 =	vld.idx.msk [tilespmem:v10+s0+$0x0], $0xffff;
	v22 =	vadd.f32 v22, v24;
	v24 =	vadd.s32 v57, v58;
	v60 =	vsel vm2, v25, v27  }
0x2dc: {  	v10 =	vld.idx.msk [tilespmem:v19+s1+$0x0], $0xffff;
	v61 =	vsel vm3, v25, v27;
	v44 =	vsel vm6, v25, v27;
	v46 =	vsel vm4, v25, v27  }
0x2dd: {  	v29 =	vld.idx.msk [tilespmem:v29+s13+$0x0], $0xffff;
	v57 =	vadd.s32 v54, v43;
	vm2 =	vlt.s32 v8, $0x1E;
	vm3 =	vlt.s32 v11, $0x1E  }
0x2de: {  	v30 =	vld.idx.msk [tilespmem:v30+s26+$0x0], $0xffff;
	vm4 =	vlt.s32 v12, $0x1D;
	vm6 =	vlt.s32 v12, $0x1E;
	v19 =	vsel vm5, v26, v32  }
0x2df: {  	v36 =	vld.idx.msk [tilespmem:v36+s28+$0x0], $0xffff;
	v48 =	vsel vm15, v25, v27;
	v53 =	vsel vm14, v31, v34;
	vm15 =	vlt.s32 v11, $0x1F  }
0x2e0: {  	v37 =	vld.idx.msk [tilespmem:v37+s29+$0x0], $0xffff;
	vm5 =	vlt.s32 v13, $0x1F;
	vm14 =	vlt.s32 v14, $0x20;
	v28 =	vadd.s32 v60, v50  }
0x2e1: {  	v35 =	vadd.s32 v61, v51;
	v58 =	vadd.s32 v44, v45;
	v38 =	vadd.s32 v46, v55;
	[tilespmem:s4+$0x12030] =	vst.add.f32.msk $0xffff, v22  }
0x2e2: {  	v60 =	vsel vm2, v17, v16;
	v61 =	vsel vm3, v20, v18;
	v62 =	vsel vm4, v33, v21;
	v23 =	vld.idx.msk [tilespmem:v23+s26+$0x0], $0xffff  }
0x2e3: {  	v63 =	vsel vm6, v33, v21;
	v50 =	vsel vm13, v25, v27;
	v55 =	vadd.s32 v48, v49;
	v39 =	vld.idx.msk [tilespmem:v56+s28+$0x0], $0xffff  }
0x2e4: {  	vm2 =	vlt.s32 v8, $0x20;
	vm3 =	vlt.s32 v11, $0x20;
	vm4 =	vlt.s32 v12, $0x1F;
	v24 =	vld.idx.msk [tilespmem:v24+s13+$0x0], $0xffff  }
0x2e5: {  	vm6 =	vlt.s32 v12, $0x20;
	vm13 =	vlt.s32 v15, $0x1F;
	v11 =	vsel vm15, v20, v18;
	v14 =	vld.idx.msk [tilespmem:v57+s29+$0x0], $0xffff  }
0x2e6: {  	vm15 =	vlt.s32 v15, $0x20;
	v22 =	vsel vm0, v17, v16;
	v52 =	vadd.s32 v60, v61;
	v28 =	vld.idx.msk [tilespmem:v28+s13+$0x0], $0xffff  }
0x2e7: {  	v19 =	vadd.s32 v62, v19;
	v54 =	vadd.s32 v63, v47;
	v22 =	vadd.s32 v22, v59;
	v35 =	vld.idx.msk [tilespmem:v35+s26+$0x0], $0xffff  }
0x2e8: {  	vm0 =	vlt.s32 v8, $0x1F;
	v43 =	vadd.s32 v50, v53;
	v12 =	vsel vm2, v17, v16;
	v15 =	vld.idx.msk [tilespmem:v58+s28+$0x0], $0xffff  }
0x2e9: {  	v13 =	vsel vm3, v20, v18;
	v18 =	vsel vm5, v26, v32;
	v8 =	vsel vm0, v17, v16;
	v17 =	vld.idx.msk [tilespmem:v38+s29+$0x0], $0xffff  }
0x2ea: {  	v20 =	vsel vm6, v33, v21;
	v26 =	vsel vm7, v26, v32;
	v61 =	vadd.s32 v12, v13;
	v12 =	vld.idx.msk [tilespmem:v55+s30+$0x0], $0xffff  }
0x2eb: {  	v57 =	vsel vm12, v25, v27;
	v27 =	vsel vm14, v25, v27;
	v25 =	vadd.f32 $0.0e+00, v30;
	v59 =	vld.idx.msk [tilespmem:v52+s31+$0x0], $0xffff  }
0x2ec: {  	v16 =	vsel vm4, v33, v21;
	v60 =	vadd.s32 v8, v11;
	v56 =	vld.idx.msk [tilespmem:v22+s30+$0x0], $0xffff;
	v22 =	vadd.f32 $0.0e+00, v29  }
0x2ed: {  	v21 =	vadd.s32 v16, v18;
	v8 =	vld.idx.msk [tilespmem:v19+s30+$0x0], $0xffff;
	v63 =	vadd.f32 v37, v25;
	v23 =	vadd.f32 $0.0e+00, v23  }
0x2ee: {  	v58 =	vsel vm13, v31, v34;
	v11 =	vld.idx.msk [tilespmem:v54+s31+$0x0], $0xffff;
	v24 =	vadd.f32 $0.0e+00, v24;
	v18 =	vadd.f32 v36, v22  }
0x2ef: {  	v31 =	vsel vm15, v31, v34;
	v13 =	vld.idx.msk [tilespmem:v43+s31+$0x0], $0xffff;
	v28 =	vadd.f32 $0.0e+00, v28;
	v62 =	vadd.f32 $0.0e+00, v35  }
0x2f0: {  	v19 =	vadd.s32 v20, v26;
	v22 =	vadd.f32 v14, v23;
	v24 =	vadd.f32 v39, v24  }
0x2f1: {  	v16 =	vadd.s32 v57, v58;
	v14 =	vld.idx.msk [tilespmem:v60+s0+$0x0], $0xffff;
	v25 =	vadd.f32 v15, v28;
	v23 =	vadd.f32 v17, v62  }
0x2f2: {  	s3 =	simm.s32 $0x4;
	s5 =	simm.s32 $0x200;
	v17 =	vadd.s32 v27, v31;
	v20 =	vadd.f32 v56, v18;
	v15 =	vadd.f32 v59, v63;
	v18 =	vld.idx.msk [tilespmem:v61+s1+$0x0], $0xffff  }
.LBB2_8:
0x2f3: {  	s6 =	sshra.s32 s5, $0x2;
	v27 =	vadd.f32 v8, v24;
	v8 =	vadd.f32 v11, v22;
	v11 =	vld.idx.msk [tilespmem:v21+s0+$0x0], $0xffff  }
0x2f4: {  	v12 =	vadd.f32 v12, v25;
	v13 =	vadd.f32 v13, v23;
	v21 =	vld [tilespmem:s6+$0x17030]  }
0x2f5: {  	v7 =	vadd.f32 v7, v2;
	v9 =	vadd.f32 v9, v3;
	v22 =	vld [tilespmem:s6+$0x18030];
	v2 =	vmov v8  }
0x2f6: {  	v25 =	vadd.f32 v6, v4;
	v10 =	vadd.f32 v10, v1;
	v3 =	vmovc v12;
	v1 =	vmov v13;
	v8 =	vld [tilespmem:s6+$0x17000]  }
0x2f7: {  	v26 =	vadd.f32 v7, v5;
	v4 =	vadd.f32 v14, v20;
	v28 =	vld [tilespmem:s6+$0x13030]  }
0x2f8: {  	v24 =	vadd.f32 v10, v9;
	v6 =	vadd.f32 v18, v15;
	v7 =	vld [tilespmem:s6+$0x14030]  }
0x2f9: {  	s3 =	sadd.s32 $0x4, s3;
	v5 =	vadd.f32 v11, v27;
	v9 =	vld [tilespmem:s6+$0x15030]  }
0x2fa: {  	p0 =	slt.u32 s3, $0xFC;
	vm1 =	vlt.s32 v21, $0x1F;
	vm0 =	vlt.s32 v21, $0x20;
	v10 =	vld [tilespmem:s6+$0x16030];
	vm2 =	vlt.s32 v22, $0x1F  }
0x2fb: {  	vm4 =	vlt.s32 v21, $0x1D;
	vm5 =	vlt.s32 v22, $0x1D;
	vm3 =	vlt.s32 v22, $0x20;
	v11 =	vld [tilespmem:s6+$0x18000]  }
0x2fc: {  	vm8 =	vlt.s32 v21, $0x1B;
	vm6 =	vlt.s32 v21, $0x1E;
	vm7 =	vlt.s32 v22, $0x1E;
	v12 =	vld [tilespmem:s6+$0x17010]  }
0x2fd: {  	vm10 =	vlt.s32 v21, $0x1C;
	vm9 =	vlt.s32 v22, $0x1B;
	vm11 =	vlt.s32 v22, $0x1C;
	v13 =	vld [tilespmem:s6+$0x18010]  }
0x2fe: {  	vm12 =	vlt.s32 v21, $0x19;
	vm14 =	vlt.s32 v21, $0x1A;
	vm13 =	vlt.s32 v22, $0x19;
	v14 =	vld [tilespmem:s6+$0x17020]  }
0x2ff: {  	v20 =	vsel vm12, v7, v28;
	vm12 =	vlt.s32 v22, $0x1A;
	v15 =	vld [tilespmem:s6+$0x18020];
	v21 =	vsel vm13, v10, v9  }
0x300: {  	v22 =	vsel vm12, v10, v9;
	v18 =	vld [tilespmem:s6+$0x13000];
	v27 =	vadd.s32 v20, v21;
	v21 =	vsel vm14, v7, v28  }
0x301: {  	v23 =	vsel vm9, v10, v9;
	v20 =	vld [tilespmem:s6+$0x14000];
	v29 =	vadd.s32 v21, v22;
	v22 =	vsel vm8, v7, v28  }
0x302: {  	v31 =	vsel vm11, v10, v9;
	v21 =	vld [tilespmem:s6+$0x15000];
	v30 =	vadd.s32 v22, v23;
	v22 =	vsel vm10, v7, v28  }
0x303: {  	v32 =	vsel vm4, v7, v28;
	v33 =	vsel vm5, v10, v9;
	v23 =	vld [tilespmem:s6+$0x16000];
	v31 =	vadd.s32 v22, v31  }
0x304: {  	v34 =	vsel vm7, v10, v9;
	v32 =	vadd.s32 v32, v33;
	v33 =	vsel vm6, v7, v28;
	v22 =	vld [tilespmem:s6+$0x13010]  }
0x305: {  	v35 =	vsel vm2, v10, v9;
	v33 =	vadd.s32 v33, v34;
	v34 =	vsel vm1, v7, v28;
	v27 =	vld.idx.msk [tilespmem:v27+s13+$0x0], $0xffff  }
0x306: {  	v9 =	vsel vm3, v10, v9;
	v34 =	vadd.s32 v34, v35;
	v7 =	vsel vm0, v7, v28;
	v29 =	vld.idx.msk [tilespmem:v29+s26+$0x0], $0xffff  }
0x307: {  	vm7 =	vlt.s32 v11, $0x19;
	vm1 =	vlt.s32 v8, $0x19;
	v7 =	vadd.s32 v7, v9;
	v10 =	vld.idx.msk [tilespmem:v30+s28+$0x0], $0xffff  }
0x308: {  	vm9 =	vlt.s32 v8, $0x1A;
	vm8 =	vlt.s32 v12, $0x19;
	vm10 =	vlt.s32 v11, $0x1A;
	v9 =	vld.idx.msk [tilespmem:v31+s29+$0x0], $0xffff  }
0x309: {  	vm6 =	vlt.s32 v12, $0x1A;
	vm4 =	vlt.s32 v13, $0x19;
	vm5 =	vlt.s32 v13, $0x1A;
	v31 =	vld.idx.msk [tilespmem:v32+s30+$0x0], $0xffff  }
0x30a: {  	vm2 =	vlt.s32 v14, $0x19;
	vm3 =	vlt.s32 v14, $0x1A;
	vm0 =	vlt.s32 v15, $0x19;
	v32 =	vld.idx.msk [tilespmem:v33+s31+$0x0], $0xffff  }
0x30b: {  	v28 =	vsel vm1, v20, v18;
	vm1 =	vlt.s32 v15, $0x1A;
	v30 =	vsel vm7, v23, v21;
	v33 =	vld.idx.msk [tilespmem:v34+s0+$0x0], $0xffff  }
0x30c: {  	v35 =	vadd.f32 $0.0e+00, v27;
	v34 =	vsel vm9, v20, v18;
	v29 =	vadd.f32 $0.0e+00, v29;
	v7 =	vld.idx.msk [tilespmem:v7+s1+$0x0], $0xffff  }
0x30d: {  	vm7 =	vlt.s32 v8, $0x1B;
	v36 =	vadd.s32 v28, v30;
	v28 =	vsel vm10, v23, v21;
	v27 =	vld [tilespmem:s6+$0x14010]  }
0x30e: {  	v37 =	vadd.s32 v34, v28;
	v10 =	vadd.f32 v10, v35;
	v9 =	vadd.f32 v9, v29;
	v28 =	vld [tilespmem:s6+$0x15010]  }
0x30f: {  	vm15 =	vlt.s32 v8, $0x1C;
	vm14 =	vlt.s32 v11, $0x1B;
	vm13 =	vlt.s32 v11, $0x1C;
	v30 =	vld [tilespmem:s6+$0x16010]  }
0x310: {  	vm12 =	vlt.s32 v12, $0x1B;
	v10 =	vadd.f32 v31, v10;
	v9 =	vadd.f32 v32, v9;
	v29 =	vld [tilespmem:s6+$0x13020]  }
0x311: {  	vm11 =	vlt.s32 v13, $0x1C;
	vm10 =	vlt.s32 v12, $0x1C;
	vm9 =	vlt.s32 v13, $0x1B;
	v32 =	vld [tilespmem:s6+$0x14020]  }
0x312: {  	v10 =	vadd.f32 v33, v10;
	v7 =	vadd.f32 v7, v9;
	v38 =	vsel vm8, v27, v22;
	v31 =	vld [tilespmem:s6+$0x15020]  }
0x313: {  	v9 =	vsel vm6, v27, v22;
	vm6 =	vlt.s32 v14, $0x1B;
	vm8 =	vlt.s32 v15, $0x1B;
	v33 =	vld [tilespmem:s6+$0x16020]  }
0x314: {  	v7 =	vadd.f32 v7, v10;
	v34 =	vld.idx.msk [tilespmem:v36+s13+$0x0], $0xffff;
	v36 =	vsel vm4, v30, v28;
	v39 =	vsel vm5, v30, v28  }
0x315: {  	vm4 =	vlt.s32 v14, $0x1C;
	v35 =	vld.idx.msk [tilespmem:v37+s26+$0x0], $0xffff;
	v36 =	vadd.s32 v38, v36;
	v37 =	vadd.s32 v9, v39  }
0x316: {  	v10 =	vsel vm2, v32, v29;
	v38 =	vsel vm3, v32, v29;
	vm2 =	vlt.s32 v15, $0x1C;
	[tilespmem:s6+$0x12030] =	vst.add.f32.msk $0xffff, v7  }
0x317: {  	v41 =	vsel vm15, v20, v18;
	v40 =	vsel vm14, v23, v21;
	v39 =	vsel vm7, v20, v18;
	v7 =	vld.idx.msk [tilespmem:v19+s1+$0x0], $0xffff  }
0x318: {  	v19 =	vsel vm13, v23, v21;
	v42 =	vsel vm0, v33, v31;
	v43 =	vsel vm1, v33, v31;
	v9 =	vld.idx.msk [tilespmem:v16+s0+$0x0], $0xffff  }
0x319: {  	v16 =	vsel vm12, v27, v22;
	v42 =	vadd.s32 v10, v42;
	v38 =	vadd.s32 v38, v43;
	v10 =	vld.idx.msk [tilespmem:v17+s1+$0x0], $0xffff  }
0x31a: {  	v44 =	vsel vm11, v30, v28;
	v43 =	vsel vm10, v27, v22;
	v17 =	vld.idx.msk [tilespmem:v36+s13+$0x0], $0xffff;
	v36 =	vsel vm9, v30, v28  }
0x31b: {  	v45 =	vsel vm6, v32, v29;
	v47 =	vsel vm4, v32, v29;
	v46 =	vsel vm8, v33, v31;
	v37 =	vld.idx.msk [tilespmem:v37+s26+$0x0], $0xffff  }
0x31c: {  	v39 =	vadd.s32 v39, v40;
	v19 =	vadd.s32 v41, v19;
	v40 =	vsel vm2, v33, v31;
	[tilespmem:s14+$0x12000] =	vst.add.f32.msk $0xffff, v25  }
0x31d: {  	v16 =	vadd.s32 v16, v36;
	v36 =	vadd.s32 v45, v46;
	v25 =	vadd.s32 v43, v44;
	[tilespmem:s14+$0x12010] =	vst.add.f32.msk $0xffff, v26  }
0x31e: {  	vm0 =	vlt.s32 v8, $0x1D;
	vm1 =	vlt.s32 v11, $0x1D;
	v40 =	vadd.s32 v47, v40;
	v26 =	vld.idx.msk [tilespmem:v42+s13+$0x0], $0xffff  }
0x31f: {  	vm3 =	vlt.s32 v11, $0x1E;
	vm4 =	vlt.s32 v12, $0x1D;
	vm2 =	vlt.s32 v8, $0x1E;
	v38 =	vld.idx.msk [tilespmem:v38+s26+$0x0], $0xffff  }
0x320: {  	vm5 =	vlt.s32 v13, $0x1D;
	vm7 =	vlt.s32 v13, $0x1E;
	vm6 =	vlt.s32 v12, $0x1E;
	[tilespmem:s14+$0x12020] =	vst.add.f32.msk $0xffff, v24;
	s14 =	smov.u32 s4;
	s4 =	smov.u32 s6  }
0x321: {  	vm8 =	vlt.s32 v14, $0x1D;
	vm10 =	vlt.s32 v14, $0x1E;
	vm9 =	vlt.s32 v15, $0x1D;
	v24 =	vld.idx.msk [tilespmem:v39+s28+$0x0], $0xffff  }
0x322: {  	v41 =	vsel vm1, v23, v21;
	v39 =	vld.idx.msk [tilespmem:v19+s29+$0x0], $0xffff;
	v19 =	vsel vm0, v20, v18;
	vm0 =	vlt.s32 v15, $0x1E  }
0x323: {  	v43 =	vsel vm3, v23, v21;
	v42 =	vsel vm2, v20, v18;
	v44 =	vld.idx.msk [tilespmem:v16+s28+$0x0], $0xffff;
	v16 =	vsel vm4, v27, v22  }
0x324: {  	v47 =	vsel vm7, v30, v28;
	v45 =	vsel vm5, v30, v28;
	v46 =	vsel vm6, v27, v22;
	v25 =	vld.idx.msk [tilespmem:v25+s29+$0x0], $0xffff  }
0x325: {  	v48 =	vsel vm8, v32, v29;
	v50 =	vsel vm10, v32, v29;
	v49 =	vsel vm9, v33, v31;
	v36 =	vld.idx.msk [tilespmem:v36+s28+$0x0], $0xffff  }
0x326: {  	v19 =	vadd.s32 v19, v41;
	v41 =	vadd.s32 v42, v43;
	v42 =	vsel vm0, v33, v31;
	v40 =	vld.idx.msk [tilespmem:v40+s29+$0x0], $0xffff  }
0x327: {  	v43 =	vadd.s32 v46, v47;
	v16 =	vadd.s32 v16, v45;
	v45 =	vadd.s32 v48, v49  }
0x328: {  	vm1 =	vlt.s32 v11, $0x1F;
	vm0 =	vlt.s32 v8, $0x1F;
	v42 =	vadd.s32 v50, v42  }
0x329: {  	vm3 =	vlt.s32 v11, $0x20;
	vm2 =	vlt.s32 v8, $0x20;
	vm4 =	vlt.s32 v12, $0x1F  }
0x32a: {  	vm7 =	vlt.s32 v13, $0x20;
	vm5 =	vlt.s32 v13, $0x1F;
	vm6 =	vlt.s32 v12, $0x20  }
0x32b: {  	vm8 =	vlt.s32 v14, $0x1F;
	vm10 =	vlt.s32 v14, $0x20;
	vm9 =	vlt.s32 v15, $0x1F;
	v46 =	vld.idx.msk [tilespmem:v19+s30+$0x0], $0xffff  }
0x32c: {  	v14 =	vsel vm0, v20, v18;
	vm0 =	vlt.s32 v15, $0x20;
	v19 =	vsel vm1, v23, v21;
	v41 =	vld.idx.msk [tilespmem:v41+s31+$0x0], $0xffff  }
0x32d: {  	v15 =	vsel vm2, v20, v18;
	v18 =	vsel vm3, v23, v21;
	v8 =	vld.idx.msk [tilespmem:v16+s30+$0x0], $0xffff;
	v16 =	vsel vm4, v27, v22  }
0x32e: {  	v20 =	vsel vm5, v30, v28;
	v23 =	vsel vm7, v30, v28;
	v22 =	vsel vm6, v27, v22;
	v11 =	vld.idx.msk [tilespmem:v43+s31+$0x0], $0xffff  }
0x32f: {  	v28 =	vsel vm9, v33, v31;
	v27 =	vsel vm8, v32, v29;
	v29 =	vsel vm10, v32, v29;
	v12 =	vld.idx.msk [tilespmem:v45+s30+$0x0], $0xffff  }
0x330: {  	v30 =	vadd.f32 $0.0e+00, v34;
	v31 =	vsel vm0, v33, v31;
	v32 =	vadd.f32 $0.0e+00, v35;
	v13 =	vld.idx.msk [tilespmem:v42+s31+$0x0], $0xffff  }
0x331: {  	v33 =	vadd.f32 $0.0e+00, v17;
	v34 =	vadd.f32 $0.0e+00, v37;
	v14 =	vadd.s32 v14, v19  }
0x332: {  	v18 =	vadd.s32 v15, v18;
	v15 =	vadd.f32 $0.0e+00, v26;
	v26 =	vadd.f32 $0.0e+00, v38  }
.Ltmp3:
0x333: {  	v21 =	vadd.s32 v16, v20;
	v19 =	vadd.s32 v22, v23;
	v16 =	vadd.s32 v27, v28;
	(pc) =	sbr.rel @p0 .LBB2_8-.Ltmp3, $4  }
0x334: {  	v20 =	vadd.f32 v24, v30;
	v17 =	vadd.s32 v29, v31;
	v27 =	vadd.f32 v39, v32  }
0x335: {  	v24 =	vadd.f32 v44, v33;
	v22 =	vadd.f32 v25, v34  }
0x336: {  	v25 =	vadd.f32 v36, v15;
	v23 =	vadd.f32 v40, v26;
	v14 =	vld.idx.msk [tilespmem:v14+s0+$0x0], $0xffff  }
0x337: {  	s5 =	sadd.s32 $0x100, s5;
	v20 =	vadd.f32 v46, v20;
	v15 =	vadd.f32 v41, v27;
	v18 =	vld.idx.msk [tilespmem:v18+s1+$0x0], $0xffff  }
0x338: {  	_ =	sdelay $0x3  }
0x339: {  	v8 =	vadd.f32 v8, v24;
	v21 =	vld.idx.msk [tilespmem:v21+s0+$0x0], $0xffff  }
0x33a: {  	v11 =	vadd.f32 v11, v22;
	v12 =	vadd.f32 v12, v25;
	v19 =	vld.idx.msk [tilespmem:v19+s1+$0x0], $0xffff  }
0x33b: {  	v13 =	vadd.f32 v13, v23;
	v2 =	vadd.f32 v7, v2;
	v58 =	vld.idx.msk [tilespmem:v16+s0+$0x0], $0xffff  }
0x33c: {  	v3 =	vadd.f32 v9, v3;
	v59 =	vld.idx.msk [tilespmem:v17+s1+$0x0], $0xffff;
	v1 =	vadd.f32 v10, v1  }
0x33d: {  	v4 =	vadd.f32 v6, v4;
	v2 =	vadd.f32 v2, v5  }
0x33e: {  	v1 =	vadd.f32 v1, v3;
	v60 =	vadd.f32 v14, v20  }
0x33f: {  	v61 =	vadd.f32 v18, v15;
	v3 =	vadd.f32 v21, v8  }
0x340: {  	[tilespmem:s14+$0x12000] =	vst.add.f32.msk $0xffff, v4;
	v62 =	vadd.f32 v19, v11;
	v7 =	vadd.f32 v58, v12  }
0x341: {  	[tilespmem:s14+$0x12010] =	vst.add.f32.msk $0xffff, v2;
	v63 =	vadd.f32 v59, v13;
	v2 =	vadd.f32 v61, v60  }
0x342: {  	[tilespmem:s14+$0x12020] =	vst.add.f32.msk $0xffff, v1;
	v1 =	vadd.f32 v62, v3  }
0x343: {  	v3 =	vadd.f32 v63, v7;
	[tilespmem:s4+$0x12000] =	vst.add.f32.msk $0xffff, v2  }
0x344: {  	[tilespmem:s4+$0x12010] =	vst.add.f32.msk $0xffff, v1  }
0x345: {  	[tilespmem:s4+$0x12020] =	vst.add.f32.msk $0xffff, v3  }
0x346: {  	s11 =	simm.s32 $0x12000;
	s3 =	rddreg [dreg:$0xa]  }
0x347: {  	[hbm4b:s3+s2] =	stream.linear.scatter [tilespmem:s11], [sflag:$0x3], $0x1000, $0x38;
	[tilespmem:$0x19000] =	vst v63  }
0x348: {  	_ =	swait.ge [sflag:s15], $0x1000  }
0x349: {  	s16 =	sadd.s32 $0x1, s16;
	s14 =	rddreg [dreg:$0xb]  }
0x34a: {  	p0 =	sne.s32 s16, s14  }
.Ltmp4:
0x34b: {  	_ = 	snop;
	(pc) =	sbr.rel @p0 .LBB2_1-.Ltmp4, $3  }
0x34c: {  	_ =	sdelay $0x1  }
0x34d: {  	[sflag:s15] =	ssyncset.done $0x0  }
0x34e: {  	[sflag:s15] =	ssyncadd.s32 $0xFFFFF000  }
0x34f: {  	_ =	sfence.sel $0x180000  }
0x350: {  	[bflag:$0x0] =	sbarrier.arrive $0xFFFF  }
0x351: {  	_ =	strace $0x90000047  }
0x352: {  	s0 =	stileid.u32;
	[bflag:$0x2] =	sbarrier.arrive $0xFFFF  }
0x353: {  	p0 =	sne.s32 s0, $0x0;
	s0 =	rddreg [dreg:$0x3]  }
0x354: {  	s0 =	sadd.s32 @!p0 $0x100000, s0  }
0x355: {  	[sflag:s0] =	ssyncadd.tile.s32 @!p0 $0x1;
	_ =	shalt  }
.Lfunc_end2:
_tile_overlayer_lowered:
.L_overlay_start_2:
0x356: {  	(tag) =	ssettag $0x2  }
0x357: {  	s0 =	rddreg [dreg:$0x0];
	s2 =	stileid.u32  }
0x358: {  	s1 =	rddreg [dreg:$0x1];
	p0 =	sne.s32 s2, $0x0  }
0x359: {  	s3 =	rddreg [dreg:$0x2];
	[bflag:$0x3] =	sbarrier.arrive $0xFFFF;
	s2 =	simm.s32 @!p0 $0x1C03  }
0x35a: {  	[timem:s3], [sflag:s2] =	dma.local @!p0 [hbm:s0], s1  }
0x35b: {  	s0 =	simm.s32 @!p0 $0x3  }
0x35c: {  	_ =	swait.ge @!p0 [sflag:s0], s1  }
0x35d: {  	s1 =	ssub.s32 @!p0 $0x0, s1;
	[sflag:s0] =	ssyncset.done @!p0 $0x0  }
0x35e: {  	[sflag:s0] =	ssyncadd.s32 @!p0 s1  }
0x35f: {  	[bflag:$0x3] =	sbarrier.arrive $0xFFFF  }
0x360: {  	_ =	shalt  }

</sc_bundles>
